<compile_context>
chip_gen: v7x
topology: tpu7x:2x2x1
jax: 0.10.2.dev20260603
libtpu: 0.0.44.dev20260713+nightly
codegen_flags: <defaults>
</compile_context>

<pallas_src>
import functools

import jax
import jax.numpy as jnp
from jax import lax
from jax.experimental import pallas as pl
from jax.experimental.pallas import tpu as pltpu
from jax.experimental.pallas import tpu_sc as plsc

VOCAB = 100000
EMB_IN = 2048
EMB_OUT = 1024
BATCH = 16384

NUM_CORES = 2
NUM_SUBCORES = 16
NUM_WORKERS = NUM_CORES * NUM_SUBCORES
CHUNK = 16
PIPE_SIZES = (8192, 8192)


def _make_sc_body(b_per_w, n_chunks):
    def _sc_gather_body(table_hbm, idx_hbm, out_hbm, idx_v, buf0, buf1,
                        sem0, sem1):
        wid = lax.axis_index("s") * NUM_CORES + lax.axis_index("c")
        base = pl.multiple_of(wid * b_per_w, 8)
        pltpu.sync_copy(idx_hbm.at[pl.ds(base, b_per_w)], idx_v)
        bufs = (buf0, buf1)
        sems = (sem0, sem1)

        def start(c):
            return pltpu.async_copy(
                table_hbm.at[idx_v.at[pl.ds(c * CHUNK, CHUNK)]],
                bufs[c % 2],
                sems[c % 2],
            )

        pending = start(0)
        for c in range(n_chunks):
            pending.wait()
            if c + 1 < n_chunks:
                pending = start(c + 1)
            pltpu.sync_copy(
                bufs[c % 2], out_hbm.at[pl.ds(base + c * CHUNK, CHUNK)]
            )

    return _sc_gather_body


@functools.lru_cache(maxsize=None)
def _sc_gather(rows):
    b_per_w = rows // NUM_WORKERS
    n_chunks = b_per_w // CHUNK
    return pl.kernel(
        _make_sc_body(b_per_w, n_chunks),
        mesh=plsc.VectorSubcoreMesh(core_axis_name="c", subcore_axis_name="s"),
        out_type=jax.ShapeDtypeStruct((rows, EMB_IN), jnp.float32),
        scratch_types=[
            pltpu.VMEM((b_per_w,), jnp.int32),
            pltpu.VMEM((CHUNK, EMB_IN), jnp.float32),
            pltpu.VMEM((CHUNK, EMB_IN), jnp.float32),
            pltpu.SemaphoreType.DMA,
            pltpu.SemaphoreType.DMA,
        ],
    )


BM = 1024


def _mm_body(emb_ref, w_ref, b_ref, out_ref):
    h = jnp.tanh(emb_ref[...]).astype(jnp.bfloat16)
    wb = w_ref[...].astype(jnp.bfloat16)
    out_ref[...] = (
        jnp.dot(h, wb, preferred_element_type=jnp.float32) + b_ref[...]
    )


def _mm_body_alias(emb_ref, w_ref, b_ref, prev_ref, out_ref):
    del prev_ref
    _mm_body(emb_ref, w_ref, b_ref, out_ref)


def _tc_matmul_slice(emb, w, b2d, prev, row_base):
    blocks_per_call = emb.shape[0] // BM
    base = row_base // BM
    out_shape = jax.ShapeDtypeStruct((BATCH, EMB_OUT), jnp.float32)
    common_specs = [
        pl.BlockSpec((BM, EMB_IN), lambda i: (i, 0)),
        pl.BlockSpec((EMB_IN, EMB_OUT), lambda i: (0, 0)),
        pl.BlockSpec((1, EMB_OUT), lambda i: (0, 0)),
    ]
    out_spec = pl.BlockSpec((BM, EMB_OUT), lambda i: (base + i, 0))
    if prev is None:
        return pl.pallas_call(
            _mm_body,
            grid=(blocks_per_call,),
            in_specs=common_specs,
            out_specs=out_spec,
            out_shape=out_shape,
        )(emb, w, b2d)
    return pl.pallas_call(
        _mm_body_alias,
        grid=(blocks_per_call,),
        in_specs=common_specs + [pl.BlockSpec(memory_space=pl.ANY)],
        out_specs=out_spec,
        out_shape=out_shape,
        input_output_aliases={3: 0},
    )(emb, w, b2d, prev)


def kernel(attr, table, W, b):
    idx = attr.reshape(-1)
    b2d = b.reshape(1, EMB_OUT)
    bases = []
    embs = []
    off = 0
    for rows in PIPE_SIZES:
        idx_k = lax.slice(idx, (off,), (off + rows,))
        embs.append(_sc_gather(rows)(table, idx_k))
        bases.append(off)
        off += rows
    out = None
    for emb_k, row_base in zip(embs, bases):
        out = _tc_matmul_slice(emb_k, W, b2d, out, row_base)
    return out

# --- scband reference (transcript-rebuilt; emitter-appended) ---
"""Pipeline reference for scband-attr-embedding-network-62208306315893 (READ-ONLY COPY).

The authoritative reference and input builder live on the scoring server;
editing this copy changes nothing except your own understanding.
"""

import jax, jax.numpy as jnp
import numpy as np

VOCAB = 100000
EMB_IN = 2048
EMB_OUT = 1024
BATCH = 16384

def setup_inputs(seed: int = 0) -> dict:
    key = jax.random.key(seed)
    k1, k2, k3, k4 = jax.random.split(key, 4)
    attr = jax.random.randint(k1, (BATCH, 1), 0, VOCAB, dtype=jnp.int64 if jax.config.read('jax_enable_x64') else jnp.int32).astype(jnp.int32)
    table = jax.random.normal(k2, (VOCAB, EMB_IN), dtype=jnp.float32)
    W = jax.random.normal(k3, (EMB_IN, EMB_OUT), dtype=jnp.float32) * (1.0 / np.sqrt(EMB_IN))
    b = jax.random.normal(k4, (EMB_OUT,), dtype=jnp.float32) * 0.01
    return {"attr": attr, "table": table, "W": W, "b": b}

def reference(attr, table, W, b):
    # nn.Embedding lookup: gather rows of the table
    emb = jnp.take(table, attr, axis=0)           # [B, 1, 2048]
    emb = jnp.squeeze(emb, axis=1)                # [B, 2048]  (squeeze(dim=1))
    h = jnp.tanh(emb)                             # F.tanh
    out = h @ W + b                               # nn.Linear(2048, 1024)
    return out

if __name__ == "__main__":
    import jax
    _d = setup_inputs()
    print(jax.jit(kernel)(*tuple(_d.values())))

</pallas_src>

<mosaic_0001>
#map = affine_map<(d0, d1) -> (0, 0)>
#map1 = affine_map<(d0, d1) -> (0)>
module attributes {stable_mosaic.version = 14 : i64} {
  func.func @_sc_gather_body(%arg0: i32, %arg1: i32, %arg2: memref<100000x2048xf32, #tpu.memory_space<hbm>>, %arg3: memref<8192xi32, #tpu.memory_space<hbm>>, %arg4: memref<8192x2048xf32, #tpu.memory_space<hbm>>, %arg5: memref<256xi32, #tpu.memory_space<vmem>>, %arg6: memref<16x2048xf32, #tpu.memory_space<vmem>>, %arg7: memref<16x2048xf32, #tpu.memory_space<vmem>>, %arg8: memref<!tpu.dma_semaphore, #tpu.memory_space<semaphore_mem>>, %arg9: memref<!tpu.dma_semaphore, #tpu.memory_space<semaphore_mem>>) attributes {dimension_semantics = [#tpu.dimension_semantics<core_parallel>, #tpu.dimension_semantics<subcore_parallel>], iteration_bounds = array<i64: 2, 16>, scalar_prefetch = 0 : i64, scratch_operands = 5 : i64, tpu.core_type = #tpu.core_type<sc_vector_subcore>, window_params = [{transform_indices = #map}, {transform_indices = #map1}, {transform_indices = #map}]} {
    %mul3A = arith.constant 2 : i32
    %mul3A_0 = arith.muli %arg1, %mul3A : i32
    %add3A = arith.addi %mul3A_0, %arg0 : i32
    %mul3A_1 = arith.constant 256 : i32
    %mul3A_2 = arith.muli %add3A, %mul3A_1 : i32
    %multiple_of3A = tpu.assume_multiple %mul3A_2, 8 : i32
    "tpu.region"() ({
      %run_scoped3A = tpu.sem_alloc : memref<!tpu.dma_semaphore, #tpu.memory_space<semaphore_mem>>
      %dma_start3A_193 = tpu.memref_slice %arg3[%multiple_of3A] : memref<8192xi32, #tpu.memory_space<hbm>> -> memref<256xi32, #tpu.memory_space<hbm>>
      %dma_start3A_194 = tpu.memref_slice %arg3[%multiple_of3A] : memref<8192xi32, #tpu.memory_space<hbm>> -> memref<256xi32, #tpu.memory_space<hbm>>
      tpu.enqueue_dma source(%dma_start3A_194 : memref<256xi32, #tpu.memory_space<hbm>>) target(%arg5 : memref<256xi32, #tpu.memory_space<vmem>>) target_semaphore(%run_scoped3A : memref<!tpu.dma_semaphore, #tpu.memory_space<semaphore_mem>>)
      %dma_wait3A_195 = tpu.memref_slice %arg3[%multiple_of3A] : memref<8192xi32, #tpu.memory_space<hbm>> -> memref<256xi32, #tpu.memory_space<hbm>>
      %dma_wait3A_196 = tpu.memref_slice %arg3[%multiple_of3A] : memref<8192xi32, #tpu.memory_space<hbm>> -> memref<256xi32, #tpu.memory_space<hbm>>
      tpu.wait_dma2 semaphore(%run_scoped3A : memref<!tpu.dma_semaphore, #tpu.memory_space<semaphore_mem>>) src(%dma_wait3A_196 : memref<256xi32, #tpu.memory_space<hbm>>) dst(%arg5 : memref<256xi32, #tpu.memory_space<vmem>>)
      tpu.yield
    }) : () -> ()
    %dma_start3A = arith.constant 0 : i32
    %dma_start3A_3 = tpu.memref_slice %arg5[%dma_start3A] : memref<256xi32, #tpu.memory_space<vmem>> -> memref<16xi32, #tpu.memory_space<vmem>>
    %dma_start3A_4 = arith.constant 0 : i32
    %dma_start3A_5 = arith.constant 0 : i32
    %dma_start3A_6 = tpu.memref_slice %arg2[%dma_start3A_4, %dma_start3A_5] : memref<100000x2048xf32, #tpu.memory_space<hbm>> -> memref<100000x2048xf32, #tpu.memory_space<hbm>>
    tpu.enqueue_indirect_dma source(%dma_start3A_6 : memref<100000x2048xf32, #tpu.memory_space<hbm>>) target(%arg6 : memref<16x2048xf32, #tpu.memory_space<vmem>>) offsets(%dma_start3A_3 : memref<16xi32, #tpu.memory_space<vmem>>) semaphore(%arg8 : memref<!tpu.dma_semaphore, #tpu.memory_space<semaphore_mem>>)
    %dma_wait3A = arith.constant 0 : i32
    %dma_wait3A_7 = tpu.memref_slice %arg5[%dma_wait3A] : memref<256xi32, #tpu.memory_space<vmem>> -> memref<16xi32, #tpu.memory_space<vmem>>
    %dma_wait3A_8 = arith.constant 0 : i32
    %dma_wait3A_9 = arith.constant 0 : i32
    %dma_wait3A_10 = tpu.memref_slice %arg2[%dma_wait3A_8, %dma_wait3A_9] : memref<100000x2048xf32, #tpu.memory_space<hbm>> -> memref<100000x2048xf32, #tpu.memory_space<hbm>>
    tpu.wait_indirect_dma semaphore(%arg8 : memref<!tpu.dma_semaphore, #tpu.memory_space<semaphore_mem>>) src(%dma_wait3A_10 : memref<100000x2048xf32, #tpu.memory_space<hbm>>) dst(%arg6 : memref<16x2048xf32, #tpu.memory_space<vmem>>)
    %dma_start3A_11 = arith.constant 16 : i32
    %dma_start3A_12 = tpu.memref_slice %arg5[%dma_start3A_11] : memref<256xi32, #tpu.memory_space<vmem>> -> memref<16xi32, #tpu.memory_space<vmem>>
    %dma_start3A_13 = arith.constant 0 : i32
    %dma_start3A_14 = arith.constant 0 : i32
    %dma_start3A_15 = tpu.memref_slice %arg2[%dma_start3A_13, %dma_start3A_14] : memref<100000x2048xf32, #tpu.memory_space<hbm>> -> memref<100000x2048xf32, #tpu.memory_space<hbm>>
    tpu.enqueue_indirect_dma source(%dma_start3A_15 : memref<100000x2048xf32, #tpu.memory_space<hbm>>) target(%arg7 : memref<16x2048xf32, #tpu.memory_space<vmem>>) offsets(%dma_start3A_12 : memref<16xi32, #tpu.memory_space<vmem>>) semaphore(%arg9 : memref<!tpu.dma_semaphore, #tpu.memory_space<semaphore_mem>>)
    %add3A_16 = arith.constant 0 : i32
    %add3A_17 = arith.addi %multiple_of3A, %add3A_16 : i32
    "tpu.region"() ({
      %run_scoped3A = tpu.sem_alloc : memref<!tpu.dma_semaphore, #tpu.memory_space<semaphore_mem>>
      %dma_start3A_193 = arith.constant 0 : i32
      %dma_start3A_194 = tpu.memref_slice %arg4[%add3A_17, %dma_start3A_193] : memref<8192x2048xf32, #tpu.memory_space<hbm>> -> memref<16x2048xf32, #tpu.memory_space<hbm>>
      %dma_start3A_195 = arith.constant 0 : i32
      %dma_start3A_196 = tpu.memref_slice %arg4[%add3A_17, %dma_start3A_195] : memref<8192x2048xf32, #tpu.memory_space<hbm>> -> memref<16x2048xf32, #tpu.memory_space<hbm>>
      tpu.enqueue_dma source(%arg6 : memref<16x2048xf32, #tpu.memory_space<vmem>>) target(%dma_start3A_196 : memref<16x2048xf32, #tpu.memory_space<hbm>>) target_semaphore(%run_scoped3A : memref<!tpu.dma_semaphore, #tpu.memory_space<semaphore_mem>>)
      %dma_wait3A_197 = arith.constant 0 : i32
      %dma_wait3A_198 = tpu.memref_slice %arg4[%add3A_17, %dma_wait3A_197] : memref<8192x2048xf32, #tpu.memory_space<hbm>> -> memref<16x2048xf32, #tpu.memory_space<hbm>>
      %dma_wait3A_199 = arith.constant 0 : i32
      %dma_wait3A_200 = tpu.memref_slice %arg4[%add3A_17, %dma_wait3A_199] : memref<8192x2048xf32, #tpu.memory_space<hbm>> -> memref<16x2048xf32, #tpu.memory_space<hbm>>
      tpu.wait_dma2 semaphore(%run_scoped3A : memref<!tpu.dma_semaphore, #tpu.memory_space<semaphore_mem>>) src(%arg6 : memref<16x2048xf32, #tpu.memory_space<vmem>>) dst(%dma_wait3A_200 : memref<16x2048xf32, #tpu.memory_space<hbm>>)
      tpu.yield
    }) : () -> ()
    %dma_wait3A_18 = arith.constant 16 : i32
    %dma_wait3A_19 = tpu.memref_slice %arg5[%dma_wait3A_18] : memref<256xi32, #tpu.memory_space<vmem>> -> memref<16xi32, #tpu.memory_space<vmem>>
    %dma_wait3A_20 = arith.constant 0 : i32
    %dma_wait3A_21 = arith.constant 0 : i32
    %dma_wait3A_22 = tpu.memref_slice %arg2[%dma_wait3A_20, %dma_wait3A_21] : memref<100000x2048xf32, #tpu.memory_space<hbm>> -> memref<100000x2048xf32, #tpu.memory_space<hbm>>
    tpu.wait_indirect_dma semaphore(%arg9 : memref<!tpu.dma_semaphore, #tpu.memory_space<semaphore_mem>>) src(%dma_wait3A_22 : memref<100000x2048xf32, #tpu.memory_space<hbm>>) dst(%arg7 : memref<16x2048xf32, #tpu.memory_space<vmem>>)
    %dma_start3A_23 = arith.constant 32 : i32
    %dma_start3A_24 = tpu.memref_slice %arg5[%dma_start3A_23] : memref<256xi32, #tpu.memory_space<vmem>> -> memref<16xi32, #tpu.memory_space<vmem>>
    %dma_start3A_25 = arith.constant 0 : i32
    %dma_start3A_26 = arith.constant 0 : i32
    %dma_start3A_27 = tpu.memref_slice %arg2[%dma_start3A_25, %dma_start3A_26] : memref<100000x2048xf32, #tpu.memory_space<hbm>> -> memref<100000x2048xf32, #tpu.memory_space<hbm>>
    tpu.enqueue_indirect_dma source(%dma_start3A_27 : memref<100000x2048xf32, #tpu.memory_space<hbm>>) target(%arg6 : memref<16x2048xf32, #tpu.memory_space<vmem>>) offsets(%dma_start3A_24 : memref<16xi32, #tpu.memory_space<vmem>>) semaphore(%arg8 : memref<!tpu.dma_semaphore, #tpu.memory_space<semaphore_mem>>)
    %add3A_28 = arith.constant 16 : i32
    %add3A_29 = arith.addi %multiple_of3A, %add3A_28 : i32
    "tpu.region"() ({
      %run_scoped3A = tpu.sem_alloc : memref<!tpu.dma_semaphore, #tpu.memory_space<semaphore_mem>>
      %dma_start3A_193 = arith.constant 0 : i32
      %dma_start3A_194 = tpu.memref_slice %arg4[%add3A_29, %dma_start3A_193] : memref<8192x2048xf32, #tpu.memory_space<hbm>> -> memref<16x2048xf32, #tpu.memory_space<hbm>>
      %dma_start3A_195 = arith.constant 0 : i32
      %dma_start3A_196 = tpu.memref_slice %arg4[%add3A_29, %dma_start3A_195] : memref<8192x2048xf32, #tpu.memory_space<hbm>> -> memref<16x2048xf32, #tpu.memory_space<hbm>>
      tpu.enqueue_dma source(%arg7 : memref<16x2048xf32, #tpu.memory_space<vmem>>) target(%dma_start3A_196 : memref<16x2048xf32, #tpu.memory_space<hbm>>) target_semaphore(%run_scoped3A : memref<!tpu.dma_semaphore, #tpu.memory_space<semaphore_mem>>)
      %dma_wait3A_197 = arith.constant 0 : i32
      %dma_wait3A_198 = tpu.memref_slice %arg4[%add3A_29, %dma_wait3A_197] : memref<8192x2048xf32, #tpu.memory_space<hbm>> -> memref<16x2048xf32, #tpu.memory_space<hbm>>
      %dma_wait3A_199 = arith.constant 0 : i32
      %dma_wait3A_200 = tpu.memref_slice %arg4[%add3A_29, %dma_wait3A_199] : memref<8192x2048xf32, #tpu.memory_space<hbm>> -> memref<16x2048xf32, #tpu.memory_space<hbm>>
      tpu.wait_dma2 semaphore(%run_scoped3A : memref<!tpu.dma_semaphore, #tpu.memory_space<semaphore_mem>>) src(%arg7 : memref<16x2048xf32, #tpu.memory_space<vmem>>) dst(%dma_wait3A_200 : memref<16x2048xf32, #tpu.memory_space<hbm>>)
      tpu.yield
    }) : () -> ()
    %dma_wait3A_30 = arith.constant 32 : i32
    %dma_wait3A_31 = tpu.memref_slice %arg5[%dma_wait3A_30] : memref<256xi32, #tpu.memory_space<vmem>> -> memref<16xi32, #tpu.memory_space<vmem>>
    %dma_wait3A_32 = arith.constant 0 : i32
    %dma_wait3A_33 = arith.constant 0 : i32
    %dma_wait3A_34 = tpu.memref_slice %arg2[%dma_wait3A_32, %dma_wait3A_33] : memref<100000x2048xf32, #tpu.memory_space<hbm>> -> memref<100000x2048xf32, #tpu.memory_space<hbm>>
    tpu.wait_indirect_dma semaphore(%arg8 : memref<!tpu.dma_semaphore, #tpu.memory_space<semaphore_mem>>) src(%dma_wait3A_34 : memref<100000x2048xf32, #tpu.memory_space<hbm>>) dst(%arg6 : memref<16x2048xf32, #tpu.memory_space<vmem>>)
    %dma_start3A_35 = arith.constant 48 : i32
    %dma_start3A_36 = tpu.memref_slice %arg5[%dma_start3A_35] : memref<256xi32, #tpu.memory_space<vmem>> -> memref<16xi32, #tpu.memory_space<vmem>>
    %dma_start3A_37 = arith.constant 0 : i32
    %dma_start3A_38 = arith.constant 0 : i32
    %dma_start3A_39 = tpu.memref_slice %arg2[%dma_start3A_37, %dma_start3A_38] : memref<100000x2048xf32, #tpu.memory_space<hbm>> -> memref<100000x2048xf32, #tpu.memory_space<hbm>>
    tpu.enqueue_indirect_dma source(%dma_start3A_39 : memref<100000x2048xf32, #tpu.memory_space<hbm>>) target(%arg7 : memref<16x2048xf32, #tpu.memory_space<vmem>>) offsets(%dma_start3A_36 : memref<16xi32, #tpu.memory_space<vmem>>) semaphore(%arg9 : memref<!tpu.dma_semaphore, #tpu.memory_space<semaphore_mem>>)
    %add3A_40 = arith.constant 32 : i32
    %add3A_41 = arith.addi %multiple_of3A, %add3A_40 : i32
    "tpu.region"() ({
      %run_scoped3A = tpu.sem_alloc : memref<!tpu.dma_semaphore, #tpu.memory_space<semaphore_mem>>
      %dma_start3A_193 = arith.constant 0 : i32
      %dma_start3A_194 = tpu.memref_slice %arg4[%add3A_41, %dma_start3A_193] : memref<8192x2048xf32, #tpu.memory_space<hbm>> -> memref<16x2048xf32, #tpu.memory_space<hbm>>
      %dma_start3A_195 = arith.constant 0 : i32
      %dma_start3A_196 = tpu.memref_slice %arg4[%add3A_41, %dma_start3A_195] : memref<8192x2048xf32, #tpu.memory_space<hbm>> -> memref<16x2048xf32, #tpu.memory_space<hbm>>
      tpu.enqueue_dma source(%arg6 : memref<16x2048xf32, #tpu.memory_space<vmem>>) target(%dma_start3A_196 : memref<16x2048xf32, #tpu.memory_space<hbm>>) target_semaphore(%run_scoped3A : memref<!tpu.dma_semaphore, #tpu.memory_space<semaphore_mem>>)
      %dma_wait3A_197 = arith.constant 0 : i32
      %dma_wait3A_198 = tpu.memref_slice %arg4[%add3A_41, %dma_wait3A_197] : memref<8192x2048xf32, #tpu.memory_space<hbm>> -> memref<16x2048xf32, #tpu.memory_space<hbm>>
      %dma_wait3A_199 = arith.constant 0 : i32
      %dma_wait3A_200 = tpu.memref_slice %arg4[%add3A_41, %dma_wait3A_199] : memref<8192x2048xf32, #tpu.memory_space<hbm>> -> memref<16x2048xf32, #tpu.memory_space<hbm>>
      tpu.wait_dma2 semaphore(%run_scoped3A : memref<!tpu.dma_semaphore, #tpu.memory_space<semaphore_mem>>) src(%arg6 : memref<16x2048xf32, #tpu.memory_space<vmem>>) dst(%dma_wait3A_200 : memref<16x2048xf32, #tpu.memory_space<hbm>>)
      tpu.yield
    }) : () -> ()
    %dma_wait3A_42 = arith.constant 48 : i32
    %dma_wait3A_43 = tpu.memref_slice %arg5[%dma_wait3A_42] : memref<256xi32, #tpu.memory_space<vmem>> -> memref<16xi32, #tpu.memory_space<vmem>>
    %dma_wait3A_44 = arith.constant 0 : i32
    %dma_wait3A_45 = arith.constant 0 : i32
    %dma_wait3A_46 = tpu.memref_slice %arg2[%dma_wait3A_44, %dma_wait3A_45] : memref<100000x2048xf32, #tpu.memory_space<hbm>> -> memref<100000x2048xf32, #tpu.memory_space<hbm>>
    tpu.wait_indirect_dma semaphore(%arg9 : memref<!tpu.dma_semaphore, #tpu.memory_space<semaphore_mem>>) src(%dma_wait3A_46 : memref<100000x2048xf32, #tpu.memory_space<hbm>>) dst(%arg7 : memref<16x2048xf32, #tpu.memory_space<vmem>>)
    %dma_start3A_47 = arith.constant 64 : i32
    %dma_start3A_48 = tpu.memref_slice %arg5[%dma_start3A_47] : memref<256xi32, #tpu.memory_space<vmem>> -> memref<16xi32, #tpu.memory_space<vmem>>
    %dma_start3A_49 = arith.constant 0 : i32
    %dma_start3A_50 = arith.constant 0 : i32
    %dma_start3A_51 = tpu.memref_slice %arg2[%dma_start3A_49, %dma_start3A_50] : memref<100000x2048xf32, #tpu.memory_space<hbm>> -> memref<100000x2048xf32, #tpu.memory_space<hbm>>
    tpu.enqueue_indirect_dma source(%dma_start3A_51 : memref<100000x2048xf32, #tpu.memory_space<hbm>>) target(%arg6 : memref<16x2048xf32, #tpu.memory_space<vmem>>) offsets(%dma_start3A_48 : memref<16xi32, #tpu.memory_space<vmem>>) semaphore(%arg8 : memref<!tpu.dma_semaphore, #tpu.memory_space<semaphore_mem>>)
    %add3A_52 = arith.constant 48 : i32
    %add3A_53 = arith.addi %multiple_of3A, %add3A_52 : i32
    "tpu.region"() ({
      %run_scoped3A = tpu.sem_alloc : memref<!tpu.dma_semaphore, #tpu.memory_space<semaphore_mem>>
      %dma_start3A_193 = arith.constant 0 : i32
      %dma_start3A_194 = tpu.memref_slice %arg4[%add3A_53, %dma_start3A_193] : memref<8192x2048xf32, #tpu.memory_space<hbm>> -> memref<16x2048xf32, #tpu.memory_space<hbm>>
      %dma_start3A_195 = arith.constant 0 : i32
      %dma_start3A_196 = tpu.memref_slice %arg4[%add3A_53, %dma_start3A_195] : memref<8192x2048xf32, #tpu.memory_space<hbm>> -> memref<16x2048xf32, #tpu.memory_space<hbm>>
      tpu.enqueue_dma source(%arg7 : memref<16x2048xf32, #tpu.memory_space<vmem>>) target(%dma_start3A_196 : memref<16x2048xf32, #tpu.memory_space<hbm>>) target_semaphore(%run_scoped3A : memref<!tpu.dma_semaphore, #tpu.memory_space<semaphore_mem>>)
      %dma_wait3A_197 = arith.constant 0 : i32
      %dma_wait3A_198 = tpu.memref_slice %arg4[%add3A_53, %dma_wait3A_197] : memref<8192x2048xf32, #tpu.memory_space<hbm>> -> memref<16x2048xf32, #tpu.memory_space<hbm>>
      %dma_wait3A_199 = arith.constant 0 : i32
      %dma_wait3A_200 = tpu.memref_slice %arg4[%add3A_53, %dma_wait3A_199] : memref<8192x2048xf32, #tpu.memory_space<hbm>> -> memref<16x2048xf32, #tpu.memory_space<hbm>>
      tpu.wait_dma2 semaphore(%run_scoped3A : memref<!tpu.dma_semaphore, #tpu.memory_space<semaphore_mem>>) src(%arg7 : memref<16x2048xf32, #tpu.memory_space<vmem>>) dst(%dma_wait3A_200 : memref<16x2048xf32, #tpu.memory_space<hbm>>)
      tpu.yield
    }) : () -> ()
    %dma_wait3A_54 = arith.constant 64 : i32
    %dma_wait3A_55 = tpu.memref_slice %arg5[%dma_wait3A_54] : memref<256xi32, #tpu.memory_space<vmem>> -> memref<16xi32, #tpu.memory_space<vmem>>
    %dma_wait3A_56 = arith.constant 0 : i32
    %dma_wait3A_57 = arith.constant 0 : i32
    %dma_wait3A_58 = tpu.memref_slice %arg2[%dma_wait3A_56, %dma_wait3A_57] : memref<100000x2048xf32, #tpu.memory_space<hbm>> -> memref<100000x2048xf32, #tpu.memory_space<hbm>>
    tpu.wait_indirect_dma semaphore(%arg8 : memref<!tpu.dma_semaphore, #tpu.memory_space<semaphore_mem>>) src(%dma_wait3A_58 : memref<100000x2048xf32, #tpu.memory_space<hbm>>) dst(%arg6 : memref<16x2048xf32, #tpu.memory_space<vmem>>)
    %dma_start3A_59 = arith.constant 80 : i32
    %dma_start3A_60 = tpu.memref_slice %arg5[%dma_start3A_59] : memref<256xi32, #tpu.memory_space<vmem>> -> memref<16xi32, #tpu.memory_space<vmem>>
    %dma_start3A_61 = arith.constant 0 : i32
    %dma_start3A_62 = arith.constant 0 : i32
    %dma_start3A_63 = tpu.memref_slice %arg2[%dma_start3A_61, %dma_start3A_62] : memref<100000x2048xf32, #tpu.memory_space<hbm>> -> memref<100000x2048xf32, #tpu.memory_space<hbm>>
    tpu.enqueue_indirect_dma source(%dma_start3A_63 : memref<100000x2048xf32, #tpu.memory_space<hbm>>) target(%arg7 : memref<16x2048xf32, #tpu.memory_space<vmem>>) offsets(%dma_start3A_60 : memref<16xi32, #tpu.memory_space<vmem>>) semaphore(%arg9 : memref<!tpu.dma_semaphore, #tpu.memory_space<semaphore_mem>>)
    %add3A_64 = arith.constant 64 : i32
    %add3A_65 = arith.addi %multiple_of3A, %add3A_64 : i32
    "tpu.region"() ({
      %run_scoped3A = tpu.sem_alloc : memref<!tpu.dma_semaphore, #tpu.memory_space<semaphore_mem>>
      %dma_start3A_193 = arith.constant 0 : i32
      %dma_start3A_194 = tpu.memref_slice %arg4[%add3A_65, %dma_start3A_193] : memref<8192x2048xf32, #tpu.memory_space<hbm>> -> memref<16x2048xf32, #tpu.memory_space<hbm>>
      %dma_start3A_195 = arith.constant 0 : i32
      %dma_start3A_196 = tpu.memref_slice %arg4[%add3A_65, %dma_start3A_195] : memref<8192x2048xf32, #tpu.memory_space<hbm>> -> memref<16x2048xf32, #tpu.memory_space<hbm>>
      tpu.enqueue_dma source(%arg6 : memref<16x2048xf32, #tpu.memory_space<vmem>>) target(%dma_start3A_196 : memref<16x2048xf32, #tpu.memory_space<hbm>>) target_semaphore(%run_scoped3A : memref<!tpu.dma_semaphore, #tpu.memory_space<semaphore_mem>>)
      %dma_wait3A_197 = arith.constant 0 : i32
      %dma_wait3A_198 = tpu.memref_slice %arg4[%add3A_65, %dma_wait3A_197] : memref<8192x2048xf32, #tpu.memory_space<hbm>> -> memref<16x2048xf32, #tpu.memory_space<hbm>>
      %dma_wait3A_199 = arith.constant 0 : i32
      %dma_wait3A_200 = tpu.memref_slice %arg4[%add3A_65, %dma_wait3A_199] : memref<8192x2048xf32, #tpu.memory_space<hbm>> -> memref<16x2048xf32, #tpu.memory_space<hbm>>
      tpu.wait_dma2 semaphore(%run_scoped3A : memref<!tpu.dma_semaphore, #tpu.memory_space<semaphore_mem>>) src(%arg6 : memref<16x2048xf32, #tpu.memory_space<vmem>>) dst(%dma_wait3A_200 : memref<16x2048xf32, #tpu.memory_space<hbm>>)
      tpu.yield
    }) : () -> ()
    %dma_wait3A_66 = arith.constant 80 : i32
    %dma_wait3A_67 = tpu.memref_slice %arg5[%dma_wait3A_66] : memref<256xi32, #tpu.memory_space<vmem>> -> memref<16xi32, #tpu.memory_space<vmem>>
    %dma_wait3A_68 = arith.constant 0 : i32
    %dma_wait3A_69 = arith.constant 0 : i32
    %dma_wait3A_70 = tpu.memref_slice %arg2[%dma_wait3A_68, %dma_wait3A_69] : memref<100000x2048xf32, #tpu.memory_space<hbm>> -> memref<100000x2048xf32, #tpu.memory_space<hbm>>
    tpu.wait_indirect_dma semaphore(%arg9 : memref<!tpu.dma_semaphore, #tpu.memory_space<semaphore_mem>>) src(%dma_wait3A_70 : memref<100000x2048xf32, #tpu.memory_space<hbm>>) dst(%arg7 : memref<16x2048xf32, #tpu.memory_space<vmem>>)
    %dma_start3A_71 = arith.constant 96 : i32
    %dma_start3A_72 = tpu.memref_slice %arg5[%dma_start3A_71] : memref<256xi32, #tpu.memory_space<vmem>> -> memref<16xi32, #tpu.memory_space<vmem>>
    %dma_start3A_73 = arith.constant 0 : i32
    %dma_start3A_74 = arith.constant 0 : i32
    %dma_start3A_75 = tpu.memref_slice %arg2[%dma_start3A_73, %dma_start3A_74] : memref<100000x2048xf32, #tpu.memory_space<hbm>> -> memref<100000x2048xf32, #tpu.memory_space<hbm>>
    tpu.enqueue_indirect_dma source(%dma_start3A_75 : memref<100000x2048xf32, #tpu.memory_space<hbm>>) target(%arg6 : memref<16x2048xf32, #tpu.memory_space<vmem>>) offsets(%dma_start3A_72 : memref<16xi32, #tpu.memory_space<vmem>>) semaphore(%arg8 : memref<!tpu.dma_semaphore, #tpu.memory_space<semaphore_mem>>)
    %add3A_76 = arith.constant 80 : i32
    %add3A_77 = arith.addi %multiple_of3A, %add3A_76 : i32
    "tpu.region"() ({
      %run_scoped3A = tpu.sem_alloc : memref<!tpu.dma_semaphore, #tpu.memory_space<semaphore_mem>>
      %dma_start3A_193 = arith.constant 0 : i32
      %dma_start3A_194 = tpu.memref_slice %arg4[%add3A_77, %dma_start3A_193] : memref<8192x2048xf32, #tpu.memory_space<hbm>> -> memref<16x2048xf32, #tpu.memory_space<hbm>>
      %dma_start3A_195 = arith.constant 0 : i32
      %dma_start3A_196 = tpu.memref_slice %arg4[%add3A_77, %dma_start3A_195] : memref<8192x2048xf32, #tpu.memory_space<hbm>> -> memref<16x2048xf32, #tpu.memory_space<hbm>>
      tpu.enqueue_dma source(%arg7 : memref<16x2048xf32, #tpu.memory_space<vmem>>) target(%dma_start3A_196 : memref<16x2048xf32, #tpu.memory_space<hbm>>) target_semaphore(%run_scoped3A : memref<!tpu.dma_semaphore, #tpu.memory_space<semaphore_mem>>)
      %dma_wait3A_197 = arith.constant 0 : i32
      %dma_wait3A_198 = tpu.memref_slice %arg4[%add3A_77, %dma_wait3A_197] : memref<8192x2048xf32, #tpu.memory_space<hbm>> -> memref<16x2048xf32, #tpu.memory_space<hbm>>
      %dma_wait3A_199 = arith.constant 0 : i32
      %dma_wait3A_200 = tpu.memref_slice %arg4[%add3A_77, %dma_wait3A_199] : memref<8192x2048xf32, #tpu.memory_space<hbm>> -> memref<16x2048xf32, #tpu.memory_space<hbm>>
      tpu.wait_dma2 semaphore(%run_scoped3A : memref<!tpu.dma_semaphore, #tpu.memory_space<semaphore_mem>>) src(%arg7 : memref<16x2048xf32, #tpu.memory_space<vmem>>) dst(%dma_wait3A_200 : memref<16x2048xf32, #tpu.memory_space<hbm>>)
      tpu.yield
    }) : () -> ()
    %dma_wait3A_78 = arith.constant 96 : i32
    %dma_wait3A_79 = tpu.memref_slice %arg5[%dma_wait3A_78] : memref<256xi32, #tpu.memory_space<vmem>> -> memref<16xi32, #tpu.memory_space<vmem>>
    %dma_wait3A_80 = arith.constant 0 : i32
    %dma_wait3A_81 = arith.constant 0 : i32
    %dma_wait3A_82 = tpu.memref_slice %arg2[%dma_wait3A_80, %dma_wait3A_81] : memref<100000x2048xf32, #tpu.memory_space<hbm>> -> memref<100000x2048xf32, #tpu.memory_space<hbm>>
    tpu.wait_indirect_dma semaphore(%arg8 : memref<!tpu.dma_semaphore, #tpu.memory_space<semaphore_mem>>) src(%dma_wait3A_82 : memref<100000x2048xf32, #tpu.memory_space<hbm>>) dst(%arg6 : memref<16x2048xf32, #tpu.memory_space<vmem>>)
    %dma_start3A_83 = arith.constant 112 : i32
    %dma_start3A_84 = tpu.memref_slice %arg5[%dma_start3A_83] : memref<256xi32, #tpu.memory_space<vmem>> -> memref<16xi32, #tpu.memory_space<vmem>>
    %dma_start3A_85 = arith.constant 0 : i32
    %dma_start3A_86 = arith.constant 0 : i32
    %dma_start3A_87 = tpu.memref_slice %arg2[%dma_start3A_85, %dma_start3A_86] : memref<100000x2048xf32, #tpu.memory_space<hbm>> -> memref<100000x2048xf32, #tpu.memory_space<hbm>>
    tpu.enqueue_indirect_dma source(%dma_start3A_87 : memref<100000x2048xf32, #tpu.memory_space<hbm>>) target(%arg7 : memref<16x2048xf32, #tpu.memory_space<vmem>>) offsets(%dma_start3A_84 : memref<16xi32, #tpu.memory_space<vmem>>) semaphore(%arg9 : memref<!tpu.dma_semaphore, #tpu.memory_space<semaphore_mem>>)
    %add3A_88 = arith.constant 96 : i32
    %add3A_89 = arith.addi %multiple_of3A, %add3A_88 : i32
    "tpu.region"() ({
      %run_scoped3A = tpu.sem_alloc : memref<!tpu.dma_semaphore, #tpu.memory_space<semaphore_mem>>
      %dma_start3A_193 = arith.constant 0 : i32
      %dma_start3A_194 = tpu.memref_slice %arg4[%add3A_89, %dma_start3A_193] : memref<8192x2048xf32, #tpu.memory_space<hbm>> -> memref<16x2048xf32, #tpu.memory_space<hbm>>
      %dma_start3A_195 = arith.constant 0 : i32
      %dma_start3A_196 = tpu.memref_slice %arg4[%add3A_89, %dma_start3A_195] : memref<8192x2048xf32, #tpu.memory_space<hbm>> -> memref<16x2048xf32, #tpu.memory_space<hbm>>
      tpu.enqueue_dma source(%arg6 : memref<16x2048xf32, #tpu.memory_space<vmem>>) target(%dma_start3A_196 : memref<16x2048xf32, #tpu.memory_space<hbm>>) target_semaphore(%run_scoped3A : memref<!tpu.dma_semaphore, #tpu.memory_space<semaphore_mem>>)
      %dma_wait3A_197 = arith.constant 0 : i32
      %dma_wait3A_198 = tpu.memref_slice %arg4[%add3A_89, %dma_wait3A_197] : memref<8192x2048xf32, #tpu.memory_space<hbm>> -> memref<16x2048xf32, #tpu.memory_space<hbm>>
      %dma_wait3A_199 = arith.constant 0 : i32
      %dma_wait3A_200 = tpu.memref_slice %arg4[%add3A_89, %dma_wait3A_199] : memref<8192x2048xf32, #tpu.memory_space<hbm>> -> memref<16x2048xf32, #tpu.memory_space<hbm>>
      tpu.wait_dma2 semaphore(%run_scoped3A : memref<!tpu.dma_semaphore, #tpu.memory_space<semaphore_mem>>) src(%arg6 : memref<16x2048xf32, #tpu.memory_space<vmem>>) dst(%dma_wait3A_200 : memref<16x2048xf32, #tpu.memory_space<hbm>>)
      tpu.yield
    }) : () -> ()
    %dma_wait3A_90 = arith.constant 112 : i32
    %dma_wait3A_91 = tpu.memref_slice %arg5[%dma_wait3A_90] : memref<256xi32, #tpu.memory_space<vmem>> -> memref<16xi32, #tpu.memory_space<vmem>>
    %dma_wait3A_92 = arith.constant 0 : i32
    %dma_wait3A_93 = arith.constant 0 : i32
    %dma_wait3A_94 = tpu.memref_slice %arg2[%dma_wait3A_92, %dma_wait3A_93] : memref<100000x2048xf32, #tpu.memory_space<hbm>> -> memref<100000x2048xf32, #tpu.memory_space<hbm>>
    tpu.wait_indirect_dma semaphore(%arg9 : memref<!tpu.dma_semaphore, #tpu.memory_space<semaphore_mem>>) src(%dma_wait3A_94 : memref<100000x2048xf32, #tpu.memory_space<hbm>>) dst(%arg7 : memref<16x2048xf32, #tpu.memory_space<vmem>>)
    %dma_start3A_95 = arith.constant 128 : i32
    %dma_start3A_96 = tpu.memref_slice %arg5[%dma_start3A_95] : memref<256xi32, #tpu.memory_space<vmem>> -> memref<16xi32, #tpu.memory_space<vmem>>
    %dma_start3A_97 = arith.constant 0 : i32
    %dma_start3A_98 = arith.constant 0 : i32
    %dma_start3A_99 = tpu.memref_slice %arg2[%dma_start3A_97, %dma_start3A_98] : memref<100000x2048xf32, #tpu.memory_space<hbm>> -> memref<100000x2048xf32, #tpu.memory_space<hbm>>
    tpu.enqueue_indirect_dma source(%dma_start3A_99 : memref<100000x2048xf32, #tpu.memory_space<hbm>>) target(%arg6 : memref<16x2048xf32, #tpu.memory_space<vmem>>) offsets(%dma_start3A_96 : memref<16xi32, #tpu.memory_space<vmem>>) semaphore(%arg8 : memref<!tpu.dma_semaphore, #tpu.memory_space<semaphore_mem>>)
    %add3A_100 = arith.constant 112 : i32
    %add3A_101 = arith.addi %multiple_of3A, %add3A_100 : i32
    "tpu.region"() ({
      %run_scoped3A = tpu.sem_alloc : memref<!tpu.dma_semaphore, #tpu.memory_space<semaphore_mem>>
      %dma_start3A_193 = arith.constant 0 : i32
      %dma_start3A_194 = tpu.memref_slice %arg4[%add3A_101, %dma_start3A_193] : memref<8192x2048xf32, #tpu.memory_space<hbm>> -> memref<16x2048xf32, #tpu.memory_space<hbm>>
      %dma_start3A_195 = arith.constant 0 : i32
      %dma_start3A_196 = tpu.memref_slice %arg4[%add3A_101, %dma_start3A_195] : memref<8192x2048xf32, #tpu.memory_space<hbm>> -> memref<16x2048xf32, #tpu.memory_space<hbm>>
      tpu.enqueue_dma source(%arg7 : memref<16x2048xf32, #tpu.memory_space<vmem>>) target(%dma_start3A_196 : memref<16x2048xf32, #tpu.memory_space<hbm>>) target_semaphore(%run_scoped3A : memref<!tpu.dma_semaphore, #tpu.memory_space<semaphore_mem>>)
      %dma_wait3A_197 = arith.constant 0 : i32
      %dma_wait3A_198 = tpu.memref_slice %arg4[%add3A_101, %dma_wait3A_197] : memref<8192x2048xf32, #tpu.memory_space<hbm>> -> memref<16x2048xf32, #tpu.memory_space<hbm>>
      %dma_wait3A_199 = arith.constant 0 : i32
      %dma_wait3A_200 = tpu.memref_slice %arg4[%add3A_101, %dma_wait3A_199] : memref<8192x2048xf32, #tpu.memory_space<hbm>> -> memref<16x2048xf32, #tpu.memory_space<hbm>>
      tpu.wait_dma2 semaphore(%run_scoped3A : memref<!tpu.dma_semaphore, #tpu.memory_space<semaphore_mem>>) src(%arg7 : memref<16x2048xf32, #tpu.memory_space<vmem>>) dst(%dma_wait3A_200 : memref<16x2048xf32, #tpu.memory_space<hbm>>)
      tpu.yield
    }) : () -> ()
    %dma_wait3A_102 = arith.constant 128 : i32
    %dma_wait3A_103 = tpu.memref_slice %arg5[%dma_wait3A_102] : memref<256xi32, #tpu.memory_space<vmem>> -> memref<16xi32, #tpu.memory_space<vmem>>
    %dma_wait3A_104 = arith.constant 0 : i32
    %dma_wait3A_105 = arith.constant 0 : i32
    %dma_wait3A_106 = tpu.memref_slice %arg2[%dma_wait3A_104, %dma_wait3A_105] : memref<100000x2048xf32, #tpu.memory_space<hbm>> -> memref<100000x2048xf32, #tpu.memory_space<hbm>>
    tpu.wait_indirect_dma semaphore(%arg8 : memref<!tpu.dma_semaphore, #tpu.memory_space<semaphore_mem>>) src(%dma_wait3A_106 : memref<100000x2048xf32, #tpu.memory_space<hbm>>) dst(%arg6 : memref<16x2048xf32, #tpu.memory_space<vmem>>)
    %dma_start3A_107 = arith.constant 144 : i32
    %dma_start3A_108 = tpu.memref_slice %arg5[%dma_start3A_107] : memref<256xi32, #tpu.memory_space<vmem>> -> memref<16xi32, #tpu.memory_space<vmem>>
    %dma_start3A_109 = arith.constant 0 : i32
    %dma_start3A_110 = arith.constant 0 : i32
    %dma_start3A_111 = tpu.memref_slice %arg2[%dma_start3A_109, %dma_start3A_110] : memref<100000x2048xf32, #tpu.memory_space<hbm>> -> memref<100000x2048xf32, #tpu.memory_space<hbm>>
    tpu.enqueue_indirect_dma source(%dma_start3A_111 : memref<100000x2048xf32, #tpu.memory_space<hbm>>) target(%arg7 : memref<16x2048xf32, #tpu.memory_space<vmem>>) offsets(%dma_start3A_108 : memref<16xi32, #tpu.memory_space<vmem>>) semaphore(%arg9 : memref<!tpu.dma_semaphore, #tpu.memory_space<semaphore_mem>>)
    %add3A_112 = arith.constant 128 : i32
    %add3A_113 = arith.addi %multiple_of3A, %add3A_112 : i32
    "tpu.region"() ({
      %run_scoped3A = tpu.sem_alloc : memref<!tpu.dma_semaphore, #tpu.memory_space<semaphore_mem>>
      %dma_start3A_193 = arith.constant 0 : i32
      %dma_start3A_194 = tpu.memref_slice %arg4[%add3A_113, %dma_start3A_193] : memref<8192x2048xf32, #tpu.memory_space<hbm>> -> memref<16x2048xf32, #tpu.memory_space<hbm>>
      %dma_start3A_195 = arith.constant 0 : i32
      %dma_start3A_196 = tpu.memref_slice %arg4[%add3A_113, %dma_start3A_195] : memref<8192x2048xf32, #tpu.memory_space<hbm>> -> memref<16x2048xf32, #tpu.memory_space<hbm>>
      tpu.enqueue_dma source(%arg6 : memref<16x2048xf32, #tpu.memory_space<vmem>>) target(%dma_start3A_196 : memref<16x2048xf32, #tpu.memory_space<hbm>>) target_semaphore(%run_scoped3A : memref<!tpu.dma_semaphore, #tpu.memory_space<semaphore_mem>>)
      %dma_wait3A_197 = arith.constant 0 : i32
      %dma_wait3A_198 = tpu.memref_slice %arg4[%add3A_113, %dma_wait3A_197] : memref<8192x2048xf32, #tpu.memory_space<hbm>> -> memref<16x2048xf32, #tpu.memory_space<hbm>>
      %dma_wait3A_199 = arith.constant 0 : i32
      %dma_wait3A_200 = tpu.memref_slice %arg4[%add3A_113, %dma_wait3A_199] : memref<8192x2048xf32, #tpu.memory_space<hbm>> -> memref<16x2048xf32, #tpu.memory_space<hbm>>
      tpu.wait_dma2 semaphore(%run_scoped3A : memref<!tpu.dma_semaphore, #tpu.memory_space<semaphore_mem>>) src(%arg6 : memref<16x2048xf32, #tpu.memory_space<vmem>>) dst(%dma_wait3A_200 : memref<16x2048xf32, #tpu.memory_space<hbm>>)
      tpu.yield
    }) : () -> ()
    %dma_wait3A_114 = arith.constant 144 : i32
    %dma_wait3A_115 = tpu.memref_slice %arg5[%dma_wait3A_114] : memref<256xi32, #tpu.memory_space<vmem>> -> memref<16xi32, #tpu.memory_space<vmem>>
    %dma_wait3A_116 = arith.constant 0 : i32
    %dma_wait3A_117 = arith.constant 0 : i32
    %dma_wait3A_118 = tpu.memref_slice %arg2[%dma_wait3A_116, %dma_wait3A_117] : memref<100000x2048xf32, #tpu.memory_space<hbm>> -> memref<100000x2048xf32, #tpu.memory_space<hbm>>
    tpu.wait_indirect_dma semaphore(%arg9 : memref<!tpu.dma_semaphore, #tpu.memory_space<semaphore_mem>>) src(%dma_wait3A_118 : memref<100000x2048xf32, #tpu.memory_space<hbm>>) dst(%arg7 : memref<16x2048xf32, #tpu.memory_space<vmem>>)
    %dma_start3A_119 = arith.constant 160 : i32
    %dma_start3A_120 = tpu.memref_slice %arg5[%dma_start3A_119] : memref<256xi32, #tpu.memory_space<vmem>> -> memref<16xi32, #tpu.memory_space<vmem>>
    %dma_start3A_121 = arith.constant 0 : i32
    %dma_start3A_122 = arith.constant 0 : i32
    %dma_start3A_123 = tpu.memref_slice %arg2[%dma_start3A_121, %dma_start3A_122] : memref<100000x2048xf32, #tpu.memory_space<hbm>> -> memref<100000x2048xf32, #tpu.memory_space<hbm>>
    tpu.enqueue_indirect_dma source(%dma_start3A_123 : memref<100000x2048xf32, #tpu.memory_space<hbm>>) target(%arg6 : memref<16x2048xf32, #tpu.memory_space<vmem>>) offsets(%dma_start3A_120 : memref<16xi32, #tpu.memory_space<vmem>>) semaphore(%arg8 : memref<!tpu.dma_semaphore, #tpu.memory_space<semaphore_mem>>)
    %add3A_124 = arith.constant 144 : i32
    %add3A_125 = arith.addi %multiple_of3A, %add3A_124 : i32
    "tpu.region"() ({
      %run_scoped3A = tpu.sem_alloc : memref<!tpu.dma_semaphore, #tpu.memory_space<semaphore_mem>>
      %dma_start3A_193 = arith.constant 0 : i32
      %dma_start3A_194 = tpu.memref_slice %arg4[%add3A_125, %dma_start3A_193] : memref<8192x2048xf32, #tpu.memory_space<hbm>> -> memref<16x2048xf32, #tpu.memory_space<hbm>>
      %dma_start3A_195 = arith.constant 0 : i32
      %dma_start3A_196 = tpu.memref_slice %arg4[%add3A_125, %dma_start3A_195] : memref<8192x2048xf32, #tpu.memory_space<hbm>> -> memref<16x2048xf32, #tpu.memory_space<hbm>>
      tpu.enqueue_dma source(%arg7 : memref<16x2048xf32, #tpu.memory_space<vmem>>) target(%dma_start3A_196 : memref<16x2048xf32, #tpu.memory_space<hbm>>) target_semaphore(%run_scoped3A : memref<!tpu.dma_semaphore, #tpu.memory_space<semaphore_mem>>)
      %dma_wait3A_197 = arith.constant 0 : i32
      %dma_wait3A_198 = tpu.memref_slice %arg4[%add3A_125, %dma_wait3A_197] : memref<8192x2048xf32, #tpu.memory_space<hbm>> -> memref<16x2048xf32, #tpu.memory_space<hbm>>
      %dma_wait3A_199 = arith.constant 0 : i32
      %dma_wait3A_200 = tpu.memref_slice %arg4[%add3A_125, %dma_wait3A_199] : memref<8192x2048xf32, #tpu.memory_space<hbm>> -> memref<16x2048xf32, #tpu.memory_space<hbm>>
      tpu.wait_dma2 semaphore(%run_scoped3A : memref<!tpu.dma_semaphore, #tpu.memory_space<semaphore_mem>>) src(%arg7 : memref<16x2048xf32, #tpu.memory_space<vmem>>) dst(%dma_wait3A_200 : memref<16x2048xf32, #tpu.memory_space<hbm>>)
      tpu.yield
    }) : () -> ()
    %dma_wait3A_126 = arith.constant 160 : i32
    %dma_wait3A_127 = tpu.memref_slice %arg5[%dma_wait3A_126] : memref<256xi32, #tpu.memory_space<vmem>> -> memref<16xi32, #tpu.memory_space<vmem>>
    %dma_wait3A_128 = arith.constant 0 : i32
    %dma_wait3A_129 = arith.constant 0 : i32
    %dma_wait3A_130 = tpu.memref_slice %arg2[%dma_wait3A_128, %dma_wait3A_129] : memref<100000x2048xf32, #tpu.memory_space<hbm>> -> memref<100000x2048xf32, #tpu.memory_space<hbm>>
    tpu.wait_indirect_dma semaphore(%arg8 : memref<!tpu.dma_semaphore, #tpu.memory_space<semaphore_mem>>) src(%dma_wait3A_130 : memref<100000x2048xf32, #tpu.memory_space<hbm>>) dst(%arg6 : memref<16x2048xf32, #tpu.memory_space<vmem>>)
    %dma_start3A_131 = arith.constant 176 : i32
    %dma_start3A_132 = tpu.memref_slice %arg5[%dma_start3A_131] : memref<256xi32, #tpu.memory_space<vmem>> -> memref<16xi32, #tpu.memory_space<vmem>>
    %dma_start3A_133 = arith.constant 0 : i32
    %dma_start3A_134 = arith.constant 0 : i32
    %dma_start3A_135 = tpu.memref_slice %arg2[%dma_start3A_133, %dma_start3A_134] : memref<100000x2048xf32, #tpu.memory_space<hbm>> -> memref<100000x2048xf32, #tpu.memory_space<hbm>>
    tpu.enqueue_indirect_dma source(%dma_start3A_135 : memref<100000x2048xf32, #tpu.memory_space<hbm>>) target(%arg7 : memref<16x2048xf32, #tpu.memory_space<vmem>>) offsets(%dma_start3A_132 : memref<16xi32, #tpu.memory_space<vmem>>) semaphore(%arg9 : memref<!tpu.dma_semaphore, #tpu.memory_space<semaphore_mem>>)
    %add3A_136 = arith.constant 160 : i32
    %add3A_137 = arith.addi %multiple_of3A, %add3A_136 : i32
    "tpu.region"() ({
      %run_scoped3A = tpu.sem_alloc : memref<!tpu.dma_semaphore, #tpu.memory_space<semaphore_mem>>
      %dma_start3A_193 = arith.constant 0 : i32
      %dma_start3A_194 = tpu.memref_slice %arg4[%add3A_137, %dma_start3A_193] : memref<8192x2048xf32, #tpu.memory_space<hbm>> -> memref<16x2048xf32, #tpu.memory_space<hbm>>
      %dma_start3A_195 = arith.constant 0 : i32
      %dma_start3A_196 = tpu.memref_slice %arg4[%add3A_137, %dma_start3A_195] : memref<8192x2048xf32, #tpu.memory_space<hbm>> -> memref<16x2048xf32, #tpu.memory_space<hbm>>
      tpu.enqueue_dma source(%arg6 : memref<16x2048xf32, #tpu.memory_space<vmem>>) target(%dma_start3A_196 : memref<16x2048xf32, #tpu.memory_space<hbm>>) target_semaphore(%run_scoped3A : memref<!tpu.dma_semaphore, #tpu.memory_space<semaphore_mem>>)
      %dma_wait3A_197 = arith.constant 0 : i32
      %dma_wait3A_198 = tpu.memref_slice %arg4[%add3A_137, %dma_wait3A_197] : memref<8192x2048xf32, #tpu.memory_space<hbm>> -> memref<16x2048xf32, #tpu.memory_space<hbm>>
      %dma_wait3A_199 = arith.constant 0 : i32
      %dma_wait3A_200 = tpu.memref_slice %arg4[%add3A_137, %dma_wait3A_199] : memref<8192x2048xf32, #tpu.memory_space<hbm>> -> memref<16x2048xf32, #tpu.memory_space<hbm>>
      tpu.wait_dma2 semaphore(%run_scoped3A : memref<!tpu.dma_semaphore, #tpu.memory_space<semaphore_mem>>) src(%arg6 : memref<16x2048xf32, #tpu.memory_space<vmem>>) dst(%dma_wait3A_200 : memref<16x2048xf32, #tpu.memory_space<hbm>>)
      tpu.yield
    }) : () -> ()
    %dma_wait3A_138 = arith.constant 176 : i32
    %dma_wait3A_139 = tpu.memref_slice %arg5[%dma_wait3A_138] : memref<256xi32, #tpu.memory_space<vmem>> -> memref<16xi32, #tpu.memory_space<vmem>>
    %dma_wait3A_140 = arith.constant 0 : i32
    %dma_wait3A_141 = arith.constant 0 : i32
    %dma_wait3A_142 = tpu.memref_slice %arg2[%dma_wait3A_140, %dma_wait3A_141] : memref<100000x2048xf32, #tpu.memory_space<hbm>> -> memref<100000x2048xf32, #tpu.memory_space<hbm>>
    tpu.wait_indirect_dma semaphore(%arg9 : memref<!tpu.dma_semaphore, #tpu.memory_space<semaphore_mem>>) src(%dma_wait3A_142 : memref<100000x2048xf32, #tpu.memory_space<hbm>>) dst(%arg7 : memref<16x2048xf32, #tpu.memory_space<vmem>>)
    %dma_start3A_143 = arith.constant 192 : i32
    %dma_start3A_144 = tpu.memref_slice %arg5[%dma_start3A_143] : memref<256xi32, #tpu.memory_space<vmem>> -> memref<16xi32, #tpu.memory_space<vmem>>
    %dma_start3A_145 = arith.constant 0 : i32
    %dma_start3A_146 = arith.constant 0 : i32
    %dma_start3A_147 = tpu.memref_slice %arg2[%dma_start3A_145, %dma_start3A_146] : memref<100000x2048xf32, #tpu.memory_space<hbm>> -> memref<100000x2048xf32, #tpu.memory_space<hbm>>
    tpu.enqueue_indirect_dma source(%dma_start3A_147 : memref<100000x2048xf32, #tpu.memory_space<hbm>>) target(%arg6 : memref<16x2048xf32, #tpu.memory_space<vmem>>) offsets(%dma_start3A_144 : memref<16xi32, #tpu.memory_space<vmem>>) semaphore(%arg8 : memref<!tpu.dma_semaphore, #tpu.memory_space<semaphore_mem>>)
    %add3A_148 = arith.constant 176 : i32
    %add3A_149 = arith.addi %multiple_of3A, %add3A_148 : i32
    "tpu.region"() ({
      %run_scoped3A = tpu.sem_alloc : memref<!tpu.dma_semaphore, #tpu.memory_space<semaphore_mem>>
      %dma_start3A_193 = arith.constant 0 : i32
      %dma_start3A_194 = tpu.memref_slice %arg4[%add3A_149, %dma_start3A_193] : memref<8192x2048xf32, #tpu.memory_space<hbm>> -> memref<16x2048xf32, #tpu.memory_space<hbm>>
      %dma_start3A_195 = arith.constant 0 : i32
      %dma_start3A_196 = tpu.memref_slice %arg4[%add3A_149, %dma_start3A_195] : memref<8192x2048xf32, #tpu.memory_space<hbm>> -> memref<16x2048xf32, #tpu.memory_space<hbm>>
      tpu.enqueue_dma source(%arg7 : memref<16x2048xf32, #tpu.memory_space<vmem>>) target(%dma_start3A_196 : memref<16x2048xf32, #tpu.memory_space<hbm>>) target_semaphore(%run_scoped3A : memref<!tpu.dma_semaphore, #tpu.memory_space<semaphore_mem>>)
      %dma_wait3A_197 = arith.constant 0 : i32
      %dma_wait3A_198 = tpu.memref_slice %arg4[%add3A_149, %dma_wait3A_197] : memref<8192x2048xf32, #tpu.memory_space<hbm>> -> memref<16x2048xf32, #tpu.memory_space<hbm>>
      %dma_wait3A_199 = arith.constant 0 : i32
      %dma_wait3A_200 = tpu.memref_slice %arg4[%add3A_149, %dma_wait3A_199] : memref<8192x2048xf32, #tpu.memory_space<hbm>> -> memref<16x2048xf32, #tpu.memory_space<hbm>>
      tpu.wait_dma2 semaphore(%run_scoped3A : memref<!tpu.dma_semaphore, #tpu.memory_space<semaphore_mem>>) src(%arg7 : memref<16x2048xf32, #tpu.memory_space<vmem>>) dst(%dma_wait3A_200 : memref<16x2048xf32, #tpu.memory_space<hbm>>)
      tpu.yield
    }) : () -> ()
    %dma_wait3A_150 = arith.constant 192 : i32
    %dma_wait3A_151 = tpu.memref_slice %arg5[%dma_wait3A_150] : memref<256xi32, #tpu.memory_space<vmem>> -> memref<16xi32, #tpu.memory_space<vmem>>
    %dma_wait3A_152 = arith.constant 0 : i32
    %dma_wait3A_153 = arith.constant 0 : i32
    %dma_wait3A_154 = tpu.memref_slice %arg2[%dma_wait3A_152, %dma_wait3A_153] : memref<100000x2048xf32, #tpu.memory_space<hbm>> -> memref<100000x2048xf32, #tpu.memory_space<hbm>>
    tpu.wait_indirect_dma semaphore(%arg8 : memref<!tpu.dma_semaphore, #tpu.memory_space<semaphore_mem>>) src(%dma_wait3A_154 : memref<100000x2048xf32, #tpu.memory_space<hbm>>) dst(%arg6 : memref<16x2048xf32, #tpu.memory_space<vmem>>)
    %dma_start3A_155 = arith.constant 208 : i32
    %dma_start3A_156 = tpu.memref_slice %arg5[%dma_start3A_155] : memref<256xi32, #tpu.memory_space<vmem>> -> memref<16xi32, #tpu.memory_space<vmem>>
    %dma_start3A_157 = arith.constant 0 : i32
    %dma_start3A_158 = arith.constant 0 : i32
    %dma_start3A_159 = tpu.memref_slice %arg2[%dma_start3A_157, %dma_start3A_158] : memref<100000x2048xf32, #tpu.memory_space<hbm>> -> memref<100000x2048xf32, #tpu.memory_space<hbm>>
    tpu.enqueue_indirect_dma source(%dma_start3A_159 : memref<100000x2048xf32, #tpu.memory_space<hbm>>) target(%arg7 : memref<16x2048xf32, #tpu.memory_space<vmem>>) offsets(%dma_start3A_156 : memref<16xi32, #tpu.memory_space<vmem>>) semaphore(%arg9 : memref<!tpu.dma_semaphore, #tpu.memory_space<semaphore_mem>>)
    %add3A_160 = arith.constant 192 : i32
    %add3A_161 = arith.addi %multiple_of3A, %add3A_160 : i32
    "tpu.region"() ({
      %run_scoped3A = tpu.sem_alloc : memref<!tpu.dma_semaphore, #tpu.memory_space<semaphore_mem>>
      %dma_start3A_193 = arith.constant 0 : i32
      %dma_start3A_194 = tpu.memref_slice %arg4[%add3A_161, %dma_start3A_193] : memref<8192x2048xf32, #tpu.memory_space<hbm>> -> memref<16x2048xf32, #tpu.memory_space<hbm>>
      %dma_start3A_195 = arith.constant 0 : i32
      %dma_start3A_196 = tpu.memref_slice %arg4[%add3A_161, %dma_start3A_195] : memref<8192x2048xf32, #tpu.memory_space<hbm>> -> memref<16x2048xf32, #tpu.memory_space<hbm>>
      tpu.enqueue_dma source(%arg6 : memref<16x2048xf32, #tpu.memory_space<vmem>>) target(%dma_start3A_196 : memref<16x2048xf32, #tpu.memory_space<hbm>>) target_semaphore(%run_scoped3A : memref<!tpu.dma_semaphore, #tpu.memory_space<semaphore_mem>>)
      %dma_wait3A_197 = arith.constant 0 : i32
      %dma_wait3A_198 = tpu.memref_slice %arg4[%add3A_161, %dma_wait3A_197] : memref<8192x2048xf32, #tpu.memory_space<hbm>> -> memref<16x2048xf32, #tpu.memory_space<hbm>>
      %dma_wait3A_199 = arith.constant 0 : i32
      %dma_wait3A_200 = tpu.memref_slice %arg4[%add3A_161, %dma_wait3A_199] : memref<8192x2048xf32, #tpu.memory_space<hbm>> -> memref<16x2048xf32, #tpu.memory_space<hbm>>
      tpu.wait_dma2 semaphore(%run_scoped3A : memref<!tpu.dma_semaphore, #tpu.memory_space<semaphore_mem>>) src(%arg6 : memref<16x2048xf32, #tpu.memory_space<vmem>>) dst(%dma_wait3A_200 : memref<16x2048xf32, #tpu.memory_space<hbm>>)
      tpu.yield
    }) : () -> ()
    %dma_wait3A_162 = arith.constant 208 : i32
    %dma_wait3A_163 = tpu.memref_slice %arg5[%dma_wait3A_162] : memref<256xi32, #tpu.memory_space<vmem>> -> memref<16xi32, #tpu.memory_space<vmem>>
    %dma_wait3A_164 = arith.constant 0 : i32
    %dma_wait3A_165 = arith.constant 0 : i32
    %dma_wait3A_166 = tpu.memref_slice %arg2[%dma_wait3A_164, %dma_wait3A_165] : memref<100000x2048xf32, #tpu.memory_space<hbm>> -> memref<100000x2048xf32, #tpu.memory_space<hbm>>
    tpu.wait_indirect_dma semaphore(%arg9 : memref<!tpu.dma_semaphore, #tpu.memory_space<semaphore_mem>>) src(%dma_wait3A_166 : memref<100000x2048xf32, #tpu.memory_space<hbm>>) dst(%arg7 : memref<16x2048xf32, #tpu.memory_space<vmem>>)
    %dma_start3A_167 = arith.constant 224 : i32
    %dma_start3A_168 = tpu.memref_slice %arg5[%dma_start3A_167] : memref<256xi32, #tpu.memory_space<vmem>> -> memref<16xi32, #tpu.memory_space<vmem>>
    %dma_start3A_169 = arith.constant 0 : i32
    %dma_start3A_170 = arith.constant 0 : i32
    %dma_start3A_171 = tpu.memref_slice %arg2[%dma_start3A_169, %dma_start3A_170] : memref<100000x2048xf32, #tpu.memory_space<hbm>> -> memref<100000x2048xf32, #tpu.memory_space<hbm>>
    tpu.enqueue_indirect_dma source(%dma_start3A_171 : memref<100000x2048xf32, #tpu.memory_space<hbm>>) target(%arg6 : memref<16x2048xf32, #tpu.memory_space<vmem>>) offsets(%dma_start3A_168 : memref<16xi32, #tpu.memory_space<vmem>>) semaphore(%arg8 : memref<!tpu.dma_semaphore, #tpu.memory_space<semaphore_mem>>)
    %add3A_172 = arith.constant 208 : i32
    %add3A_173 = arith.addi %multiple_of3A, %add3A_172 : i32
    "tpu.region"() ({
      %run_scoped3A = tpu.sem_alloc : memref<!tpu.dma_semaphore, #tpu.memory_space<semaphore_mem>>
      %dma_start3A_193 = arith.constant 0 : i32
      %dma_start3A_194 = tpu.memref_slice %arg4[%add3A_173, %dma_start3A_193] : memref<8192x2048xf32, #tpu.memory_space<hbm>> -> memref<16x2048xf32, #tpu.memory_space<hbm>>
      %dma_start3A_195 = arith.constant 0 : i32
      %dma_start3A_196 = tpu.memref_slice %arg4[%add3A_173, %dma_start3A_195] : memref<8192x2048xf32, #tpu.memory_space<hbm>> -> memref<16x2048xf32, #tpu.memory_space<hbm>>
      tpu.enqueue_dma source(%arg7 : memref<16x2048xf32, #tpu.memory_space<vmem>>) target(%dma_start3A_196 : memref<16x2048xf32, #tpu.memory_space<hbm>>) target_semaphore(%run_scoped3A : memref<!tpu.dma_semaphore, #tpu.memory_space<semaphore_mem>>)
      %dma_wait3A_197 = arith.constant 0 : i32
      %dma_wait3A_198 = tpu.memref_slice %arg4[%add3A_173, %dma_wait3A_197] : memref<8192x2048xf32, #tpu.memory_space<hbm>> -> memref<16x2048xf32, #tpu.memory_space<hbm>>
      %dma_wait3A_199 = arith.constant 0 : i32
      %dma_wait3A_200 = tpu.memref_slice %arg4[%add3A_173, %dma_wait3A_199] : memref<8192x2048xf32, #tpu.memory_space<hbm>> -> memref<16x2048xf32, #tpu.memory_space<hbm>>
      tpu.wait_dma2 semaphore(%run_scoped3A : memref<!tpu.dma_semaphore, #tpu.memory_space<semaphore_mem>>) src(%arg7 : memref<16x2048xf32, #tpu.memory_space<vmem>>) dst(%dma_wait3A_200 : memref<16x2048xf32, #tpu.memory_space<hbm>>)
      tpu.yield
    }) : () -> ()
    %dma_wait3A_174 = arith.constant 224 : i32
    %dma_wait3A_175 = tpu.memref_slice %arg5[%dma_wait3A_174] : memref<256xi32, #tpu.memory_space<vmem>> -> memref<16xi32, #tpu.memory_space<vmem>>
    %dma_wait3A_176 = arith.constant 0 : i32
    %dma_wait3A_177 = arith.constant 0 : i32
    %dma_wait3A_178 = tpu.memref_slice %arg2[%dma_wait3A_176, %dma_wait3A_177] : memref<100000x2048xf32, #tpu.memory_space<hbm>> -> memref<100000x2048xf32, #tpu.memory_space<hbm>>
    tpu.wait_indirect_dma semaphore(%arg8 : memref<!tpu.dma_semaphore, #tpu.memory_space<semaphore_mem>>) src(%dma_wait3A_178 : memref<100000x2048xf32, #tpu.memory_space<hbm>>) dst(%arg6 : memref<16x2048xf32, #tpu.memory_space<vmem>>)
    %dma_start3A_179 = arith.constant 240 : i32
    %dma_start3A_180 = tpu.memref_slice %arg5[%dma_start3A_179] : memref<256xi32, #tpu.memory_space<vmem>> -> memref<16xi32, #tpu.memory_space<vmem>>
    %dma_start3A_181 = arith.constant 0 : i32
    %dma_start3A_182 = arith.constant 0 : i32
    %dma_start3A_183 = tpu.memref_slice %arg2[%dma_start3A_181, %dma_start3A_182] : memref<100000x2048xf32, #tpu.memory_space<hbm>> -> memref<100000x2048xf32, #tpu.memory_space<hbm>>
    tpu.enqueue_indirect_dma source(%dma_start3A_183 : memref<100000x2048xf32, #tpu.memory_space<hbm>>) target(%arg7 : memref<16x2048xf32, #tpu.memory_space<vmem>>) offsets(%dma_start3A_180 : memref<16xi32, #tpu.memory_space<vmem>>) semaphore(%arg9 : memref<!tpu.dma_semaphore, #tpu.memory_space<semaphore_mem>>)
    %add3A_184 = arith.constant 224 : i32
    %add3A_185 = arith.addi %multiple_of3A, %add3A_184 : i32
    "tpu.region"() ({
      %run_scoped3A = tpu.sem_alloc : memref<!tpu.dma_semaphore, #tpu.memory_space<semaphore_mem>>
      %dma_start3A_193 = arith.constant 0 : i32
      %dma_start3A_194 = tpu.memref_slice %arg4[%add3A_185, %dma_start3A_193] : memref<8192x2048xf32, #tpu.memory_space<hbm>> -> memref<16x2048xf32, #tpu.memory_space<hbm>>
      %dma_start3A_195 = arith.constant 0 : i32
      %dma_start3A_196 = tpu.memref_slice %arg4[%add3A_185, %dma_start3A_195] : memref<8192x2048xf32, #tpu.memory_space<hbm>> -> memref<16x2048xf32, #tpu.memory_space<hbm>>
      tpu.enqueue_dma source(%arg6 : memref<16x2048xf32, #tpu.memory_space<vmem>>) target(%dma_start3A_196 : memref<16x2048xf32, #tpu.memory_space<hbm>>) target_semaphore(%run_scoped3A : memref<!tpu.dma_semaphore, #tpu.memory_space<semaphore_mem>>)
      %dma_wait3A_197 = arith.constant 0 : i32
      %dma_wait3A_198 = tpu.memref_slice %arg4[%add3A_185, %dma_wait3A_197] : memref<8192x2048xf32, #tpu.memory_space<hbm>> -> memref<16x2048xf32, #tpu.memory_space<hbm>>
      %dma_wait3A_199 = arith.constant 0 : i32
      %dma_wait3A_200 = tpu.memref_slice %arg4[%add3A_185, %dma_wait3A_199] : memref<8192x2048xf32, #tpu.memory_space<hbm>> -> memref<16x2048xf32, #tpu.memory_space<hbm>>
      tpu.wait_dma2 semaphore(%run_scoped3A : memref<!tpu.dma_semaphore, #tpu.memory_space<semaphore_mem>>) src(%arg6 : memref<16x2048xf32, #tpu.memory_space<vmem>>) dst(%dma_wait3A_200 : memref<16x2048xf32, #tpu.memory_space<hbm>>)
      tpu.yield
    }) : () -> ()
    %dma_wait3A_186 = arith.constant 240 : i32
    %dma_wait3A_187 = tpu.memref_slice %arg5[%dma_wait3A_186] : memref<256xi32, #tpu.memory_space<vmem>> -> memref<16xi32, #tpu.memory_space<vmem>>
    %dma_wait3A_188 = arith.constant 0 : i32
    %dma_wait3A_189 = arith.constant 0 : i32
    %dma_wait3A_190 = tpu.memref_slice %arg2[%dma_wait3A_188, %dma_wait3A_189] : memref<100000x2048xf32, #tpu.memory_space<hbm>> -> memref<100000x2048xf32, #tpu.memory_space<hbm>>
    tpu.wait_indirect_dma semaphore(%arg9 : memref<!tpu.dma_semaphore, #tpu.memory_space<semaphore_mem>>) src(%dma_wait3A_190 : memref<100000x2048xf32, #tpu.memory_space<hbm>>) dst(%arg7 : memref<16x2048xf32, #tpu.memory_space<vmem>>)
    %add3A_191 = arith.constant 240 : i32
    %add3A_192 = arith.addi %multiple_of3A, %add3A_191 : i32
    "tpu.region"() ({
      %run_scoped3A = tpu.sem_alloc : memref<!tpu.dma_semaphore, #tpu.memory_space<semaphore_mem>>
      %dma_start3A_193 = arith.constant 0 : i32
      %dma_start3A_194 = tpu.memref_slice %arg4[%add3A_192, %dma_start3A_193] : memref<8192x2048xf32, #tpu.memory_space<hbm>> -> memref<16x2048xf32, #tpu.memory_space<hbm>>
      %dma_start3A_195 = arith.constant 0 : i32
      %dma_start3A_196 = tpu.memref_slice %arg4[%add3A_192, %dma_start3A_195] : memref<8192x2048xf32, #tpu.memory_space<hbm>> -> memref<16x2048xf32, #tpu.memory_space<hbm>>
      tpu.enqueue_dma source(%arg7 : memref<16x2048xf32, #tpu.memory_space<vmem>>) target(%dma_start3A_196 : memref<16x2048xf32, #tpu.memory_space<hbm>>) target_semaphore(%run_scoped3A : memref<!tpu.dma_semaphore, #tpu.memory_space<semaphore_mem>>)
      %dma_wait3A_197 = arith.constant 0 : i32
      %dma_wait3A_198 = tpu.memref_slice %arg4[%add3A_192, %dma_wait3A_197] : memref<8192x2048xf32, #tpu.memory_space<hbm>> -> memref<16x2048xf32, #tpu.memory_space<hbm>>
      %dma_wait3A_199 = arith.constant 0 : i32
      %dma_wait3A_200 = tpu.memref_slice %arg4[%add3A_192, %dma_wait3A_199] : memref<8192x2048xf32, #tpu.memory_space<hbm>> -> memref<16x2048xf32, #tpu.memory_space<hbm>>
      tpu.wait_dma2 semaphore(%run_scoped3A : memref<!tpu.dma_semaphore, #tpu.memory_space<semaphore_mem>>) src(%arg7 : memref<16x2048xf32, #tpu.memory_space<vmem>>) dst(%dma_wait3A_200 : memref<16x2048xf32, #tpu.memory_space<hbm>>)
      tpu.yield
    }) : () -> ()
    return
  }
}

#map = affine_map<(d0, d1) -> (0, 0)>
#map1 = affine_map<(d0, d1) -> (0)>
module attributes {stable_mosaic.version = 14 : i64} {
  func.func @_sc_gather_body(%arg0: i32, %arg1: i32, %arg2: memref<100000x2048xf32, #tpu.memory_space<hbm>>, %arg3: memref<8192xi32, #tpu.memory_space<hbm>>, %arg4: memref<8192x2048xf32, #tpu.memory_space<hbm>>, %arg5: memref<256xi32, #tpu.memory_space<vmem>>, %arg6: memref<16x2048xf32, #tpu.memory_space<vmem>>, %arg7: memref<16x2048xf32, #tpu.memory_space<vmem>>, %arg8: memref<!tpu.dma_semaphore, #tpu.memory_space<semaphore_mem>>, %arg9: memref<!tpu.dma_semaphore, #tpu.memory_space<semaphore_mem>>) attributes {dimension_semantics = [#tpu.dimension_semantics<core_parallel>, #tpu.dimension_semantics<subcore_parallel>], iteration_bounds = array<i64: 2, 16>, scalar_prefetch = 0 : i64, scratch_operands = 5 : i64, tpu.core_type = #tpu.core_type<sc_vector_subcore>, window_params = [{transform_indices = #map}, {transform_indices = #map1}, {transform_indices = #map}]} {
    %mul3A = arith.constant 2 : i32
    %mul3A_0 = arith.muli %arg1, %mul3A : i32
    %add3A = arith.addi %mul3A_0, %arg0 : i32
    %mul3A_1 = arith.constant 256 : i32
    %mul3A_2 = arith.muli %add3A, %mul3A_1 : i32
    %multiple_of3A = tpu.assume_multiple %mul3A_2, 8 : i32
    "tpu.region"() ({
      %run_scoped3A = tpu.sem_alloc : memref<!tpu.dma_semaphore, #tpu.memory_space<semaphore_mem>>
      %dma_start3A_193 = tpu.memref_slice %arg3[%multiple_of3A] : memref<8192xi32, #tpu.memory_space<hbm>> -> memref<256xi32, #tpu.memory_space<hbm>>
      %dma_start3A_194 = tpu.memref_slice %arg3[%multiple_of3A] : memref<8192xi32, #tpu.memory_space<hbm>> -> memref<256xi32, #tpu.memory_space<hbm>>
      tpu.enqueue_dma source(%dma_start3A_194 : memref<256xi32, #tpu.memory_space<hbm>>) target(%arg5 : memref<256xi32, #tpu.memory_space<vmem>>) target_semaphore(%run_scoped3A : memref<!tpu.dma_semaphore, #tpu.memory_space<semaphore_mem>>)
      %dma_wait3A_195 = tpu.memref_slice %arg3[%multiple_of3A] : memref<8192xi32, #tpu.memory_space<hbm>> -> memref<256xi32, #tpu.memory_space<hbm>>
      %dma_wait3A_196 = tpu.memref_slice %arg3[%multiple_of3A] : memref<8192xi32, #tpu.memory_space<hbm>> -> memref<256xi32, #tpu.memory_space<hbm>>
      tpu.wait_dma2 semaphore(%run_scoped3A : memref<!tpu.dma_semaphore, #tpu.memory_space<semaphore_mem>>) src(%dma_wait3A_196 : memref<256xi32, #tpu.memory_space<hbm>>) dst(%arg5 : memref<256xi32, #tpu.memory_space<vmem>>)
      tpu.yield
    }) : () -> ()
    %dma_start3A = arith.constant 0 : i32
    %dma_start3A_3 = tpu.memref_slice %arg5[%dma_start3A] : memref<256xi32, #tpu.memory_space<vmem>> -> memref<16xi32, #tpu.memory_space<vmem>>
    %dma_start3A_4 = arith.constant 0 : i32
    %dma_start3A_5 = arith.constant 0 : i32
    %dma_start3A_6 = tpu.memref_slice %arg2[%dma_start3A_4, %dma_start3A_5] : memref<100000x2048xf32, #tpu.memory_space<hbm>> -> memref<100000x2048xf32, #tpu.memory_space<hbm>>
    tpu.enqueue_indirect_dma source(%dma_start3A_6 : memref<100000x2048xf32, #tpu.memory_space<hbm>>) target(%arg6 : memref<16x2048xf32, #tpu.memory_space<vmem>>) offsets(%dma_start3A_3 : memref<16xi32, #tpu.memory_space<vmem>>) semaphore(%arg8 : memref<!tpu.dma_semaphore, #tpu.memory_space<semaphore_mem>>)
    %dma_wait3A = arith.constant 0 : i32
    %dma_wait3A_7 = tpu.memref_slice %arg5[%dma_wait3A] : memref<256xi32, #tpu.memory_space<vmem>> -> memref<16xi32, #tpu.memory_space<vmem>>
    %dma_wait3A_8 = arith.constant 0 : i32
    %dma_wait3A_9 = arith.constant 0 : i32
    %dma_wait3A_10 = tpu.memref_slice %arg2[%dma_wait3A_8, %dma_wait3A_9] : memref<100000x2048xf32, #tpu.memory_space<hbm>> -> memref<100000x2048xf32, #tpu.memory_space<hbm>>
    tpu.wait_indirect_dma semaphore(%arg8 : memref<!tpu.dma_semaphore, #tpu.memory_space<semaphore_mem>>) src(%dma_wait3A_10 : memref<100000x2048xf32, #tpu.memory_space<hbm>>) dst(%arg6 : memref<16x2048xf32, #tpu.memory_space<vmem>>)
    %dma_start3A_11 = arith.constant 16 : i32
    %dma_start3A_12 = tpu.memref_slice %arg5[%dma_start3A_11] : memref<256xi32, #tpu.memory_space<vmem>> -> memref<16xi32, #tpu.memory_space<vmem>>
    %dma_start3A_13 = arith.constant 0 : i32
    %dma_start3A_14 = arith.constant 0 : i32
    %dma_start3A_15 = tpu.memref_slice %arg2[%dma_start3A_13, %dma_start3A_14] : memref<100000x2048xf32, #tpu.memory_space<hbm>> -> memref<100000x2048xf32, #tpu.memory_space<hbm>>
    tpu.enqueue_indirect_dma source(%dma_start3A_15 : memref<100000x2048xf32, #tpu.memory_space<hbm>>) target(%arg7 : memref<16x2048xf32, #tpu.memory_space<vmem>>) offsets(%dma_start3A_12 : memref<16xi32, #tpu.memory_space<vmem>>) semaphore(%arg9 : memref<!tpu.dma_semaphore, #tpu.memory_space<semaphore_mem>>)
    %add3A_16 = arith.constant 0 : i32
    %add3A_17 = arith.addi %multiple_of3A, %add3A_16 : i32
    "tpu.region"() ({
      %run_scoped3A = tpu.sem_alloc : memref<!tpu.dma_semaphore, #tpu.memory_space<semaphore_mem>>
      %dma_start3A_193 = arith.constant 0 : i32
      %dma_start3A_194 = tpu.memref_slice %arg4[%add3A_17, %dma_start3A_193] : memref<8192x2048xf32, #tpu.memory_space<hbm>> -> memref<16x2048xf32, #tpu.memory_space<hbm>>
      %dma_start3A_195 = arith.constant 0 : i32
      %dma_start3A_196 = tpu.memref_slice %arg4[%add3A_17, %dma_start3A_195] : memref<8192x2048xf32, #tpu.memory_space<hbm>> -> memref<16x2048xf32, #tpu.memory_space<hbm>>
      tpu.enqueue_dma source(%arg6 : memref<16x2048xf32, #tpu.memory_space<vmem>>) target(%dma_start3A_196 : memref<16x2048xf32, #tpu.memory_space<hbm>>) target_semaphore(%run_scoped3A : memref<!tpu.dma_semaphore, #tpu.memory_space<semaphore_mem>>)
      %dma_wait3A_197 = arith.constant 0 : i32
      %dma_wait3A_198 = tpu.memref_slice %arg4[%add3A_17, %dma_wait3A_197] : memref<8192x2048xf32, #tpu.memory_space<hbm>> -> memref<16x2048xf32, #tpu.memory_space<hbm>>
      %dma_wait3A_199 = arith.constant 0 : i32
      %dma_wait3A_200 = tpu.memref_slice %arg4[%add3A_17, %dma_wait3A_199] : memref<8192x2048xf32, #tpu.memory_space<hbm>> -> memref<16x2048xf32, #tpu.memory_space<hbm>>
      tpu.wait_dma2 semaphore(%run_scoped3A : memref<!tpu.dma_semaphore, #tpu.memory_space<semaphore_mem>>) src(%arg6 : memref<16x2048xf32, #tpu.memory_space<vmem>>) dst(%dma_wait3A_200 : memref<16x2048xf32, #tpu.memory_space<hbm>>)
      tpu.yield
    }) : () -> ()
    %dma_wait3A_18 = arith.constant 16 : i32
    %dma_wait3A_19 = tpu.memref_slice %arg5[%dma_wait3A_18] : memref<256xi32, #tpu.memory_space<vmem>> -> memref<16xi32, #tpu.memory_space<vmem>>
    %dma_wait3A_20 = arith.constant 0 : i32
    %dma_wait3A_21 = arith.constant 0 : i32
    %dma_wait3A_22 = tpu.memref_slice %arg2[%dma_wait3A_20, %dma_wait3A_21] : memref<100000x2048xf32, #tpu.memory_space<hbm>> -> memref<100000x2048xf32, #tpu.memory_space<hbm>>
    tpu.wait_indirect_dma semaphore(%arg9 : memref<!tpu.dma_semaphore, #tpu.memory_space<semaphore_mem>>) src(%dma_wait3A_22 : memref<100000x2048xf32, #tpu.memory_space<hbm>>) dst(%arg7 : memref<16x2048xf32, #tpu.memory_space<vmem>>)
    %dma_start3A_23 = arith.constant 32 : i32
    %dma_start3A_24 = tpu.memref_slice %arg5[%dma_start3A_23] : memref<256xi32, #tpu.memory_space<vmem>> -> memref<16xi32, #tpu.memory_space<vmem>>
    %dma_start3A_25 = arith.constant 0 : i32
    %dma_start3A_26 = arith.constant 0 : i32
    %dma_start3A_27 = tpu.memref_slice %arg2[%dma_start3A_25, %dma_start3A_26] : memref<100000x2048xf32, #tpu.memory_space<hbm>> -> memref<100000x2048xf32, #tpu.memory_space<hbm>>
    tpu.enqueue_indirect_dma source(%dma_start3A_27 : memref<100000x2048xf32, #tpu.memory_space<hbm>>) target(%arg6 : memref<16x2048xf32, #tpu.memory_space<vmem>>) offsets(%dma_start3A_24 : memref<16xi32, #tpu.memory_space<vmem>>) semaphore(%arg8 : memref<!tpu.dma_semaphore, #tpu.memory_space<semaphore_mem>>)
    %add3A_28 = arith.constant 16 : i32
    %add3A_29 = arith.addi %multiple_of3A, %add3A_28 : i32
    "tpu.region"() ({
      %run_scoped3A = tpu.sem_alloc : memref<!tpu.dma_semaphore, #tpu.memory_space<semaphore_mem>>
      %dma_start3A_193 = arith.constant 0 : i32
      %dma_start3A_194 = tpu.memref_slice %arg4[%add3A_29, %dma_start3A_193] : memref<8192x2048xf32, #tpu.memory_space<hbm>> -> memref<16x2048xf32, #tpu.memory_space<hbm>>
      %dma_start3A_195 = arith.constant 0 : i32
      %dma_start3A_196 = tpu.memref_slice %arg4[%add3A_29, %dma_start3A_195] : memref<8192x2048xf32, #tpu.memory_space<hbm>> -> memref<16x2048xf32, #tpu.memory_space<hbm>>
      tpu.enqueue_dma source(%arg7 : memref<16x2048xf32, #tpu.memory_space<vmem>>) target(%dma_start3A_196 : memref<16x2048xf32, #tpu.memory_space<hbm>>) target_semaphore(%run_scoped3A : memref<!tpu.dma_semaphore, #tpu.memory_space<semaphore_mem>>)
      %dma_wait3A_197 = arith.constant 0 : i32
      %dma_wait3A_198 = tpu.memref_slice %arg4[%add3A_29, %dma_wait3A_197] : memref<8192x2048xf32, #tpu.memory_space<hbm>> -> memref<16x2048xf32, #tpu.memory_space<hbm>>
      %dma_wait3A_199 = arith.constant 0 : i32
      %dma_wait3A_200 = tpu.memref_slice %arg4[%add3A_29, %dma_wait3A_199] : memref<8192x2048xf32, #tpu.memory_space<hbm>> -> memref<16x2048xf32, #tpu.memory_space<hbm>>
      tpu.wait_dma2 semaphore(%run_scoped3A : memref<!tpu.dma_semaphore, #tpu.memory_space<semaphore_mem>>) src(%arg7 : memref<16x2048xf32, #tpu.memory_space<vmem>>) dst(%dma_wait3A_200 : memref<16x2048xf32, #tpu.memory_space<hbm>>)
      tpu.yield
    }) : () -> ()
    %dma_wait3A_30 = arith.constant 32 : i32
    %dma_wait3A_31 = tpu.memref_slice %arg5[%dma_wait3A_30] : memref<256xi32, #tpu.memory_space<vmem>> -> memref<16xi32, #tpu.memory_space<vmem>>
    %dma_wait3A_32 = arith.constant 0 : i32
    %dma_wait3A_33 = arith.constant 0 : i32
    %dma_wait3A_34 = tpu.memref_slice %arg2[%dma_wait3A_32, %dma_wait3A_33] : memref<100000x2048xf32, #tpu.memory_space<hbm>> -> memref<100000x2048xf32, #tpu.memory_space<hbm>>
    tpu.wait_indirect_dma semaphore(%arg8 : memref<!tpu.dma_semaphore, #tpu.memory_space<semaphore_mem>>) src(%dma_wait3A_34 : memref<100000x2048xf32, #tpu.memory_space<hbm>>) dst(%arg6 : memref<16x2048xf32, #tpu.memory_space<vmem>>)
    %dma_start3A_35 = arith.constant 48 : i32
    %dma_start3A_36 = tpu.memref_slice %arg5[%dma_start3A_35] : memref<256xi32, #tpu.memory_space<vmem>> -> memref<16xi32, #tpu.memory_space<vmem>>
    %dma_start3A_37 = arith.constant 0 : i32
    %dma_start3A_38 = arith.constant 0 : i32
    %dma_start3A_39 = tpu.memref_slice %arg2[%dma_start3A_37, %dma_start3A_38] : memref<100000x2048xf32, #tpu.memory_space<hbm>> -> memref<100000x2048xf32, #tpu.memory_space<hbm>>
    tpu.enqueue_indirect_dma source(%dma_start3A_39 : memref<100000x2048xf32, #tpu.memory_space<hbm>>) target(%arg7 : memref<16x2048xf32, #tpu.memory_space<vmem>>) offsets(%dma_start3A_36 : memref<16xi32, #tpu.memory_space<vmem>>) semaphore(%arg9 : memref<!tpu.dma_semaphore, #tpu.memory_space<semaphore_mem>>)
    %add3A_40 = arith.constant 32 : i32
    %add3A_41 = arith.addi %multiple_of3A, %add3A_40 : i32
    "tpu.region"() ({
      %run_scoped3A = tpu.sem_alloc : memref<!tpu.dma_semaphore, #tpu.memory_space<semaphore_mem>>
      %dma_start3A_193 = arith.constant 0 : i32
      %dma_start3A_194 = tpu.memref_slice %arg4[%add3A_41, %dma_start3A_193] : memref<8192x2048xf32, #tpu.memory_space<hbm>> -> memref<16x2048xf32, #tpu.memory_space<hbm>>
      %dma_start3A_195 = arith.constant 0 : i32
      %dma_start3A_196 = tpu.memref_slice %arg4[%add3A_41, %dma_start3A_195] : memref<8192x2048xf32, #tpu.memory_space<hbm>> -> memref<16x2048xf32, #tpu.memory_space<hbm>>
      tpu.enqueue_dma source(%arg6 : memref<16x2048xf32, #tpu.memory_space<vmem>>) target(%dma_start3A_196 : memref<16x2048xf32, #tpu.memory_space<hbm>>) target_semaphore(%run_scoped3A : memref<!tpu.dma_semaphore, #tpu.memory_space<semaphore_mem>>)
      %dma_wait3A_197 = arith.constant 0 : i32
      %dma_wait3A_198 = tpu.memref_slice %arg4[%add3A_41, %dma_wait3A_197] : memref<8192x2048xf32, #tpu.memory_space<hbm>> -> memref<16x2048xf32, #tpu.memory_space<hbm>>
      %dma_wait3A_199 = arith.constant 0 : i32
      %dma_wait3A_200 = tpu.memref_slice %arg4[%add3A_41, %dma_wait3A_199] : memref<8192x2048xf32, #tpu.memory_space<hbm>> -> memref<16x2048xf32, #tpu.memory_space<hbm>>
      tpu.wait_dma2 semaphore(%run_scoped3A : memref<!tpu.dma_semaphore, #tpu.memory_space<semaphore_mem>>) src(%arg6 : memref<16x2048xf32, #tpu.memory_space<vmem>>) dst(%dma_wait3A_200 : memref<16x2048xf32, #tpu.memory_space<hbm>>)
      tpu.yield
    }) : () -> ()
    %dma_wait3A_42 = arith.constant 48 : i32
    %dma_wait3A_43 = tpu.memref_slice %arg5[%dma_wait3A_42] : memref<256xi32, #tpu.memory_space<vmem>> -> memref<16xi32, #tpu.memory_space<vmem>>
    %dma_wait3A_44 = arith.constant 0 : i32
    %dma_wait3A_45 = arith.constant 0 : i32
    %dma_wait3A_46 = tpu.memref_slice %arg2[%dma_wait3A_44, %dma_wait3A_45] : memref<100000x2048xf32, #tpu.memory_space<hbm>> -> memref<100000x2048xf32, #tpu.memory_space<hbm>>
    tpu.wait_indirect_dma semaphore(%arg9 : memref<!tpu.dma_semaphore, #tpu.memory_space<semaphore_mem>>) src(%dma_wait3A_46 : memref<100000x2048xf32, #tpu.memory_space<hbm>>) dst(%arg7 : memref<16x2048xf32, #tpu.memory_space<vmem>>)
    %dma_start3A_47 = arith.constant 64 : i32
    %dma_start3A_48 = tpu.memref_slice %arg5[%dma_start3A_47] : memref<256xi32, #tpu.memory_space<vmem>> -> memref<16xi32, #tpu.memory_space<vmem>>
    %dma_start3A_49 = arith.constant 0 : i32
    %dma_start3A_50 = arith.constant 0 : i32
    %dma_start3A_51 = tpu.memref_slice %arg2[%dma_start3A_49, %dma_start3A_50] : memref<100000x2048xf32, #tpu.memory_space<hbm>> -> memref<100000x2048xf32, #tpu.memory_space<hbm>>
    tpu.enqueue_indirect_dma source(%dma_start3A_51 : memref<100000x2048xf32, #tpu.memory_space<hbm>>) target(%arg6 : memref<16x2048xf32, #tpu.memory_space<vmem>>) offsets(%dma_start3A_48 : memref<16xi32, #tpu.memory_space<vmem>>) semaphore(%arg8 : memref<!tpu.dma_semaphore, #tpu.memory_space<semaphore_mem>>)
    %add3A_52 = arith.constant 48 : i32
    %add3A_53 = arith.addi %multiple_of3A, %add3A_52 : i32
    "tpu.region"() ({
      %run_scoped3A = tpu.sem_alloc : memref<!tpu.dma_semaphore, #tpu.memory_space<semaphore_mem>>
      %dma_start3A_193 = arith.constant 0 : i32
      %dma_start3A_194 = tpu.memref_slice %arg4[%add3A_53, %dma_start3A_193] : memref<8192x2048xf32, #tpu.memory_space<hbm>> -> memref<16x2048xf32, #tpu.memory_space<hbm>>
      %dma_start3A_195 = arith.constant 0 : i32
      %dma_start3A_196 = tpu.memref_slice %arg4[%add3A_53, %dma_start3A_195] : memref<8192x2048xf32, #tpu.memory_space<hbm>> -> memref<16x2048xf32, #tpu.memory_space<hbm>>
      tpu.enqueue_dma source(%arg7 : memref<16x2048xf32, #tpu.memory_space<vmem>>) target(%dma_start3A_196 : memref<16x2048xf32, #tpu.memory_space<hbm>>) target_semaphore(%run_scoped3A : memref<!tpu.dma_semaphore, #tpu.memory_space<semaphore_mem>>)
      %dma_wait3A_197 = arith.constant 0 : i32
      %dma_wait3A_198 = tpu.memref_slice %arg4[%add3A_53, %dma_wait3A_197] : memref<8192x2048xf32, #tpu.memory_space<hbm>> -> memref<16x2048xf32, #tpu.memory_space<hbm>>
      %dma_wait3A_199 = arith.constant 0 : i32
      %dma_wait3A_200 = tpu.memref_slice %arg4[%add3A_53, %dma_wait3A_199] : memref<8192x2048xf32, #tpu.memory_space<hbm>> -> memref<16x2048xf32, #tpu.memory_space<hbm>>
      tpu.wait_dma2 semaphore(%run_scoped3A : memref<!tpu.dma_semaphore, #tpu.memory_space<semaphore_mem>>) src(%arg7 : memref<16x2048xf32, #tpu.memory_space<vmem>>) dst(%dma_wait3A_200 : memref<16x2048xf32, #tpu.memory_space<hbm>>)
      tpu.yield
    }) : () -> ()
    %dma_wait3A_54 = arith.constant 64 : i32
    %dma_wait3A_55 = tpu.memref_slice %arg5[%dma_wait3A_54] : memref<256xi32, #tpu.memory_space<vmem>> -> memref<16xi32, #tpu.memory_space<vmem>>
    %dma_wait3A_56 = arith.constant 0 : i32
    %dma_wait3A_57 = arith.constant 0 : i32
    %dma_wait3A_58 = tpu.memref_slice %arg2[%dma_wait3A_56, %dma_wait3A_57] : memref<100000x2048xf32, #tpu.memory_space<hbm>> -> memref<100000x2048xf32, #tpu.memory_space<hbm>>
    tpu.wait_indirect_dma semaphore(%arg8 : memref<!tpu.dma_semaphore, #tpu.memory_space<semaphore_mem>>) src(%dma_wait3A_58 : memref<100000x2048xf32, #tpu.memory_space<hbm>>) dst(%arg6 : memref<16x2048xf32, #tpu.memory_space<vmem>>)
    %dma_start3A_59 = arith.constant 80 : i32
    %dma_start3A_60 = tpu.memref_slice %arg5[%dma_start3A_59] : memref<256xi32, #tpu.memory_space<vmem>> -> memref<16xi32, #tpu.memory_space<vmem>>
    %dma_start3A_61 = arith.constant 0 : i32
    %dma_start3A_62 = arith.constant 0 : i32
    %dma_start3A_63 = tpu.memref_slice %arg2[%dma_start3A_61, %dma_start3A_62] : memref<100000x2048xf32, #tpu.memory_space<hbm>> -> memref<100000x2048xf32, #tpu.memory_space<hbm>>
    tpu.enqueue_indirect_dma source(%dma_start3A_63 : memref<100000x2048xf32, #tpu.memory_space<hbm>>) target(%arg7 : memref<16x2048xf32, #tpu.memory_space<vmem>>) offsets(%dma_start3A_60 : memref<16xi32, #tpu.memory_space<vmem>>) semaphore(%arg9 : memref<!tpu.dma_semaphore, #tpu.memory_space<semaphore_mem>>)
    %add3A_64 = arith.constant 64 : i32
    %add3A_65 = arith.addi %multiple_of3A, %add3A_64 : i32
    "tpu.region"() ({
      %run_scoped3A = tpu.sem_alloc : memref<!tpu.dma_semaphore, #tpu.memory_space<semaphore_mem>>
      %dma_start3A_193 = arith.constant 0 : i32
      %dma_start3A_194 = tpu.memref_slice %arg4[%add3A_65, %dma_start3A_193] : memref<8192x2048xf32, #tpu.memory_space<hbm>> -> memref<16x2048xf32, #tpu.memory_space<hbm>>
      %dma_start3A_195 = arith.constant 0 : i32
      %dma_start3A_196 = tpu.memref_slice %arg4[%add3A_65, %dma_start3A_195] : memref<8192x2048xf32, #tpu.memory_space<hbm>> -> memref<16x2048xf32, #tpu.memory_space<hbm>>
      tpu.enqueue_dma source(%arg6 : memref<16x2048xf32, #tpu.memory_space<vmem>>) target(%dma_start3A_196 : memref<16x2048xf32, #tpu.memory_space<hbm>>) target_semaphore(%run_scoped3A : memref<!tpu.dma_semaphore, #tpu.memory_space<semaphore_mem>>)
      %dma_wait3A_197 = arith.constant 0 : i32
      %dma_wait3A_198 = tpu.memref_slice %arg4[%add3A_65, %dma_wait3A_197] : memref<8192x2048xf32, #tpu.memory_space<hbm>> -> memref<16x2048xf32, #tpu.memory_space<hbm>>
      %dma_wait3A_199 = arith.constant 0 : i32
      %dma_wait3A_200 = tpu.memref_slice %arg4[%add3A_65, %dma_wait3A_199] : memref<8192x2048xf32, #tpu.memory_space<hbm>> -> memref<16x2048xf32, #tpu.memory_space<hbm>>
      tpu.wait_dma2 semaphore(%run_scoped3A : memref<!tpu.dma_semaphore, #tpu.memory_space<semaphore_mem>>) src(%arg6 : memref<16x2048xf32, #tpu.memory_space<vmem>>) dst(%dma_wait3A_200 : memref<16x2048xf32, #tpu.memory_space<hbm>>)
      tpu.yield
    }) : () -> ()
    %dma_wait3A_66 = arith.constant 80 : i32
    %dma_wait3A_67 = tpu.memref_slice %arg5[%dma_wait3A_66] : memref<256xi32, #tpu.memory_space<vmem>> -> memref<16xi32, #tpu.memory_space<vmem>>
    %dma_wait3A_68 = arith.constant 0 : i32
    %dma_wait3A_69 = arith.constant 0 : i32
    %dma_wait3A_70 = tpu.memref_slice %arg2[%dma_wait3A_68, %dma_wait3A_69] : memref<100000x2048xf32, #tpu.memory_space<hbm>> -> memref<100000x2048xf32, #tpu.memory_space<hbm>>
    tpu.wait_indirect_dma semaphore(%arg9 : memref<!tpu.dma_semaphore, #tpu.memory_space<semaphore_mem>>) src(%dma_wait3A_70 : memref<100000x2048xf32, #tpu.memory_space<hbm>>) dst(%arg7 : memref<16x2048xf32, #tpu.memory_space<vmem>>)
    %dma_start3A_71 = arith.constant 96 : i32
    %dma_start3A_72 = tpu.memref_slice %arg5[%dma_start3A_71] : memref<256xi32, #tpu.memory_space<vmem>> -> memref<16xi32, #tpu.memory_space<vmem>>
    %dma_start3A_73 = arith.constant 0 : i32
    %dma_start3A_74 = arith.constant 0 : i32
    %dma_start3A_75 = tpu.memref_slice %arg2[%dma_start3A_73, %dma_start3A_74] : memref<100000x2048xf32, #tpu.memory_space<hbm>> -> memref<100000x2048xf32, #tpu.memory_space<hbm>>
    tpu.enqueue_indirect_dma source(%dma_start3A_75 : memref<100000x2048xf32, #tpu.memory_space<hbm>>) target(%arg6 : memref<16x2048xf32, #tpu.memory_space<vmem>>) offsets(%dma_start3A_72 : memref<16xi32, #tpu.memory_space<vmem>>) semaphore(%arg8 : memref<!tpu.dma_semaphore, #tpu.memory_space<semaphore_mem>>)
    %add3A_76 = arith.constant 80 : i32
    %add3A_77 = arith.addi %multiple_of3A, %add3A_76 : i32
    "tpu.region"() ({
      %run_scoped3A = tpu.sem_alloc : memref<!tpu.dma_semaphore, #tpu.memory_space<semaphore_mem>>
      %dma_start3A_193 = arith.constant 0 : i32
      %dma_start3A_194 = tpu.memref_slice %arg4[%add3A_77, %dma_start3A_193] : memref<8192x2048xf32, #tpu.memory_space<hbm>> -> memref<16x2048xf32, #tpu.memory_space<hbm>>
      %dma_start3A_195 = arith.constant 0 : i32
      %dma_start3A_196 = tpu.memref_slice %arg4[%add3A_77, %dma_start3A_195] : memref<8192x2048xf32, #tpu.memory_space<hbm>> -> memref<16x2048xf32, #tpu.memory_space<hbm>>
      tpu.enqueue_dma source(%arg7 : memref<16x2048xf32, #tpu.memory_space<vmem>>) target(%dma_start3A_196 : memref<16x2048xf32, #tpu.memory_space<hbm>>) target_semaphore(%run_scoped3A : memref<!tpu.dma_semaphore, #tpu.memory_space<semaphore_mem>>)
      %dma_wait3A_197 = arith.constant 0 : i32
      %dma_wait3A_198 = tpu.memref_slice %arg4[%add3A_77, %dma_wait3A_197] : memref<8192x2048xf32, #tpu.memory_space<hbm>> -> memref<16x2048xf32, #tpu.memory_space<hbm>>
      %dma_wait3A_199 = arith.constant 0 : i32
      %dma_wait3A_200 = tpu.memref_slice %arg4[%add3A_77, %dma_wait3A_199] : memref<8192x2048xf32, #tpu.memory_space<hbm>> -> memref<16x2048xf32, #tpu.memory_space<hbm>>
      tpu.wait_dma2 semaphore(%run_scoped3A : memref<!tpu.dma_semaphore, #tpu.memory_space<semaphore_mem>>) src(%arg7 : memref<16x2048xf32, #tpu.memory_space<vmem>>) dst(%dma_wait3A_200 : memref<16x2048xf32, #tpu.memory_space<hbm>>)
      tpu.yield
    }) : () -> ()
    %dma_wait3A_78 = arith.constant 96 : i32
    %dma_wait3A_79 = tpu.memref_slice %arg5[%dma_wait3A_78] : memref<256xi32, #tpu.memory_space<vmem>> -> memref<16xi32, #tpu.memory_space<vmem>>
    %dma_wait3A_80 = arith.constant 0 : i32
    %dma_wait3A_81 = arith.constant 0 : i32
    %dma_wait3A_82 = tpu.memref_slice %arg2[%dma_wait3A_80, %dma_wait3A_81] : memref<100000x2048xf32, #tpu.memory_space<hbm>> -> memref<100000x2048xf32, #tpu.memory_space<hbm>>
    tpu.wait_indirect_dma semaphore(%arg8 : memref<!tpu.dma_semaphore, #tpu.memory_space<semaphore_mem>>) src(%dma_wait3A_82 : memref<100000x2048xf32, #tpu.memory_space<hbm>>) dst(%arg6 : memref<16x2048xf32, #tpu.memory_space<vmem>>)
    %dma_start3A_83 = arith.constant 112 : i32
    %dma_start3A_84 = tpu.memref_slice %arg5[%dma_start3A_83] : memref<256xi32, #tpu.memory_space<vmem>> -> memref<16xi32, #tpu.memory_space<vmem>>
    %dma_start3A_85 = arith.constant 0 : i32
    %dma_start3A_86 = arith.constant 0 : i32
    %dma_start3A_87 = tpu.memref_slice %arg2[%dma_start3A_85, %dma_start3A_86] : memref<100000x2048xf32, #tpu.memory_space<hbm>> -> memref<100000x2048xf32, #tpu.memory_space<hbm>>
    tpu.enqueue_indirect_dma source(%dma_start3A_87 : memref<100000x2048xf32, #tpu.memory_space<hbm>>) target(%arg7 : memref<16x2048xf32, #tpu.memory_space<vmem>>) offsets(%dma_start3A_84 : memref<16xi32, #tpu.memory_space<vmem>>) semaphore(%arg9 : memref<!tpu.dma_semaphore, #tpu.memory_space<semaphore_mem>>)
    %add3A_88 = arith.constant 96 : i32
    %add3A_89 = arith.addi %multiple_of3A, %add3A_88 : i32
    "tpu.region"() ({
      %run_scoped3A = tpu.sem_alloc : memref<!tpu.dma_semaphore, #tpu.memory_space<semaphore_mem>>
      %dma_start3A_193 = arith.constant 0 : i32
      %dma_start3A_194 = tpu.memref_slice %arg4[%add3A_89, %dma_start3A_193] : memref<8192x2048xf32, #tpu.memory_space<hbm>> -> memref<16x2048xf32, #tpu.memory_space<hbm>>
      %dma_start3A_195 = arith.constant 0 : i32
      %dma_start3A_196 = tpu.memref_slice %arg4[%add3A_89, %dma_start3A_195] : memref<8192x2048xf32, #tpu.memory_space<hbm>> -> memref<16x2048xf32, #tpu.memory_space<hbm>>
      tpu.enqueue_dma source(%arg6 : memref<16x2048xf32, #tpu.memory_space<vmem>>) target(%dma_start3A_196 : memref<16x2048xf32, #tpu.memory_space<hbm>>) target_semaphore(%run_scoped3A : memref<!tpu.dma_semaphore, #tpu.memory_space<semaphore_mem>>)
      %dma_wait3A_197 = arith.constant 0 : i32
      %dma_wait3A_198 = tpu.memref_slice %arg4[%add3A_89, %dma_wait3A_197] : memref<8192x2048xf32, #tpu.memory_space<hbm>> -> memref<16x2048xf32, #tpu.memory_space<hbm>>
      %dma_wait3A_199 = arith.constant 0 : i32
      %dma_wait3A_200 = tpu.memref_slice %arg4[%add3A_89, %dma_wait3A_199] : memref<8192x2048xf32, #tpu.memory_space<hbm>> -> memref<16x2048xf32, #tpu.memory_space<hbm>>
      tpu.wait_dma2 semaphore(%run_scoped3A : memref<!tpu.dma_semaphore, #tpu.memory_space<semaphore_mem>>) src(%arg6 : memref<16x2048xf32, #tpu.memory_space<vmem>>) dst(%dma_wait3A_200 : memref<16x2048xf32, #tpu.memory_space<hbm>>)
      tpu.yield
    }) : () -> ()
    %dma_wait3A_90 = arith.constant 112 : i32
    %dma_wait3A_91 = tpu.memref_slice %arg5[%dma_wait3A_90] : memref<256xi32, #tpu.memory_space<vmem>> -> memref<16xi32, #tpu.memory_space<vmem>>
    %dma_wait3A_92 = arith.constant 0 : i32
    %dma_wait3A_93 = arith.constant 0 : i32
    %dma_wait3A_94 = tpu.memref_slice %arg2[%dma_wait3A_92, %dma_wait3A_93] : memref<100000x2048xf32, #tpu.memory_space<hbm>> -> memref<100000x2048xf32, #tpu.memory_space<hbm>>
    tpu.wait_indirect_dma semaphore(%arg9 : memref<!tpu.dma_semaphore, #tpu.memory_space<semaphore_mem>>) src(%dma_wait3A_94 : memref<100000x2048xf32, #tpu.memory_space<hbm>>) dst(%arg7 : memref<16x2048xf32, #tpu.memory_space<vmem>>)
    %dma_start3A_95 = arith.constant 128 : i32
    %dma_start3A_96 = tpu.memref_slice %arg5[%dma_start3A_95] : memref<256xi32, #tpu.memory_space<vmem>> -> memref<16xi32, #tpu.memory_space<vmem>>
    %dma_start3A_97 = arith.constant 0 : i32
    %dma_start3A_98 = arith.constant 0 : i32
    %dma_start3A_99 = tpu.memref_slice %arg2[%dma_start3A_97, %dma_start3A_98] : memref<100000x2048xf32, #tpu.memory_space<hbm>> -> memref<100000x2048xf32, #tpu.memory_space<hbm>>
    tpu.enqueue_indirect_dma source(%dma_start3A_99 : memref<100000x2048xf32, #tpu.memory_space<hbm>>) target(%arg6 : memref<16x2048xf32, #tpu.memory_space<vmem>>) offsets(%dma_start3A_96 : memref<16xi32, #tpu.memory_space<vmem>>) semaphore(%arg8 : memref<!tpu.dma_semaphore, #tpu.memory_space<semaphore_mem>>)
    %add3A_100 = arith.constant 112 : i32
    %add3A_101 = arith.addi %multiple_of3A, %add3A_100 : i32
    "tpu.region"() ({
      %run_scoped3A = tpu.sem_alloc : memref<!tpu.dma_semaphore, #tpu.memory_space<semaphore_mem>>
      %dma_start3A_193 = arith.constant 0 : i32
      %dma_start3A_194 = tpu.memref_slice %arg4[%add3A_101, %dma_start3A_193] : memref<8192x2048xf32, #tpu.memory_space<hbm>> -> memref<16x2048xf32, #tpu.memory_space<hbm>>
      %dma_start3A_195 = arith.constant 0 : i32
      %dma_start3A_196 = tpu.memref_slice %arg4[%add3A_101, %dma_start3A_195] : memref<8192x2048xf32, #tpu.memory_space<hbm>> -> memref<16x2048xf32, #tpu.memory_space<hbm>>
      tpu.enqueue_dma source(%arg7 : memref<16x2048xf32, #tpu.memory_space<vmem>>) target(%dma_start3A_196 : memref<16x2048xf32, #tpu.memory_space<hbm>>) target_semaphore(%run_scoped3A : memref<!tpu.dma_semaphore, #tpu.memory_space<semaphore_mem>>)
      %dma_wait3A_197 = arith.constant 0 : i32
      %dma_wait3A_198 = tpu.memref_slice %arg4[%add3A_101, %dma_wait3A_197] : memref<8192x2048xf32, #tpu.memory_space<hbm>> -> memref<16x2048xf32, #tpu.memory_space<hbm>>
      %dma_wait3A_199 = arith.constant 0 : i32
      %dma_wait3A_200 = tpu.memref_slice %arg4[%add3A_101, %dma_wait3A_199] : memref<8192x2048xf32, #tpu.memory_space<hbm>> -> memref<16x2048xf32, #tpu.memory_space<hbm>>
      tpu.wait_dma2 semaphore(%run_scoped3A : memref<!tpu.dma_semaphore, #tpu.memory_space<semaphore_mem>>) src(%arg7 : memref<16x2048xf32, #tpu.memory_space<vmem>>) dst(%dma_wait3A_200 : memref<16x2048xf32, #tpu.memory_space<hbm>>)
      tpu.yield
    }) : () -> ()
    %dma_wait3A_102 = arith.constant 128 : i32
    %dma_wait3A_103 = tpu.memref_slice %arg5[%dma_wait3A_102] : memref<256xi32, #tpu.memory_space<vmem>> -> memref<16xi32, #tpu.memory_space<vmem>>
    %dma_wait3A_104 = arith.constant 0 : i32
    %dma_wait3A_105 = arith.constant 0 : i32
    %dma_wait3A_106 = tpu.memref_slice %arg2[%dma_wait3A_104, %dma_wait3A_105] : memref<100000x2048xf32, #tpu.memory_space<hbm>> -> memref<100000x2048xf32, #tpu.memory_space<hbm>>
    tpu.wait_indirect_dma semaphore(%arg8 : memref<!tpu.dma_semaphore, #tpu.memory_space<semaphore_mem>>) src(%dma_wait3A_106 : memref<100000x2048xf32, #tpu.memory_space<hbm>>) dst(%arg6 : memref<16x2048xf32, #tpu.memory_space<vmem>>)
    %dma_start3A_107 = arith.constant 144 : i32
    %dma_start3A_108 = tpu.memref_slice %arg5[%dma_start3A_107] : memref<256xi32, #tpu.memory_space<vmem>> -> memref<16xi32, #tpu.memory_space<vmem>>
    %dma_start3A_109 = arith.constant 0 : i32
    %dma_start3A_110 = arith.constant 0 : i32
    %dma_start3A_111 = tpu.memref_slice %arg2[%dma_start3A_109, %dma_start3A_110] : memref<100000x2048xf32, #tpu.memory_space<hbm>> -> memref<100000x2048xf32, #tpu.memory_space<hbm>>
    tpu.enqueue_indirect_dma source(%dma_start3A_111 : memref<100000x2048xf32, #tpu.memory_space<hbm>>) target(%arg7 : memref<16x2048xf32, #tpu.memory_space<vmem>>) offsets(%dma_start3A_108 : memref<16xi32, #tpu.memory_space<vmem>>) semaphore(%arg9 : memref<!tpu.dma_semaphore, #tpu.memory_space<semaphore_mem>>)
    %add3A_112 = arith.constant 128 : i32
    %add3A_113 = arith.addi %multiple_of3A, %add3A_112 : i32
    "tpu.region"() ({
      %run_scoped3A = tpu.sem_alloc : memref<!tpu.dma_semaphore, #tpu.memory_space<semaphore_mem>>
      %dma_start3A_193 = arith.constant 0 : i32
      %dma_start3A_194 = tpu.memref_slice %arg4[%add3A_113, %dma_start3A_193] : memref<8192x2048xf32, #tpu.memory_space<hbm>> -> memref<16x2048xf32, #tpu.memory_space<hbm>>
      %dma_start3A_195 = arith.constant 0 : i32
      %dma_start3A_196 = tpu.memref_slice %arg4[%add3A_113, %dma_start3A_195] : memref<8192x2048xf32, #tpu.memory_space<hbm>> -> memref<16x2048xf32, #tpu.memory_space<hbm>>
      tpu.enqueue_dma source(%arg6 : memref<16x2048xf32, #tpu.memory_space<vmem>>) target(%dma_start3A_196 : memref<16x2048xf32, #tpu.memory_space<hbm>>) target_semaphore(%run_scoped3A : memref<!tpu.dma_semaphore, #tpu.memory_space<semaphore_mem>>)
      %dma_wait3A_197 = arith.constant 0 : i32
      %dma_wait3A_198 = tpu.memref_slice %arg4[%add3A_113, %dma_wait3A_197] : memref<8192x2048xf32, #tpu.memory_space<hbm>> -> memref<16x2048xf32, #tpu.memory_space<hbm>>
      %dma_wait3A_199 = arith.constant 0 : i32
      %dma_wait3A_200 = tpu.memref_slice %arg4[%add3A_113, %dma_wait3A_199] : memref<8192x2048xf32, #tpu.memory_space<hbm>> -> memref<16x2048xf32, #tpu.memory_space<hbm>>
      tpu.wait_dma2 semaphore(%run_scoped3A : memref<!tpu.dma_semaphore, #tpu.memory_space<semaphore_mem>>) src(%arg6 : memref<16x2048xf32, #tpu.memory_space<vmem>>) dst(%dma_wait3A_200 : memref<16x2048xf32, #tpu.memory_space<hbm>>)
      tpu.yield
    }) : () -> ()
    %dma_wait3A_114 = arith.constant 144 : i32
    %dma_wait3A_115 = tpu.memref_slice %arg5[%dma_wait3A_114] : memref<256xi32, #tpu.memory_space<vmem>> -> memref<16xi32, #tpu.memory_space<vmem>>
    %dma_wait3A_116 = arith.constant 0 : i32
    %dma_wait3A_117 = arith.constant 0 : i32
    %dma_wait3A_118 = tpu.memref_slice %arg2[%dma_wait3A_116, %dma_wait3A_117] : memref<100000x2048xf32, #tpu.memory_space<hbm>> -> memref<100000x2048xf32, #tpu.memory_space<hbm>>
    tpu.wait_indirect_dma semaphore(%arg9 : memref<!tpu.dma_semaphore, #tpu.memory_space<semaphore_mem>>) src(%dma_wait3A_118 : memref<100000x2048xf32, #tpu.memory_space<hbm>>) dst(%arg7 : memref<16x2048xf32, #tpu.memory_space<vmem>>)
    %dma_start3A_119 = arith.constant 160 : i32
    %dma_start3A_120 = tpu.memref_slice %arg5[%dma_start3A_119] : memref<256xi32, #tpu.memory_space<vmem>> -> memref<16xi32, #tpu.memory_space<vmem>>
    %dma_start3A_121 = arith.constant 0 : i32
    %dma_start3A_122 = arith.constant 0 : i32
    %dma_start3A_123 = tpu.memref_slice %arg2[%dma_start3A_121, %dma_start3A_122] : memref<100000x2048xf32, #tpu.memory_space<hbm>> -> memref<100000x2048xf32, #tpu.memory_space<hbm>>
    tpu.enqueue_indirect_dma source(%dma_start3A_123 : memref<100000x2048xf32, #tpu.memory_space<hbm>>) target(%arg6 : memref<16x2048xf32, #tpu.memory_space<vmem>>) offsets(%dma_start3A_120 : memref<16xi32, #tpu.memory_space<vmem>>) semaphore(%arg8 : memref<!tpu.dma_semaphore, #tpu.memory_space<semaphore_mem>>)
    %add3A_124 = arith.constant 144 : i32
    %add3A_125 = arith.addi %multiple_of3A, %add3A_124 : i32
    "tpu.region"() ({
      %run_scoped3A = tpu.sem_alloc : memref<!tpu.dma_semaphore, #tpu.memory_space<semaphore_mem>>
      %dma_start3A_193 = arith.constant 0 : i32
      %dma_start3A_194 = tpu.memref_slice %arg4[%add3A_125, %dma_start3A_193] : memref<8192x2048xf32, #tpu.memory_space<hbm>> -> memref<16x2048xf32, #tpu.memory_space<hbm>>
      %dma_start3A_195 = arith.constant 0 : i32
      %dma_start3A_196 = tpu.memref_slice %arg4[%add3A_125, %dma_start3A_195] : memref<8192x2048xf32, #tpu.memory_space<hbm>> -> memref<16x2048xf32, #tpu.memory_space<hbm>>
      tpu.enqueue_dma source(%arg7 : memref<16x2048xf32, #tpu.memory_space<vmem>>) target(%dma_start3A_196 : memref<16x2048xf32, #tpu.memory_space<hbm>>) target_semaphore(%run_scoped3A : memref<!tpu.dma_semaphore, #tpu.memory_space<semaphore_mem>>)
      %dma_wait3A_197 = arith.constant 0 : i32
      %dma_wait3A_198 = tpu.memref_slice %arg4[%add3A_125, %dma_wait3A_197] : memref<8192x2048xf32, #tpu.memory_space<hbm>> -> memref<16x2048xf32, #tpu.memory_space<hbm>>
      %dma_wait3A_199 = arith.constant 0 : i32
      %dma_wait3A_200 = tpu.memref_slice %arg4[%add3A_125, %dma_wait3A_199] : memref<8192x2048xf32, #tpu.memory_space<hbm>> -> memref<16x2048xf32, #tpu.memory_space<hbm>>
      tpu.wait_dma2 semaphore(%run_scoped3A : memref<!tpu.dma_semaphore, #tpu.memory_space<semaphore_mem>>) src(%arg7 : memref<16x2048xf32, #tpu.memory_space<vmem>>) dst(%dma_wait3A_200 : memref<16x2048xf32, #tpu.memory_space<hbm>>)
      tpu.yield
    }) : () -> ()
    %dma_wait3A_126 = arith.constant 160 : i32
    %dma_wait3A_127 = tpu.memref_slice %arg5[%dma_wait3A_126] : memref<256xi32, #tpu.memory_space<vmem>> -> memref<16xi32, #tpu.memory_space<vmem>>
    %dma_wait3A_128 = arith.constant 0 : i32
    %dma_wait3A_129 = arith.constant 0 : i32
    %dma_wait3A_130 = tpu.memref_slice %arg2[%dma_wait3A_128, %dma_wait3A_129] : memref<100000x2048xf32, #tpu.memory_space<hbm>> -> memref<100000x2048xf32, #tpu.memory_space<hbm>>
    tpu.wait_indirect_dma semaphore(%arg8 : memref<!tpu.dma_semaphore, #tpu.memory_space<semaphore_mem>>) src(%dma_wait3A_130 : memref<100000x2048xf32, #tpu.memory_space<hbm>>) dst(%arg6 : memref<16x2048xf32, #tpu.memory_space<vmem>>)
    %dma_start3A_131 = arith.constant 176 : i32
    %dma_start3A_132 = tpu.memref_slice %arg5[%dma_start3A_131] : memref<256xi32, #tpu.memory_space<vmem>> -> memref<16xi32, #tpu.memory_space<vmem>>
    %dma_start3A_133 = arith.constant 0 : i32
    %dma_start3A_134 = arith.constant 0 : i32
    %dma_start3A_135 = tpu.memref_slice %arg2[%dma_start3A_133, %dma_start3A_134] : memref<100000x2048xf32, #tpu.memory_space<hbm>> -> memref<100000x2048xf32, #tpu.memory_space<hbm>>
    tpu.enqueue_indirect_dma source(%dma_start3A_135 : memref<100000x2048xf32, #tpu.memory_space<hbm>>) target(%arg7 : memref<16x2048xf32, #tpu.memory_space<vmem>>) offsets(%dma_start3A_132 : memref<16xi32, #tpu.memory_space<vmem>>) semaphore(%arg9 : memref<!tpu.dma_semaphore, #tpu.memory_space<semaphore_mem>>)
    %add3A_136 = arith.constant 160 : i32
    %add3A_137 = arith.addi %multiple_of3A, %add3A_136 : i32
    "tpu.region"() ({
      %run_scoped3A = tpu.sem_alloc : memref<!tpu.dma_semaphore, #tpu.memory_space<semaphore_mem>>
      %dma_start3A_193 = arith.constant 0 : i32
      %dma_start3A_194 = tpu.memref_slice %arg4[%add3A_137, %dma_start3A_193] : memref<8192x2048xf32, #tpu.memory_space<hbm>> -> memref<16x2048xf32, #tpu.memory_space<hbm>>
      %dma_start3A_195 = arith.constant 0 : i32
      %dma_start3A_196 = tpu.memref_slice %arg4[%add3A_137, %dma_start3A_195] : memref<8192x2048xf32, #tpu.memory_space<hbm>> -> memref<16x2048xf32, #tpu.memory_space<hbm>>
      tpu.enqueue_dma source(%arg6 : memref<16x2048xf32, #tpu.memory_space<vmem>>) target(%dma_start3A_196 : memref<16x2048xf32, #tpu.memory_space<hbm>>) target_semaphore(%run_scoped3A : memref<!tpu.dma_semaphore, #tpu.memory_space<semaphore_mem>>)
      %dma_wait3A_197 = arith.constant 0 : i32
      %dma_wait3A_198 = tpu.memref_slice %arg4[%add3A_137, %dma_wait3A_197] : memref<8192x2048xf32, #tpu.memory_space<hbm>> -> memref<16x2048xf32, #tpu.memory_space<hbm>>
      %dma_wait3A_199 = arith.constant 0 : i32
      %dma_wait3A_200 = tpu.memref_slice %arg4[%add3A_137, %dma_wait3A_199] : memref<8192x2048xf32, #tpu.memory_space<hbm>> -> memref<16x2048xf32, #tpu.memory_space<hbm>>
      tpu.wait_dma2 semaphore(%run_scoped3A : memref<!tpu.dma_semaphore, #tpu.memory_space<semaphore_mem>>) src(%arg6 : memref<16x2048xf32, #tpu.memory_space<vmem>>) dst(%dma_wait3A_200 : memref<16x2048xf32, #tpu.memory_space<hbm>>)
      tpu.yield
    }) : () -> ()
    %dma_wait3A_138 = arith.constant 176 : i32
    %dma_wait3A_139 = tpu.memref_slice %arg5[%dma_wait3A_138] : memref<256xi32, #tpu.memory_space<vmem>> -> memref<16xi32, #tpu.memory_space<vmem>>
    %dma_wait3A_140 = arith.constant 0 : i32
    %dma_wait3A_141 = arith.constant 0 : i32
    %dma_wait3A_142 = tpu.memref_slice %arg2[%dma_wait3A_140, %dma_wait3A_141] : memref<100000x2048xf32, #tpu.memory_space<hbm>> -> memref<100000x2048xf32, #tpu.memory_space<hbm>>
    tpu.wait_indirect_dma semaphore(%arg9 : memref<!tpu.dma_semaphore, #tpu.memory_space<semaphore_mem>>) src(%dma_wait3A_142 : memref<100000x2048xf32, #tpu.memory_space<hbm>>) dst(%arg7 : memref<16x2048xf32, #tpu.memory_space<vmem>>)
    %dma_start3A_143 = arith.constant 192 : i32
    %dma_start3A_144 = tpu.memref_slice %arg5[%dma_start3A_143] : memref<256xi32, #tpu.memory_space<vmem>> -> memref<16xi32, #tpu.memory_space<vmem>>
    %dma_start3A_145 = arith.constant 0 : i32
    %dma_start3A_146 = arith.constant 0 : i32
    %dma_start3A_147 = tpu.memref_slice %arg2[%dma_start3A_145, %dma_start3A_146] : memref<100000x2048xf32, #tpu.memory_space<hbm>> -> memref<100000x2048xf32, #tpu.memory_space<hbm>>
    tpu.enqueue_indirect_dma source(%dma_start3A_147 : memref<100000x2048xf32, #tpu.memory_space<hbm>>) target(%arg6 : memref<16x2048xf32, #tpu.memory_space<vmem>>) offsets(%dma_start3A_144 : memref<16xi32, #tpu.memory_space<vmem>>) semaphore(%arg8 : memref<!tpu.dma_semaphore, #tpu.memory_space<semaphore_mem>>)
    %add3A_148 = arith.constant 176 : i32
    %add3A_149 = arith.addi %multiple_of3A, %add3A_148 : i32
    "tpu.region"() ({
      %run_scoped3A = tpu.sem_alloc : memref<!tpu.dma_semaphore, #tpu.memory_space<semaphore_mem>>
      %dma_start3A_193 = arith.constant 0 : i32
      %dma_start3A_194 = tpu.memref_slice %arg4[%add3A_149, %dma_start3A_193] : memref<8192x2048xf32, #tpu.memory_space<hbm>> -> memref<16x2048xf32, #tpu.memory_space<hbm>>
      %dma_start3A_195 = arith.constant 0 : i32
      %dma_start3A_196 = tpu.memref_slice %arg4[%add3A_149, %dma_start3A_195] : memref<8192x2048xf32, #tpu.memory_space<hbm>> -> memref<16x2048xf32, #tpu.memory_space<hbm>>
      tpu.enqueue_dma source(%arg7 : memref<16x2048xf32, #tpu.memory_space<vmem>>) target(%dma_start3A_196 : memref<16x2048xf32, #tpu.memory_space<hbm>>) target_semaphore(%run_scoped3A : memref<!tpu.dma_semaphore, #tpu.memory_space<semaphore_mem>>)
      %dma_wait3A_197 = arith.constant 0 : i32
      %dma_wait3A_198 = tpu.memref_slice %arg4[%add3A_149, %dma_wait3A_197] : memref<8192x2048xf32, #tpu.memory_space<hbm>> -> memref<16x2048xf32, #tpu.memory_space<hbm>>
      %dma_wait3A_199 = arith.constant 0 : i32
      %dma_wait3A_200 = tpu.memref_slice %arg4[%add3A_149, %dma_wait3A_199] : memref<8192x2048xf32, #tpu.memory_space<hbm>> -> memref<16x2048xf32, #tpu.memory_space<hbm>>
      tpu.wait_dma2 semaphore(%run_scoped3A : memref<!tpu.dma_semaphore, #tpu.memory_space<semaphore_mem>>) src(%arg7 : memref<16x2048xf32, #tpu.memory_space<vmem>>) dst(%dma_wait3A_200 : memref<16x2048xf32, #tpu.memory_space<hbm>>)
      tpu.yield
    }) : () -> ()
    %dma_wait3A_150 = arith.constant 192 : i32
    %dma_wait3A_151 = tpu.memref_slice %arg5[%dma_wait3A_150] : memref<256xi32, #tpu.memory_space<vmem>> -> memref<16xi32, #tpu.memory_space<vmem>>
    %dma_wait3A_152 = arith.constant 0 : i32
    %dma_wait3A_153 = arith.constant 0 : i32
    %dma_wait3A_154 = tpu.memref_slice %arg2[%dma_wait3A_152, %dma_wait3A_153] : memref<100000x2048xf32, #tpu.memory_space<hbm>> -> memref<100000x2048xf32, #tpu.memory_space<hbm>>
    tpu.wait_indirect_dma semaphore(%arg8 : memref<!tpu.dma_semaphore, #tpu.memory_space<semaphore_mem>>) src(%dma_wait3A_154 : memref<100000x2048xf32, #tpu.memory_space<hbm>>) dst(%arg6 : memref<16x2048xf32, #tpu.memory_space<vmem>>)
    %dma_start3A_155 = arith.constant 208 : i32
    %dma_start3A_156 = tpu.memref_slice %arg5[%dma_start3A_155] : memref<256xi32, #tpu.memory_space<vmem>> -> memref<16xi32, #tpu.memory_space<vmem>>
    %dma_start3A_157 = arith.constant 0 : i32
    %dma_start3A_158 = arith.constant 0 : i32
    %dma_start3A_159 = tpu.memref_slice %arg2[%dma_start3A_157, %dma_start3A_158] : memref<100000x2048xf32, #tpu.memory_space<hbm>> -> memref<100000x2048xf32, #tpu.memory_space<hbm>>
    tpu.enqueue_indirect_dma source(%dma_start3A_159 : memref<100000x2048xf32, #tpu.memory_space<hbm>>) target(%arg7 : memref<16x2048xf32, #tpu.memory_space<vmem>>) offsets(%dma_start3A_156 : memref<16xi32, #tpu.memory_space<vmem>>) semaphore(%arg9 : memref<!tpu.dma_semaphore, #tpu.memory_space<semaphore_mem>>)
    %add3A_160 = arith.constant 192 : i32
    %add3A_161 = arith.addi %multiple_of3A, %add3A_160 : i32
    "tpu.region"() ({
      %run_scoped3A = tpu.sem_alloc : memref<!tpu.dma_semaphore, #tpu.memory_space<semaphore_mem>>
      %dma_start3A_193 = arith.constant 0 : i32
      %dma_start3A_194 = tpu.memref_slice %arg4[%add3A_161, %dma_start3A_193] : memref<8192x2048xf32, #tpu.memory_space<hbm>> -> memref<16x2048xf32, #tpu.memory_space<hbm>>
      %dma_start3A_195 = arith.constant 0 : i32
      %dma_start3A_196 = tpu.memref_slice %arg4[%add3A_161, %dma_start3A_195] : memref<8192x2048xf32, #tpu.memory_space<hbm>> -> memref<16x2048xf32, #tpu.memory_space<hbm>>
      tpu.enqueue_dma source(%arg6 : memref<16x2048xf32, #tpu.memory_space<vmem>>) target(%dma_start3A_196 : memref<16x2048xf32, #tpu.memory_space<hbm>>) target_semaphore(%run_scoped3A : memref<!tpu.dma_semaphore, #tpu.memory_space<semaphore_mem>>)
      %dma_wait3A_197 = arith.constant 0 : i32
      %dma_wait3A_198 = tpu.memref_slice %arg4[%add3A_161, %dma_wait3A_197] : memref<8192x2048xf32, #tpu.memory_space<hbm>> -> memref<16x2048xf32, #tpu.memory_space<hbm>>
      %dma_wait3A_199 = arith.constant 0 : i32
      %dma_wait3A_200 = tpu.memref_slice %arg4[%add3A_161, %dma_wait3A_199] : memref<8192x2048xf32, #tpu.memory_space<hbm>> -> memref<16x2048xf32, #tpu.memory_space<hbm>>
      tpu.wait_dma2 semaphore(%run_scoped3A : memref<!tpu.dma_semaphore, #tpu.memory_space<semaphore_mem>>) src(%arg6 : memref<16x2048xf32, #tpu.memory_space<vmem>>) dst(%dma_wait3A_200 : memref<16x2048xf32, #tpu.memory_space<hbm>>)
      tpu.yield
    }) : () -> ()
    %dma_wait3A_162 = arith.constant 208 : i32
    %dma_wait3A_163 = tpu.memref_slice %arg5[%dma_wait3A_162] : memref<256xi32, #tpu.memory_space<vmem>> -> memref<16xi32, #tpu.memory_space<vmem>>
    %dma_wait3A_164 = arith.constant 0 : i32
    %dma_wait3A_165 = arith.constant 0 : i32
    %dma_wait3A_166 = tpu.memref_slice %arg2[%dma_wait3A_164, %dma_wait3A_165] : memref<100000x2048xf32, #tpu.memory_space<hbm>> -> memref<100000x2048xf32, #tpu.memory_space<hbm>>
    tpu.wait_indirect_dma semaphore(%arg9 : memref<!tpu.dma_semaphore, #tpu.memory_space<semaphore_mem>>) src(%dma_wait3A_166 : memref<100000x2048xf32, #tpu.memory_space<hbm>>) dst(%arg7 : memref<16x2048xf32, #tpu.memory_space<vmem>>)
    %dma_start3A_167 = arith.constant 224 : i32
    %dma_start3A_168 = tpu.memref_slice %arg5[%dma_start3A_167] : memref<256xi32, #tpu.memory_space<vmem>> -> memref<16xi32, #tpu.memory_space<vmem>>
    %dma_start3A_169 = arith.constant 0 : i32
    %dma_start3A_170 = arith.constant 0 : i32
    %dma_start3A_171 = tpu.memref_slice %arg2[%dma_start3A_169, %dma_start3A_170] : memref<100000x2048xf32, #tpu.memory_space<hbm>> -> memref<100000x2048xf32, #tpu.memory_space<hbm>>
    tpu.enqueue_indirect_dma source(%dma_start3A_171 : memref<100000x2048xf32, #tpu.memory_space<hbm>>) target(%arg6 : memref<16x2048xf32, #tpu.memory_space<vmem>>) offsets(%dma_start3A_168 : memref<16xi32, #tpu.memory_space<vmem>>) semaphore(%arg8 : memref<!tpu.dma_semaphore, #tpu.memory_space<semaphore_mem>>)
    %add3A_172 = arith.constant 208 : i32
    %add3A_173 = arith.addi %multiple_of3A, %add3A_172 : i32
    "tpu.region"() ({
      %run_scoped3A = tpu.sem_alloc : memref<!tpu.dma_semaphore, #tpu.memory_space<semaphore_mem>>
      %dma_start3A_193 = arith.constant 0 : i32
      %dma_start3A_194 = tpu.memref_slice %arg4[%add3A_173, %dma_start3A_193] : memref<8192x2048xf32, #tpu.memory_space<hbm>> -> memref<16x2048xf32, #tpu.memory_space<hbm>>
      %dma_start3A_195 = arith.constant 0 : i32
      %dma_start3A_196 = tpu.memref_slice %arg4[%add3A_173, %dma_start3A_195] : memref<8192x2048xf32, #tpu.memory_space<hbm>> -> memref<16x2048xf32, #tpu.memory_space<hbm>>
      tpu.enqueue_dma source(%arg7 : memref<16x2048xf32, #tpu.memory_space<vmem>>) target(%dma_start3A_196 : memref<16x2048xf32, #tpu.memory_space<hbm>>) target_semaphore(%run_scoped3A : memref<!tpu.dma_semaphore, #tpu.memory_space<semaphore_mem>>)
      %dma_wait3A_197 = arith.constant 0 : i32
      %dma_wait3A_198 = tpu.memref_slice %arg4[%add3A_173, %dma_wait3A_197] : memref<8192x2048xf32, #tpu.memory_space<hbm>> -> memref<16x2048xf32, #tpu.memory_space<hbm>>
      %dma_wait3A_199 = arith.constant 0 : i32
      %dma_wait3A_200 = tpu.memref_slice %arg4[%add3A_173, %dma_wait3A_199] : memref<8192x2048xf32, #tpu.memory_space<hbm>> -> memref<16x2048xf32, #tpu.memory_space<hbm>>
      tpu.wait_dma2 semaphore(%run_scoped3A : memref<!tpu.dma_semaphore, #tpu.memory_space<semaphore_mem>>) src(%arg7 : memref<16x2048xf32, #tpu.memory_space<vmem>>) dst(%dma_wait3A_200 : memref<16x2048xf32, #tpu.memory_space<hbm>>)
      tpu.yield
    }) : () -> ()
    %dma_wait3A_174 = arith.constant 224 : i32
    %dma_wait3A_175 = tpu.memref_slice %arg5[%dma_wait3A_174] : memref<256xi32, #tpu.memory_space<vmem>> -> memref<16xi32, #tpu.memory_space<vmem>>
    %dma_wait3A_176 = arith.constant 0 : i32
    %dma_wait3A_177 = arith.constant 0 : i32
    %dma_wait3A_178 = tpu.memref_slice %arg2[%dma_wait3A_176, %dma_wait3A_177] : memref<100000x2048xf32, #tpu.memory_space<hbm>> -> memref<100000x2048xf32, #tpu.memory_space<hbm>>
    tpu.wait_indirect_dma semaphore(%arg8 : memref<!tpu.dma_semaphore, #tpu.memory_space<semaphore_mem>>) src(%dma_wait3A_178 : memref<100000x2048xf32, #tpu.memory_space<hbm>>) dst(%arg6 : memref<16x2048xf32, #tpu.memory_space<vmem>>)
    %dma_start3A_179 = arith.constant 240 : i32
    %dma_start3A_180 = tpu.memref_slice %arg5[%dma_start3A_179] : memref<256xi32, #tpu.memory_space<vmem>> -> memref<16xi32, #tpu.memory_space<vmem>>
    %dma_start3A_181 = arith.constant 0 : i32
    %dma_start3A_182 = arith.constant 0 : i32
    %dma_start3A_183 = tpu.memref_slice %arg2[%dma_start3A_181, %dma_start3A_182] : memref<100000x2048xf32, #tpu.memory_space<hbm>> -> memref<100000x2048xf32, #tpu.memory_space<hbm>>
    tpu.enqueue_indirect_dma source(%dma_start3A_183 : memref<100000x2048xf32, #tpu.memory_space<hbm>>) target(%arg7 : memref<16x2048xf32, #tpu.memory_space<vmem>>) offsets(%dma_start3A_180 : memref<16xi32, #tpu.memory_space<vmem>>) semaphore(%arg9 : memref<!tpu.dma_semaphore, #tpu.memory_space<semaphore_mem>>)
    %add3A_184 = arith.constant 224 : i32
    %add3A_185 = arith.addi %multiple_of3A, %add3A_184 : i32
    "tpu.region"() ({
      %run_scoped3A = tpu.sem_alloc : memref<!tpu.dma_semaphore, #tpu.memory_space<semaphore_mem>>
      %dma_start3A_193 = arith.constant 0 : i32
      %dma_start3A_194 = tpu.memref_slice %arg4[%add3A_185, %dma_start3A_193] : memref<8192x2048xf32, #tpu.memory_space<hbm>> -> memref<16x2048xf32, #tpu.memory_space<hbm>>
      %dma_start3A_195 = arith.constant 0 : i32
      %dma_start3A_196 = tpu.memref_slice %arg4[%add3A_185, %dma_start3A_195] : memref<8192x2048xf32, #tpu.memory_space<hbm>> -> memref<16x2048xf32, #tpu.memory_space<hbm>>
      tpu.enqueue_dma source(%arg6 : memref<16x2048xf32, #tpu.memory_space<vmem>>) target(%dma_start3A_196 : memref<16x2048xf32, #tpu.memory_space<hbm>>) target_semaphore(%run_scoped3A : memref<!tpu.dma_semaphore, #tpu.memory_space<semaphore_mem>>)
      %dma_wait3A_197 = arith.constant 0 : i32
      %dma_wait3A_198 = tpu.memref_slice %arg4[%add3A_185, %dma_wait3A_197] : memref<8192x2048xf32, #tpu.memory_space<hbm>> -> memref<16x2048xf32, #tpu.memory_space<hbm>>
      %dma_wait3A_199 = arith.constant 0 : i32
      %dma_wait3A_200 = tpu.memref_slice %arg4[%add3A_185, %dma_wait3A_199] : memref<8192x2048xf32, #tpu.memory_space<hbm>> -> memref<16x2048xf32, #tpu.memory_space<hbm>>
      tpu.wait_dma2 semaphore(%run_scoped3A : memref<!tpu.dma_semaphore, #tpu.memory_space<semaphore_mem>>) src(%arg6 : memref<16x2048xf32, #tpu.memory_space<vmem>>) dst(%dma_wait3A_200 : memref<16x2048xf32, #tpu.memory_space<hbm>>)
      tpu.yield
    }) : () -> ()
    %dma_wait3A_186 = arith.constant 240 : i32
    %dma_wait3A_187 = tpu.memref_slice %arg5[%dma_wait3A_186] : memref<256xi32, #tpu.memory_space<vmem>> -> memref<16xi32, #tpu.memory_space<vmem>>
    %dma_wait3A_188 = arith.constant 0 : i32
    %dma_wait3A_189 = arith.constant 0 : i32
    %dma_wait3A_190 = tpu.memref_slice %arg2[%dma_wait3A_188, %dma_wait3A_189] : memref<100000x2048xf32, #tpu.memory_space<hbm>> -> memref<100000x2048xf32, #tpu.memory_space<hbm>>
    tpu.wait_indirect_dma semaphore(%arg9 : memref<!tpu.dma_semaphore, #tpu.memory_space<semaphore_mem>>) src(%dma_wait3A_190 : memref<100000x2048xf32, #tpu.memory_space<hbm>>) dst(%arg7 : memref<16x2048xf32, #tpu.memory_space<vmem>>)
    %add3A_191 = arith.constant 240 : i32
    %add3A_192 = arith.addi %multiple_of3A, %add3A_191 : i32
    "tpu.region"() ({
      %run_scoped3A = tpu.sem_alloc : memref<!tpu.dma_semaphore, #tpu.memory_space<semaphore_mem>>
      %dma_start3A_193 = arith.constant 0 : i32
      %dma_start3A_194 = tpu.memref_slice %arg4[%add3A_192, %dma_start3A_193] : memref<8192x2048xf32, #tpu.memory_space<hbm>> -> memref<16x2048xf32, #tpu.memory_space<hbm>>
      %dma_start3A_195 = arith.constant 0 : i32
      %dma_start3A_196 = tpu.memref_slice %arg4[%add3A_192, %dma_start3A_195] : memref<8192x2048xf32, #tpu.memory_space<hbm>> -> memref<16x2048xf32, #tpu.memory_space<hbm>>
      tpu.enqueue_dma source(%arg7 : memref<16x2048xf32, #tpu.memory_space<vmem>>) target(%dma_start3A_196 : memref<16x2048xf32, #tpu.memory_space<hbm>>) target_semaphore(%run_scoped3A : memref<!tpu.dma_semaphore, #tpu.memory_space<semaphore_mem>>)
      %dma_wait3A_197 = arith.constant 0 : i32
      %dma_wait3A_198 = tpu.memref_slice %arg4[%add3A_192, %dma_wait3A_197] : memref<8192x2048xf32, #tpu.memory_space<hbm>> -> memref<16x2048xf32, #tpu.memory_space<hbm>>
      %dma_wait3A_199 = arith.constant 0 : i32
      %dma_wait3A_200 = tpu.memref_slice %arg4[%add3A_192, %dma_wait3A_199] : memref<8192x2048xf32, #tpu.memory_space<hbm>> -> memref<16x2048xf32, #tpu.memory_space<hbm>>
      tpu.wait_dma2 semaphore(%run_scoped3A : memref<!tpu.dma_semaphore, #tpu.memory_space<semaphore_mem>>) src(%arg7 : memref<16x2048xf32, #tpu.memory_space<vmem>>) dst(%dma_wait3A_200 : memref<16x2048xf32, #tpu.memory_space<hbm>>)
      tpu.yield
    }) : () -> ()
    return
  }
}

module attributes {stable_mosaic.version = 14 : i64} {
  func.func @_mm_body_alias(%arg0: i32, %arg1: memref<1024x2048xf32, #tpu.memory_space<vmem>>, %arg2: memref<2048x1024xf32, #tpu.memory_space<vmem>>, %arg3: memref<1x1024xf32, #tpu.memory_space<vmem>>, %arg4: memref<16384x1024xf32, #tpu.memory_space<any>>, %arg5: memref<1024x1024xf32, #tpu.memory_space<vmem>>) attributes {dimension_semantics = [#tpu.dimension_semantics<arbitrary>], iteration_bounds = array<i64: 8>, scalar_prefetch = 0 : i64, scratch_operands = 0 : i64, tpu.core_type = #tpu.core_type<tc>, window_params = [{transform_indices = @transform_0, window_bounds = array<i64: 1024, 2048>}, {pipeline_mode = #tpu.pipeline_mode<synchronous>, transform_indices = @transform_1, window_bounds = array<i64: 2048, 1024>}, {pipeline_mode = #tpu.pipeline_mode<synchronous>, transform_indices = @transform_2, window_bounds = array<i64: 1, 1024>}, {}, {transform_indices = @transform_4, window_bounds = array<i64: 1024, 1024>}]} {
    %get3A = arith.constant 0 : index
    %get3A_0 = arith.constant 0 : index
    %get3A_1 = vector.load %arg1[%get3A, %get3A_0] : memref<1024x2048xf32, #tpu.memory_space<vmem>>, vector<1024x2048xf32>
    %tanh3A = math.tanh %get3A_1 : vector<1024x2048xf32>
    %convert_element_type3A = arith.truncf %tanh3A : vector<1024x2048xf32> to vector<1024x2048xbf16>
    %get3A_2 = arith.constant 0 : index
    %get3A_3 = arith.constant 0 : index
    %get3A_4 = vector.load %arg2[%get3A_2, %get3A_3] : memref<2048x1024xf32, #tpu.memory_space<vmem>>, vector<2048x1024xf32>
    %convert_element_type3A_5 = arith.truncf %get3A_4 : vector<2048x1024xf32> to vector<2048x1024xbf16>
    %dot_general3A = arith.constant dense<0.000000e+00> : vector<1024x1024xf32>
    %dot_general3A_6 = tpu.matmul %convert_element_type3A, %convert_element_type3A_5, %dot_general3A {dimension_numbers = #tpu.dot_dimension_numbers<[1], [0], [0], [1], [0, 0, 1, 1], [], []>, transpose_lhs_hint = false} : vector<1024x2048xbf16>, vector<2048x1024xbf16>, vector<1024x1024xf32> -> vector<1024x1024xf32>
    %get3A_7 = arith.constant 0 : index
    %get3A_8 = arith.constant 0 : index
    %get3A_9 = vector.load %arg3[%get3A_7, %get3A_8] : memref<1x1024xf32, #tpu.memory_space<vmem>>, vector<1x1024xf32>
    %add3A = vector.broadcast %get3A_9 : vector<1x1024xf32> to vector<1024x1024xf32>
    %add3A_10 = arith.addf %dot_general3A_6, %add3A : vector<1024x1024xf32>
    %swap3A = arith.constant 0 : index
    %swap3A_11 = arith.constant 0 : index
    %swap3A_12 = vector.load %arg5[%swap3A, %swap3A_11] : memref<1024x1024xf32, #tpu.memory_space<vmem>>, vector<1024x1024xf32>
    tpu.vector_store %arg5[%swap3A, %swap3A_11], %add3A_10 {strides = array<i32>} : memref<1024x1024xf32, #tpu.memory_space<vmem>>, vector<1024x1024xf32>,
    return
  }
  func.func @transform_0(%arg0: i32) -> (i32, i32) {
    %c0_i32 = arith.constant 0 : i32
    %c0_i32_0 = arith.constant 0 : i32
    return %arg0, %c0_i32 : i32, i32
  }
  func.func @transform_1(%arg0: i32) -> (i32, i32) {
    %c0_i32 = arith.constant 0 : i32
    %c0_i32_0 = arith.constant 0 : i32
    %c0_i32_1 = arith.constant 0 : i32
    return %c0_i32, %c0_i32_0 : i32, i32
  }
  func.func @transform_2(%arg0: i32) -> (i32, i32) {
    %c0_i32 = arith.constant 0 : i32
    %c0_i32_0 = arith.constant 0 : i32
    %c0_i32_1 = arith.constant 0 : i32
    return %c0_i32, %c0_i32_0 : i32, i32
  }
  func.func @transform_4(%arg0: i32) -> (i32, i32) {
    %add3A = arith.constant 8 : i32
    %add3A_0 = arith.addi %add3A, %arg0 : i32
    %c0_i32 = arith.constant 0 : i32
    %c0_i32_1 = arith.constant 0 : i32
    return %add3A_0, %c0_i32 : i32, i32
  }
}

module attributes {stable_mosaic.version = 14 : i64} {
  func.func @_mm_body(%arg0: i32, %arg1: memref<1024x2048xf32, #tpu.memory_space<vmem>>, %arg2: memref<2048x1024xf32, #tpu.memory_space<vmem>>, %arg3: memref<1x1024xf32, #tpu.memory_space<vmem>>, %arg4: memref<1024x1024xf32, #tpu.memory_space<vmem>>) attributes {dimension_semantics = [#tpu.dimension_semantics<arbitrary>], iteration_bounds = array<i64: 8>, scalar_prefetch = 0 : i64, scratch_operands = 0 : i64, tpu.core_type = #tpu.core_type<tc>, window_params = [{transform_indices = @transform_0, window_bounds = array<i64: 1024, 2048>}, {pipeline_mode = #tpu.pipeline_mode<synchronous>, transform_indices = @transform_1, window_bounds = array<i64: 2048, 1024>}, {pipeline_mode = #tpu.pipeline_mode<synchronous>, transform_indices = @transform_2, window_bounds = array<i64: 1, 1024>}, {transform_indices = @transform_3, window_bounds = array<i64: 1024, 1024>}]} {
    %get3A = arith.constant 0 : index
    %get3A_0 = arith.constant 0 : index
    %get3A_1 = vector.load %arg1[%get3A, %get3A_0] : memref<1024x2048xf32, #tpu.memory_space<vmem>>, vector<1024x2048xf32>
    %tanh3A = math.tanh %get3A_1 : vector<1024x2048xf32>
    %convert_element_type3A = arith.truncf %tanh3A : vector<1024x2048xf32> to vector<1024x2048xbf16>
    %get3A_2 = arith.constant 0 : index
    %get3A_3 = arith.constant 0 : index
    %get3A_4 = vector.load %arg2[%get3A_2, %get3A_3] : memref<2048x1024xf32, #tpu.memory_space<vmem>>, vector<2048x1024xf32>
    %convert_element_type3A_5 = arith.truncf %get3A_4 : vector<2048x1024xf32> to vector<2048x1024xbf16>
    %dot_general3A = arith.constant dense<0.000000e+00> : vector<1024x1024xf32>
    %dot_general3A_6 = tpu.matmul %convert_element_type3A, %convert_element_type3A_5, %dot_general3A {dimension_numbers = #tpu.dot_dimension_numbers<[1], [0], [0], [1], [0, 0, 1, 1], [], []>, transpose_lhs_hint = false} : vector<1024x2048xbf16>, vector<2048x1024xbf16>, vector<1024x1024xf32> -> vector<1024x1024xf32>
    %get3A_7 = arith.constant 0 : index
    %get3A_8 = arith.constant 0 : index
    %get3A_9 = vector.load %arg3[%get3A_7, %get3A_8] : memref<1x1024xf32, #tpu.memory_space<vmem>>, vector<1x1024xf32>
    %add3A = vector.broadcast %get3A_9 : vector<1x1024xf32> to vector<1024x1024xf32>
    %add3A_10 = arith.addf %dot_general3A_6, %add3A : vector<1024x1024xf32>
    %swap3A = arith.constant 0 : index
    %swap3A_11 = arith.constant 0 : index
    %swap3A_12 = vector.load %arg4[%swap3A, %swap3A_11] : memref<1024x1024xf32, #tpu.memory_space<vmem>>, vector<1024x1024xf32>
    tpu.vector_store %arg4[%swap3A, %swap3A_11], %add3A_10 {strides = array<i32>} : memref<1024x1024xf32, #tpu.memory_space<vmem>>, vector<1024x1024xf32>,
    return
  }
  func.func @transform_0(%arg0: i32) -> (i32, i32) {
    %c0_i32 = arith.constant 0 : i32
    %c0_i32_0 = arith.constant 0 : i32
    return %arg0, %c0_i32 : i32, i32
  }
  func.func @transform_1(%arg0: i32) -> (i32, i32) {
    %c0_i32 = arith.constant 0 : i32
    %c0_i32_0 = arith.constant 0 : i32
    %c0_i32_1 = arith.constant 0 : i32
    return %c0_i32, %c0_i32_0 : i32, i32
  }
  func.func @transform_2(%arg0: i32) -> (i32, i32) {
    %c0_i32 = arith.constant 0 : i32
    %c0_i32_0 = arith.constant 0 : i32
    %c0_i32_1 = arith.constant 0 : i32
    return %c0_i32, %c0_i32_0 : i32, i32
  }
  func.func @transform_3(%arg0: i32) -> (i32, i32) {
    %add3A = arith.constant 0 : i32
    %add3A_0 = arith.addi %add3A, %arg0 : i32
    %c0_i32 = arith.constant 0 : i32
    %c0_i32_1 = arith.constant 0 : i32
    return %add3A_0, %c0_i32 : i32, i32
  }
}

</mosaic_0001>

<sc_bundles>
// kernel: kernel.6.cloned.1.call-start
scs
__scs_entry_jumppad:
0x0: {  	(pc) =	sbr.rel $0x88, $3  }
0x1: {  	(tag) =	ssettag $0x0;
	lr =	simm.s32 $0x1  }
0x2: {  	[smem:$0x3F9D] =	sst lr;
	_ =	strace $0xD0000000  }
0x3: {  	_ = 	snop  }
0x4: {  	_ = 	snop  }
0x5: {  	_ = 	snop  }
0x6: {  	_ = 	snop  }
0x7: {  	_ = 	snop  }
__scs_overlays_trampoline_lowered:
0x8: {  	[smem:$0x3FAC] =	sst s0  }
0x9: {  	[smem:$0x3FAD] =	sst s1  }
0xa: {  	[smem:$0x3FAE] =	sst s2  }
0xb: {  	[smem:$0x3FAF] =	sst s3  }
0xc: {  	[smem:$0x3FB0] =	sst s4  }
0xd: {  	[smem:$0x3FB1] =	sst s5  }
0xe: {  	[smem:$0x3FB2] =	sst s6  }
0xf: {  	[smem:$0x3FB3] =	sst s7  }
0x10: {  	[smem:$0x3FB4] =	sst s8  }
0x11: {  	[smem:$0x3FB5] =	sst s9;
	s0 =	simm.s32 @!p0 $0x0  }
0x12: {  	s1 =	sld [smem:$0x3F9B];
	s0 =	simm.s32 @p0 $0x1  }
0x13: {  	[smem:$0x3FB6] =	sst s0;
	s0 =	simm.s32 @!p1 $0x0  }
0x14: {  	s2 =	sld [smem:$0x3F9A];
	s0 =	simm.s32 @p1 $0x1  }
0x15: {  	[smem:$0x3FB7] =	sst s0;
	s0 =	simm.s32 @!p2 $0x0  }
0x16: {  	s3 =	sld [smem:$0x3FDB];
	s0 =	simm.s32 @p2 $0x1  }
0x17: {  	s4 =	simm.s32 $0x1BF5;
	[smem:$0x3FB9] =	sst s0  }
0x18: {  	s0 =	sld [smem:$0x3F9C];
	_ =	swait.ge [sflag:s4], $0x0  }
0x19: {  	s7 =	sld [smem:$0x3F9D]  }
0x1a: {  	s8 =	sadd.s32 $0xFFFFE003, lr  }
0x1b: {  	s9 =	sadd.s32 $0xFFFFFEF7, lr;
	s5 =	simm.s32 $0xFFFFFFFF;
	p2 =	slt.u32 s8, $0xFFFFF086  }
0x1c: {  	p1 =	slt.u32 s9, $0xF7A;
	s5 =	simm.s32 @!p2 $0x0  }
0x1d: {  	s5 =	simm.s32 @p1 $0x1;
	p0 =	seq.s32 s7, s2  }
0x1e: {  	s7 =	smul.u32 @!p0 $0xF7A, s2;
	p2 =	seq.s32 @!p0 s5, $0x0  }
0x1f: {  	s9 =	smul.u32 $0xF7A, s1;
	s8 =	simm.s32 @!p0 $0x1BF5;
	p2 =	por !p2, p0  }
0x20: {  	[sflag:s8] =	ssyncset.s32 @!p0 $0xFFFFF086;
	s6 =	sadd.s32 @!p0 s3, s7;
	s7 =	simm.s32 @!p0 $0x108  }
0x21: {  	s3 =	sadd.s32 s3, s9;
	s6 =	sadd.s32 @!p0 $0x88, s6;
	s7 =	simm.s32 @p2 $0x1082  }
0x22: {  	[simem:s7], [sflag:s8] =	dma.local @!p0 [hbm:s6], $0xF7A  }
0x23: {  	s9 =	sor.u32 $0xD0000000, s2;
	s6 =	simm.s32 $0x108;
	_ =	swait.ge @!p0 [sflag:s8], $0x0  }
0x24: {  	s3 =	sadd.s32 $0x88, s3;
	s6 =	simm.s32 @!p1 $0x1082;
	[sflag:s4] =	ssyncset.s32 $0xFFFFF086  }
0x25: {  	[simem:s6], [sflag:s4] =	dma.local [hbm:s3], $0xF7A  }
0x26: {  	[smem:$0x3F9D] =	sst s1;
	(tag) =	ssettag s2;
	_ =	strace s9  }
0x27: {  	s1 =	sld [smem:$0x3FAD]  }
0x28: {  	s2 =	sld [smem:$0x3FAE]  }
0x29: {  	s4 =	sld [smem:$0x3FB0]  }
0x2a: {  	p0 =	seq.s32 s5, $0x0;
	s5 =	sld [smem:$0x3FB1]  }
0x2b: {  	s6 =	sld [smem:$0x3FB2]  }
0x2c: {  	s7 =	sld [smem:$0x3FB3]  }
0x2d: {  	s3 =	simm.s32 $0x108;
	s8 =	sld [smem:$0x3FB4]  }
0x2e: {  	s3 =	simm.s32 @!p0 $0x1082;
	s9 =	sld [smem:$0x3FB5]  }
0x2f: {  	lr =	sadd.s32 s0, s3;
	s0 =	sld [smem:$0x3FAC]  }
0x30: {  	s3 =	sld [smem:$0x3FAF]  }
0x31: {  	[smem:$0x3FB8] =	sst s10  }
0x32: {  	s10 =	sld [smem:$0x3FB6];
	_ =	sdelay $0x3  }
0x33: {  	p0 =	seq.s32 s10, $0x1;
	s10 =	sld [smem:$0x3FB8];
	_ =	sdelay $0x3  }
0x34: {  	[smem:$0x3FB8] =	sst s10  }
0x35: {  	s10 =	sld [smem:$0x3FB7];
	_ =	sdelay $0x3  }
0x36: {  	p1 =	seq.s32 s10, $0x1;
	s10 =	sld [smem:$0x3FB8];
	_ =	sdelay $0x3  }
0x37: {  	[smem:$0x3FB8] =	sst s10  }
0x38: {  	s10 =	sld [smem:$0x3FB9]  }
0x39: {  	_ = 	snop;
	(pc) =	sbr.ind lr, $3  }
0x3a: {  	_ = 	snop  }
0x3b: {  	_ = 	snop  }
0x3c: {  	p2 =	seq.s32 s10, $0x1;
	s10 =	sld [smem:$0x3FB8]  }
0x3d: {  	_ =	shalt  }
0x3e: {  	_ =	shalt  }
0x3f: {  	_ =	shalt  }
0x40: {  	_ =	shalt  }
0x41: {  	_ =	shalt  }
0x42: {  	_ =	shalt  }
0x43: {  	_ =	shalt  }
0x44: {  	_ =	shalt  }
0x45: {  	_ =	shalt  }
0x46: {  	_ =	shalt  }
0x47: {  	_ =	shalt  }
0x48: {  	_ =	shalt  }
0x49: {  	_ =	shalt  }
0x4a: {  	_ =	shalt  }
0x4b: {  	_ =	shalt  }
0x4c: {  	_ =	shalt  }
0x4d: {  	_ =	shalt  }
0x4e: {  	_ =	shalt  }
0x4f: {  	_ =	shalt  }
0x50: {  	_ =	shalt  }
0x51: {  	_ =	shalt  }
0x52: {  	_ =	shalt  }
0x53: {  	_ =	shalt  }
0x54: {  	_ =	shalt  }
0x55: {  	_ =	shalt  }
0x56: {  	_ =	shalt  }
0x57: {  	_ =	shalt  }
0x58: {  	_ =	shalt  }
0x59: {  	_ =	shalt  }
0x5a: {  	_ =	shalt  }
0x5b: {  	_ =	shalt  }
0x5c: {  	_ =	shalt  }
0x5d: {  	_ =	shalt  }
0x5e: {  	_ =	shalt  }
0x5f: {  	_ =	shalt  }
0x60: {  	_ =	shalt  }
0x61: {  	_ =	shalt  }
0x62: {  	_ =	shalt  }
0x63: {  	_ =	shalt  }
0x64: {  	_ =	shalt  }
0x65: {  	_ =	shalt  }
0x66: {  	_ =	shalt  }
0x67: {  	_ =	shalt  }
0x68: {  	_ =	shalt  }
0x69: {  	_ =	shalt  }
0x6a: {  	_ =	shalt  }
0x6b: {  	_ =	shalt  }
0x6c: {  	_ =	shalt  }
0x6d: {  	_ =	shalt  }
0x6e: {  	_ =	shalt  }
0x6f: {  	_ =	shalt  }
0x70: {  	_ =	shalt  }
0x71: {  	_ =	shalt  }
0x72: {  	_ =	shalt  }
0x73: {  	_ =	shalt  }
0x74: {  	_ =	shalt  }
0x75: {  	_ =	shalt  }
0x76: {  	_ =	shalt  }
0x77: {  	_ =	shalt  }
0x78: {  	_ =	shalt  }
0x79: {  	_ =	shalt  }
0x7a: {  	_ =	shalt  }
0x7b: {  	_ =	shalt  }
0x7c: {  	_ =	shalt  }
0x7d: {  	_ =	shalt  }
0x7e: {  	_ =	shalt  }
0x7f: {  	_ =	shalt  }
0x80: {  	_ =	shalt  }
0x81: {  	_ =	shalt  }
0x82: {  	_ =	shalt  }
0x83: {  	_ =	shalt  }
0x84: {  	_ =	shalt  }
0x85: {  	_ =	shalt  }
0x86: {  	_ =	shalt  }
0x87: {  	_ =	shalt  }
.Lfunc_end0:
.L_simem_size_0:
called_computation_lowered:
.L_overlay_start_0:
0x88: {  	s2 =	sld [smem:$0x3FD9]  }
0x89: {  	s3 =	sld [smem:$0x3FFE];
	_ =	sdelay $0x1  }
0x8a: {  	s1 =	srdreg.scid  }
0x8b: {  	s0 =	sand.u32 $0x1, s1  }
0x8c: {  	s17 =	sshll.u32 s0, $0xA;
	s2 =	sadd.s32 s3, s2  }
0x8d: {  	s2 =	sadd.s32 s2, s17  }
0x8e: {  	[smem:$0x3FC4] =	sst s2  }
0x8f: {  	_ = 	snop  }
0x90: {  	s2 =	sld [smem:$0x3FC8]  }
0x91: {  	s18 =	sld [smem:$0x3FD0];
	(tm) =	ssettm $0x1  }
0x92: {  	s4 =	sld [smem:$0x3FFB];
	_ =	sdelay $0x3  }
0x93: {  	_ =	strace s4  }
0x94: {  	s4 =	sld [smem:$0x3FFC];
	_ =	sdelay $0x3  }
0x95: {  	_ =	strace s4  }
0x96: {  	s4 =	sld [smem:$0x3FFD];
	_ =	sdelay $0x3  }
0x97: {  	_ =	strace s4  }
0x98: {  	_ =	strace $0x8FFFFFFF  }
0x99: {  	s19 =	sld [smem:$0x3FDB];
	_ =	sdelay $0x1  }
0x9a: {  	s5 =	simm.s32 $_scs_section_size  }
0x9b: {  	s6 =	simm.s32 $_size__tile_overlayer_lowered;
	s7 =	simm.s32 $_tile_overlayer_lowered  }
0x9c: {  	s22 =	simm.s32 $0x1BFF;
	s21 =	sshll.u32 s7, $0x1;
	s4 =	sadd.s32 s5, s19  }
0x9d: {  	s8 =	simm.s32 $0x0;
	s20 =	sshll.u32 s6, $0x1;
	s6 =	sadd.s32 s21, s4  }
0x9e: {  	[timem:s8], [sflag:s22] =	dma.local [hbm:s6], s20  }
0x9f: {  	_ =	swait.ge [sflag:s22], s20  }
0xa0: {  	s5 =	ssub.s32 $0x0, s20;
	[sflag:s22] =	ssyncset.done $0x0  }
0xa1: {  	[sflag:s22] =	ssyncadd.s32 s5;
	_ =	sdelay $0x1  }
0xa2: {  	s23 =	simm.s32 $0x1B8B  }
0xa3: {  	_ =	swait.ge [sflag:s23], $0x1  }
0xa4: {  	[sflag:s23] =	ssyncset.done $0x0  }
0xa5: {  	s25 =	simm.s32 $0x1B8E;
	s24 =	sld [smem:$0x3FFE];
	[sflag:s23] =	ssyncadd.s32 $0xFFFFFFFF  }
0xa6: {  	s26 =	simm.s32 $execute0_lowered;
	[smem:$0x3FD2] =	sst s25  }
0xa7: {  	s6 =	sshll.u32 s26, $0x1;
	_ =	strace $0x80000046;
	[dreg:$0x1] =	wrdreg $0xFFFFFFFF  }
0xa8: {  	s28 =	simm.s32 $_size_execute0_lowered;
	s4 =	sadd.s32 s4, s6;
	[dreg:$0x0] =	wrdreg $0x0  }
0xa9: {  	s6 =	sshll.u32 s28, $0x1;
	[dreg:$0x2] =	wrdreg s4  }
0xaa: {  	[dreg:$0x3] =	wrdreg s6  }
0xab: {  	[dreg:$0x4] =	wrdreg $0xC0  }
0xac: {  	_ =	task [dreg:s8], $0x5FFFF  }
0xad: {  	[dreg:$0x1] =	wrdreg $0xFFFFFFFF  }
0xae: {  	[dreg:$0x0] =	wrdreg $0x60  }
0xaf: {  	[dreg:$0x2] =	wrdreg s2  }
0xb0: {  	[dreg:$0x3] =	wrdreg s18  }
0xb1: {  	[dreg:$0x4] =	wrdreg s24  }
0xb2: {  	[dreg:$0x5] =	wrdreg $0x9  }
0xb3: {  	_ =	task.clear_ibuf [dreg:s8], $0x6FFFF;
	_ =	strace $0x90000046  }
0xb4: {  	s29 =	simm.s32 $0x9;
	_ =	strace $0x80000048  }
0xb5: {  	_ =	swait.ge [sflag:s29], $0x1  }
0xb6: {  	[sflag:s29] =	ssyncadd.s32 $0xFFFFFFFF  }
0xb7: {  	_ =	strace $0x90000048  }
0xb8: {  	_ =	sfence  }
0xb9: {  	s30 =	sld [smem:$0x0];
	_ =	sdelay $0x2  }
0xba: {  	s31 =	sshll.u32 s1, $0xD;
	s1 =	sshrl.u32 s1, $0x2  }
0xbb: {  	s3 =	sand.u32 $0x4000, s31;
	s1 =	sadd.s32 s1, s30  }
0xbc: {  	s0 =	sor.u32 s3, s0;
	s1 =	sshll.u32 s1, $0x11  }
0xbd: {  	s0 =	sor.u32 s1, s0  }
0xbe: {  	s0 =	sadd.s32 $0x8F2B, s0  }
0xbf: {  	[sflag:s0] =	ssyncadd.remote.s32 $0x1  }
0xc0: {  	_ =	sfence.sel $0xFFFF  }
0xc1: {  	[dreg:$0x0] =	wrdreg $0xFFFFFFFF;
	(pc) =	sbr.abs _section_cstart, $3  }
0xc2: {  	[dreg:$0x1] =	wrdreg $0xFFFFFFFF  }
0xc3: {  	_ =	task.clear_ibuf [dreg:s8], $0x2FFFF;
	_ =	strace $0x9FFFFFFF  }
0xc4: {  	(tm) =	ssettm $0x7FFFFFFF  }
0xc5: {  	_ =	shalt  }
tec
execute0_lowered:
.L_overlay_start_1:
0x0: {  	(tag) =	ssettag $0x1  }
0x1: {  	s0 =	srdreg.scid  }
0x2: {  	s1 =	rddreg [dreg:$0x0];
	s3 =	stileid.u32;
	s0 =	sand.u32 $0x1, s0  }
0x3: {  	s2 =	rddreg [dreg:$0x1];
	s5 =	sshll.u32 s3, $0x9;
	s6 =	sshll.u32 s0, $0x8  }
0x4: {  	s4 =	rddreg [dreg:$0x2];
	s5 =	sor.u32 s6, s5  }
0x5: {  	s3 =	simm.s32 $0x0;
	s6 =	sshll.u32 s5, $0x8;
	s5 =	sshrl.u32 s5, $0x3  }
0x6: {  	[smem:$0x7FF] =	sst s3;
	s9 =	sadd.s32 s6, s4;
	s2 =	sadd.s32 s2, s5  }
0x7: {  	_ =	strace $0x80000047;
	[dreg:$0x4] =	wrdreg s2;
	s12 =	sadd.s32 $0xE00, s9  }
0x8: {  	s13 =	sadd.s32 $0x1E00, s9;
	[dreg:$0x5] =	wrdreg s12  }
0x9: {  	s14 =	sadd.s32 $0x2E00, s9;
	[dreg:$0x6] =	wrdreg s13  }
0xa: {  	s30 =	simm.s32 $0x1;
	s15 =	sadd.s32 $0x3E00, s9;
	[dreg:$0x7] =	wrdreg s14  }
0xb: {  	s28 =	simm.s32 $0x2;
	s16 =	sadd.s32 $0x4E00, s9;
	[dreg:$0x8] =	wrdreg s15  }
0xc: {  	s11 =	simm.s32 $0x8100;
	s17 =	sadd.s32 $0x5E00, s9;
	[dreg:$0x9] =	wrdreg s16  }
0xd: {  	s7 =	sadd.s32 $0x400, s1;
	s18 =	sadd.s32 $0x6E00, s9;
	[dreg:$0xa] =	wrdreg s17  }
0xe: {  	s8 =	sadd.s32 $0x500, s1;
	s19 =	sadd.s32 $0x7E00, s9;
	[dreg:$0xb] =	wrdreg s18  }
0xf: {  	s10 =	sadd.s32 $0x700, s1;
	s20 =	sadd.s32 $0x8E00, s9;
	[dreg:$0xc] =	wrdreg s19  }
0x10: {  	s0 =	ssub.s32 $0x2, s0;
	s22 =	sadd.s32 $0x9E00, s9;
	[dreg:$0xd] =	wrdreg s20  }
0x11: {  	s21 =	sshrl.u32 s0, $0x1;
	s23 =	sadd.s32 $0xAE00, s9;
	[dreg:$0xe] =	wrdreg s22  }
0x12: {  	s0 =	ssub.s32 s0, s21;
	s24 =	sadd.s32 $0xBE00, s9;
	[dreg:$0xf] =	wrdreg s23  }
0x13: {  	s4 =	sadd.s32 $0x100, s1;
	s25 =	sadd.s32 $0xCE00, s9;
	[dreg:$0x10] =	wrdreg s24  }
0x14: {  	s5 =	sadd.s32 $0x200, s1;
	s26 =	sadd.s32 $0xDE00, s9;
	[dreg:$0x11] =	wrdreg s25  }
0x15: {  	v2 =	vlaneseq.u32;
	s6 =	sadd.s32 $0x300, s1;
	s29 =	sadd.s32 $0xEE00, s9;
	[dreg:$0x12] =	wrdreg s26  }
0x16: {  	vm0 =	vmmov $0xffff;
	v1 =	vshrl.u32 v2, $0x3;
	s0 =	smax.u32 s0, $0x1;
	s31 =	sadd.s32 $0xFE00, s9;
	[dreg:$0x13] =	wrdreg s29  }
0x17: {  	v0 =	vand.u32 $0x7, v2;
	v2 =	vor.u32 $0x8, v2;
	v1 =	vmul.u32 $0x8, v1;
	s9 =	sadd.s32 $0x600, s1;
	[dreg:$0x14] =	wrdreg s31;
	s12 =	simm.s32 $0x3  }
.LBB2_1:
0x18: {  	[dreg:$0x15] =	wrdreg s0  }
0x19: {  	s29 =	rddreg [dreg:$0x4]  }
0x1a: {  	[tilespmem:s3], [sflag:$0x3] =	stream.linear.gather [hbm4b:s29+s3], $0x100, $0x38;
	[tilespmem:$0x10100] =	vst v63  }
0x1b: {  	_ =	swait.ge [sflag:s12], $0x100  }
0x1c: {  	[sflag:s12] =	ssyncset.done $0x0  }
0x1d: {  	[sflag:s12] =	ssyncadd.s32 $0xFFFFFF00  }
0x1e: {  	v3 =	vld [tilespmem:$0x0];
	_ =	sdelay $0x4  }
0x1f: {  	v4 =	vshll.u32 v3, $0x4  }
0x20: {  	v3 =	vand.u32 $0x7, v3;
	v4 =	vand.u32 $0xFFFFFF80, v4  }
0x21: {  	v3 =	vor.u32 v3, v4  }
0x22: {  	v4 =	vperm.xlane v3, v0;
	_ =	sdelay $0x1  }
0x23: {  	v4 =	vadd.s32 v1, v4;
	_ =	sdelay $0x3  }
0x24: {  	s19 =	simm.s32 $0x100  }
0x25: {  	[tilespmem:s19], [sflag:$0x1] =	stream.indirect_vreg.gather [hbm4b:s1+s3], $0x80, v4, vm0, $0xb8;
	[tilespmem:$0x10100] =	vst v63  }
0x26: {  	s20 =	simm.s32 $0x900  }
0x27: {  	[tilespmem:s20], [sflag:$0x1] =	stream.indirect_vreg.gather [hbm4b:s4+s3], $0x80, v4, vm0, $0xb8;
	[tilespmem:$0x10100] =	vst v63  }
0x28: {  	s21 =	simm.s32 $0x1100  }
0x29: {  	[tilespmem:s21], [sflag:$0x1] =	stream.indirect_vreg.gather [hbm4b:s5+s3], $0x80, v4, vm0, $0xb8;
	[tilespmem:$0x10100] =	vst v63  }
0x2a: {  	s22 =	simm.s32 $0x1900  }
0x2b: {  	[tilespmem:s22], [sflag:$0x1] =	stream.indirect_vreg.gather [hbm4b:s6+s3], $0x80, v4, vm0, $0xb8;
	[tilespmem:$0x10100] =	vst v63  }
0x2c: {  	s23 =	simm.s32 $0x2100  }
0x2d: {  	[tilespmem:s23], [sflag:$0x1] =	stream.indirect_vreg.gather [hbm4b:s7+s3], $0x80, v4, vm0, $0xb8;
	[tilespmem:$0x10100] =	vst v63  }
0x2e: {  	s24 =	simm.s32 $0x2900;
	v3 =	vperm.xlane v3, v2  }
0x2f: {  	[tilespmem:s24], [sflag:$0x1] =	stream.indirect_vreg.gather [hbm4b:s8+s3], $0x80, v4, vm0, $0xb8;
	[tilespmem:$0x10100] =	vst v63  }
0x30: {  	s25 =	simm.s32 $0x3100;
	v3 =	vadd.s32 v1, v3  }
0x31: {  	[tilespmem:s25], [sflag:$0x1] =	stream.indirect_vreg.gather [hbm4b:s9+s3], $0x80, v4, vm0, $0xb8;
	[tilespmem:$0x10100] =	vst v63  }
0x32: {  	s26 =	simm.s32 $0x3900  }
0x33: {  	[tilespmem:s26], [sflag:$0x1] =	stream.indirect_vreg.gather [hbm4b:s10+s3], $0x80, v4, vm0, $0xb8;
	[tilespmem:$0x10100] =	vst v63  }
0x34: {  	s29 =	simm.s32 $0x4100  }
0x35: {  	[tilespmem:s29], [sflag:$0x1] =	stream.indirect_vreg.gather [hbm4b:s1+s3], $0x80, v3, vm0, $0xb8;
	[tilespmem:$0x10100] =	vst v63  }
0x36: {  	s31 =	simm.s32 $0x4900  }
0x37: {  	[tilespmem:s31], [sflag:$0x1] =	stream.indirect_vreg.gather [hbm4b:s4+s3], $0x80, v3, vm0, $0xb8;
	[tilespmem:$0x10100] =	vst v63  }
0x38: {  	s13 =	simm.s32 $0x5100  }
0x39: {  	[tilespmem:s13], [sflag:$0x1] =	stream.indirect_vreg.gather [hbm4b:s5+s3], $0x80, v3, vm0, $0xb8;
	[tilespmem:$0x10100] =	vst v63  }
0x3a: {  	s14 =	simm.s32 $0x5900  }
0x3b: {  	[tilespmem:s14], [sflag:$0x1] =	stream.indirect_vreg.gather [hbm4b:s6+s3], $0x80, v3, vm0, $0xb8;
	[tilespmem:$0x10100] =	vst v63  }
0x3c: {  	s24 =	simm.s32 $0x6100  }
0x3d: {  	[tilespmem:s24], [sflag:$0x1] =	stream.indirect_vreg.gather [hbm4b:s7+s3], $0x80, v3, vm0, $0xb8;
	[tilespmem:$0x10100] =	vst v63  }
0x3e: {  	s25 =	simm.s32 $0x6900  }
0x3f: {  	[tilespmem:s25], [sflag:$0x1] =	stream.indirect_vreg.gather [hbm4b:s8+s3], $0x80, v3, vm0, $0xb8;
	[tilespmem:$0x10100] =	vst v63  }
0x40: {  	s26 =	simm.s32 $0x7100  }
0x41: {  	[tilespmem:s26], [sflag:$0x1] =	stream.indirect_vreg.gather [hbm4b:s9+s3], $0x80, v3, vm0, $0xb8;
	[tilespmem:$0x10100] =	vst v63  }
0x42: {  	s29 =	simm.s32 $0x7900  }
0x43: {  	[tilespmem:s29], [sflag:$0x1] =	stream.indirect_vreg.gather [hbm4b:s10+s3], $0x80, v3, vm0, $0xb8;
	[tilespmem:$0x10100] =	vst v63  }
0x44: {  	_ =	swait.ge [sflag:s30], $0x8000  }
0x45: {  	[sflag:s30] =	ssyncset.done $0x0  }
0x46: {  	[sflag:s30] =	ssyncadd.s32 $0xFFFF8000  }
0x47: {  	v3 =	vld [tilespmem:$0x10];
	_ =	sdelay $0x4  }
0x48: {  	v49 =	vshll.u32 v3, $0x4  }
0x49: {  	v3 =	vand.u32 $0x7, v3;
	v4 =	vand.u32 $0xFFFFFF80, v49  }
0x4a: {  	v3 =	vor.u32 v3, v4  }
0x4b: {  	v4 =	vperm.xlane v3, v0;
	_ =	sdelay $0x1  }
0x4c: {  	v4 =	vadd.s32 v1, v4;
	_ =	sdelay $0x4  }
0x4d: {  	[tilespmem:s11], [sflag:$0x2] =	stream.indirect_vreg.gather [hbm4b:s1+s3], $0x80, v4, vm0, $0xb8;
	[tilespmem:$0x10100] =	vst v63  }
0x4e: {  	s31 =	simm.s32 $0x8900  }
0x4f: {  	[tilespmem:s31], [sflag:$0x2] =	stream.indirect_vreg.gather [hbm4b:s4+s3], $0x80, v4, vm0, $0xb8;
	[tilespmem:$0x10100] =	vst v63  }
0x50: {  	s13 =	simm.s32 $0x9100  }
0x51: {  	[tilespmem:s13], [sflag:$0x2] =	stream.indirect_vreg.gather [hbm4b:s5+s3], $0x80, v4, vm0, $0xb8;
	[tilespmem:$0x10100] =	vst v63  }
0x52: {  	s14 =	simm.s32 $0x9900  }
0x53: {  	[tilespmem:s14], [sflag:$0x2] =	stream.indirect_vreg.gather [hbm4b:s6+s3], $0x80, v4, vm0, $0xb8;
	[tilespmem:$0x10100] =	vst v63  }
0x54: {  	s24 =	simm.s32 $0xA100  }
0x55: {  	[tilespmem:s24], [sflag:$0x2] =	stream.indirect_vreg.gather [hbm4b:s7+s3], $0x80, v4, vm0, $0xb8;
	[tilespmem:$0x10100] =	vst v63  }
0x56: {  	s25 =	simm.s32 $0xA900;
	v3 =	vperm.xlane v3, v2  }
0x57: {  	[tilespmem:s25], [sflag:$0x2] =	stream.indirect_vreg.gather [hbm4b:s8+s3], $0x80, v4, vm0, $0xb8;
	[tilespmem:$0x10100] =	vst v63  }
0x58: {  	s26 =	simm.s32 $0xB100;
	v3 =	vadd.s32 v1, v3  }
0x59: {  	[tilespmem:s26], [sflag:$0x2] =	stream.indirect_vreg.gather [hbm4b:s9+s3], $0x80, v4, vm0, $0xb8;
	[tilespmem:$0x10100] =	vst v63  }
0x5a: {  	s31 =	simm.s32 $0xB900  }
0x5b: {  	[tilespmem:s31], [sflag:$0x2] =	stream.indirect_vreg.gather [hbm4b:s10+s3], $0x80, v4, vm0, $0xb8;
	[tilespmem:$0x10100] =	vst v63  }
0x5c: {  	s24 =	simm.s32 $0xC100  }
0x5d: {  	[tilespmem:s24], [sflag:$0x2] =	stream.indirect_vreg.gather [hbm4b:s1+s3], $0x80, v3, vm0, $0xb8;
	[tilespmem:$0x10100] =	vst v63  }
0x5e: {  	s25 =	simm.s32 $0xC900  }
0x5f: {  	[tilespmem:s25], [sflag:$0x2] =	stream.indirect_vreg.gather [hbm4b:s4+s3], $0x80, v3, vm0, $0xb8;
	[tilespmem:$0x10100] =	vst v63  }
0x60: {  	s26 =	simm.s32 $0xD100  }
0x61: {  	[tilespmem:s26], [sflag:$0x2] =	stream.indirect_vreg.gather [hbm4b:s5+s3], $0x80, v3, vm0, $0xb8;
	[tilespmem:$0x10100] =	vst v63  }
0x62: {  	s31 =	simm.s32 $0xD900  }
0x63: {  	[tilespmem:s31], [sflag:$0x2] =	stream.indirect_vreg.gather [hbm4b:s6+s3], $0x80, v3, vm0, $0xb8;
	[tilespmem:$0x10100] =	vst v63  }
0x64: {  	s24 =	simm.s32 $0xE100  }
0x65: {  	[tilespmem:s24], [sflag:$0x2] =	stream.indirect_vreg.gather [hbm4b:s7+s3], $0x80, v3, vm0, $0xb8;
	[tilespmem:$0x10100] =	vst v63  }
0x66: {  	s25 =	simm.s32 $0xE900  }
0x67: {  	[tilespmem:s25], [sflag:$0x2] =	stream.indirect_vreg.gather [hbm4b:s8+s3], $0x80, v3, vm0, $0xb8;
	[tilespmem:$0x10100] =	vst v63  }
0x68: {  	s26 =	simm.s32 $0xF100  }
0x69: {  	[tilespmem:s26], [sflag:$0x2] =	stream.indirect_vreg.gather [hbm4b:s9+s3], $0x80, v3, vm0, $0xb8;
	[tilespmem:$0x10100] =	vst v63  }
0x6a: {  	s26 =	simm.s32 $0xF900  }
0x6b: {  	[tilespmem:s26], [sflag:$0x2] =	stream.indirect_vreg.gather [hbm4b:s10+s3], $0x80, v3, vm0, $0xb8;
	[tilespmem:$0x10100] =	vst v63  }
0x6c: {  	s31 =	rddreg [dreg:$0x5];
	s24 =	simm.s32 $0x100  }
0x6d: {  	[hbm4b:s31+s3] =	stream.linear.scatter [tilespmem:s24], [sflag:$0x3], $0x8000, $0x38;
	[tilespmem:$0x10100] =	vst v63  }
0x6e: {  	_ =	swait.ge [sflag:s12], $0x8000  }
0x6f: {  	[sflag:s12] =	ssyncset.done $0x0  }
0x70: {  	[sflag:s12] =	ssyncadd.s32 $0xFFFF8000  }
0x71: {  	_ =	swait.ge [sflag:s28], $0x8000  }
0x72: {  	[sflag:s28] =	ssyncset.done $0x0  }
0x73: {  	[sflag:s28] =	ssyncadd.s32 $0xFFFF8000  }
0x74: {  	v3 =	vld [tilespmem:$0x20];
	_ =	sdelay $0x4  }
0x75: {  	v50 =	vshll.u32 v3, $0x4  }
0x76: {  	v3 =	vand.u32 $0x7, v3;
	v4 =	vand.u32 $0xFFFFFF80, v50  }
0x77: {  	v3 =	vor.u32 v3, v4  }
0x78: {  	v4 =	vperm.xlane v3, v0;
	_ =	sdelay $0x1  }
0x79: {  	v4 =	vadd.s32 v1, v4;
	_ =	sdelay $0x4  }
0x7a: {  	[tilespmem:s24], [sflag:$0x1] =	stream.indirect_vreg.gather [hbm4b:s1+s3], $0x80, v4, vm0, $0xb8;
	[tilespmem:$0x10100] =	vst v63  }
0x7b: {  	s2 =	simm.s32 $0x900  }
0x7c: {  	[tilespmem:s2], [sflag:$0x1] =	stream.indirect_vreg.gather [hbm4b:s4+s3], $0x80, v4, vm0, $0xb8;
	[tilespmem:$0x10100] =	vst v63  }
0x7d: {  	s15 =	simm.s32 $0x1100  }
0x7e: {  	[tilespmem:s15], [sflag:$0x1] =	stream.indirect_vreg.gather [hbm4b:s5+s3], $0x80, v4, vm0, $0xb8;
	[tilespmem:$0x10100] =	vst v63  }
0x7f: {  	s16 =	simm.s32 $0x1900  }
0x80: {  	[tilespmem:s16], [sflag:$0x1] =	stream.indirect_vreg.gather [hbm4b:s6+s3], $0x80, v4, vm0, $0xb8;
	[tilespmem:$0x10100] =	vst v63  }
0x81: {  	s22 =	simm.s32 $0x2100  }
0x82: {  	[tilespmem:s22], [sflag:$0x1] =	stream.indirect_vreg.gather [hbm4b:s7+s3], $0x80, v4, vm0, $0xb8;
	[tilespmem:$0x10100] =	vst v63  }
0x83: {  	s23 =	simm.s32 $0x2900;
	v3 =	vperm.xlane v3, v2  }
0x84: {  	[tilespmem:s23], [sflag:$0x1] =	stream.indirect_vreg.gather [hbm4b:s8+s3], $0x80, v4, vm0, $0xb8;
	[tilespmem:$0x10100] =	vst v63  }
0x85: {  	s17 =	simm.s32 $0x3100;
	v3 =	vadd.s32 v1, v3  }
0x86: {  	[tilespmem:s17], [sflag:$0x1] =	stream.indirect_vreg.gather [hbm4b:s9+s3], $0x80, v4, vm0, $0xb8;
	[tilespmem:$0x10100] =	vst v63  }
0x87: {  	s18 =	simm.s32 $0x3900  }
0x88: {  	[tilespmem:s18], [sflag:$0x1] =	stream.indirect_vreg.gather [hbm4b:s10+s3], $0x80, v4, vm0, $0xb8;
	[tilespmem:$0x10100] =	vst v63  }
0x89: {  	s19 =	simm.s32 $0x4100  }
0x8a: {  	[tilespmem:s19], [sflag:$0x1] =	stream.indirect_vreg.gather [hbm4b:s1+s3], $0x80, v3, vm0, $0xb8;
	[tilespmem:$0x10100] =	vst v63  }
0x8b: {  	s20 =	simm.s32 $0x4900  }
0x8c: {  	[tilespmem:s20], [sflag:$0x1] =	stream.indirect_vreg.gather [hbm4b:s4+s3], $0x80, v3, vm0, $0xb8;
	[tilespmem:$0x10100] =	vst v63  }
0x8d: {  	s21 =	simm.s32 $0x5100  }
0x8e: {  	[tilespmem:s21], [sflag:$0x1] =	stream.indirect_vreg.gather [hbm4b:s5+s3], $0x80, v3, vm0, $0xb8;
	[tilespmem:$0x10100] =	vst v63  }
0x8f: {  	s22 =	simm.s32 $0x5900  }
0x90: {  	[tilespmem:s22], [sflag:$0x1] =	stream.indirect_vreg.gather [hbm4b:s6+s3], $0x80, v3, vm0, $0xb8;
	[tilespmem:$0x10100] =	vst v63  }
0x91: {  	s24 =	simm.s32 $0x6100  }
0x92: {  	[tilespmem:s24], [sflag:$0x1] =	stream.indirect_vreg.gather [hbm4b:s7+s3], $0x80, v3, vm0, $0xb8;
	[tilespmem:$0x10100] =	vst v63  }
0x93: {  	s25 =	simm.s32 $0x6900  }
0x94: {  	[tilespmem:s25], [sflag:$0x1] =	stream.indirect_vreg.gather [hbm4b:s8+s3], $0x80, v3, vm0, $0xb8;
	[tilespmem:$0x10100] =	vst v63  }
0x95: {  	s23 =	simm.s32 $0x7100  }
0x96: {  	[tilespmem:s23], [sflag:$0x1] =	stream.indirect_vreg.gather [hbm4b:s9+s3], $0x80, v3, vm0, $0xb8;
	[tilespmem:$0x10100] =	vst v63  }
0x97: {  	s0 =	simm.s32 $0x7900  }
0x98: {  	[tilespmem:s0], [sflag:$0x1] =	stream.indirect_vreg.gather [hbm4b:s10+s3], $0x80, v3, vm0, $0xb8;
	[tilespmem:$0x10100] =	vst v63  }
0x99: {  	s21 =	rddreg [dreg:$0x6]  }
0x9a: {  	[hbm4b:s21+s3] =	stream.linear.scatter [tilespmem:s11], [sflag:$0x3], $0x8000, $0x38;
	[tilespmem:$0x10100] =	vst v63  }
0x9b: {  	_ =	swait.ge [sflag:s12], $0x8000  }
0x9c: {  	[sflag:s12] =	ssyncset.done $0x0  }
0x9d: {  	[sflag:s12] =	ssyncadd.s32 $0xFFFF8000  }
0x9e: {  	_ =	swait.ge [sflag:s30], $0x8000  }
0x9f: {  	[sflag:s30] =	ssyncset.done $0x0  }
0xa0: {  	[sflag:s30] =	ssyncadd.s32 $0xFFFF8000  }
0xa1: {  	v3 =	vld [tilespmem:$0x30];
	_ =	sdelay $0x4  }
0xa2: {  	v51 =	vshll.u32 v3, $0x4  }
0xa3: {  	v3 =	vand.u32 $0x7, v3;
	v4 =	vand.u32 $0xFFFFFF80, v51  }
0xa4: {  	v3 =	vor.u32 v3, v4  }
0xa5: {  	v4 =	vperm.xlane v3, v0;
	_ =	sdelay $0x1  }
0xa6: {  	v4 =	vadd.s32 v1, v4;
	_ =	sdelay $0x4  }
0xa7: {  	[tilespmem:s11], [sflag:$0x2] =	stream.indirect_vreg.gather [hbm4b:s1+s3], $0x80, v4, vm0, $0xb8;
	[tilespmem:$0x10100] =	vst v63  }
0xa8: {  	s26 =	simm.s32 $0x8900  }
0xa9: {  	[tilespmem:s26], [sflag:$0x2] =	stream.indirect_vreg.gather [hbm4b:s4+s3], $0x80, v4, vm0, $0xb8;
	[tilespmem:$0x10100] =	vst v63  }
0xaa: {  	s0 =	simm.s32 $0x9100  }
0xab: {  	[tilespmem:s0], [sflag:$0x2] =	stream.indirect_vreg.gather [hbm4b:s5+s3], $0x80, v4, vm0, $0xb8;
	[tilespmem:$0x10100] =	vst v63  }
0xac: {  	s2 =	simm.s32 $0x9900  }
0xad: {  	[tilespmem:s2], [sflag:$0x2] =	stream.indirect_vreg.gather [hbm4b:s6+s3], $0x80, v4, vm0, $0xb8;
	[tilespmem:$0x10100] =	vst v63  }
0xae: {  	s13 =	simm.s32 $0xA100  }
0xaf: {  	[tilespmem:s13], [sflag:$0x2] =	stream.indirect_vreg.gather [hbm4b:s7+s3], $0x80, v4, vm0, $0xb8;
	[tilespmem:$0x10100] =	vst v63  }
0xb0: {  	s14 =	simm.s32 $0xA900;
	v3 =	vperm.xlane v3, v2  }
0xb1: {  	[tilespmem:s14], [sflag:$0x2] =	stream.indirect_vreg.gather [hbm4b:s8+s3], $0x80, v4, vm0, $0xb8;
	[tilespmem:$0x10100] =	vst v63  }
0xb2: {  	s31 =	simm.s32 $0xB100;
	v3 =	vadd.s32 v1, v3  }
0xb3: {  	[tilespmem:s31], [sflag:$0x2] =	stream.indirect_vreg.gather [hbm4b:s9+s3], $0x80, v4, vm0, $0xb8;
	[tilespmem:$0x10100] =	vst v63  }
0xb4: {  	s14 =	simm.s32 $0xB900  }
0xb5: {  	[tilespmem:s14], [sflag:$0x2] =	stream.indirect_vreg.gather [hbm4b:s10+s3], $0x80, v4, vm0, $0xb8;
	[tilespmem:$0x10100] =	vst v63  }
0xb6: {  	s15 =	simm.s32 $0xC100  }
0xb7: {  	[tilespmem:s15], [sflag:$0x2] =	stream.indirect_vreg.gather [hbm4b:s1+s3], $0x80, v3, vm0, $0xb8;
	[tilespmem:$0x10100] =	vst v63  }
0xb8: {  	s16 =	simm.s32 $0xC900  }
0xb9: {  	[tilespmem:s16], [sflag:$0x2] =	stream.indirect_vreg.gather [hbm4b:s4+s3], $0x80, v3, vm0, $0xb8;
	[tilespmem:$0x10100] =	vst v63  }
0xba: {  	s17 =	simm.s32 $0xD100  }
0xbb: {  	[tilespmem:s17], [sflag:$0x2] =	stream.indirect_vreg.gather [hbm4b:s5+s3], $0x80, v3, vm0, $0xb8;
	[tilespmem:$0x10100] =	vst v63  }
0xbc: {  	s18 =	simm.s32 $0xD900  }
0xbd: {  	[tilespmem:s18], [sflag:$0x2] =	stream.indirect_vreg.gather [hbm4b:s6+s3], $0x80, v3, vm0, $0xb8;
	[tilespmem:$0x10100] =	vst v63  }
0xbe: {  	s19 =	simm.s32 $0xE100  }
0xbf: {  	[tilespmem:s19], [sflag:$0x2] =	stream.indirect_vreg.gather [hbm4b:s7+s3], $0x80, v3, vm0, $0xb8;
	[tilespmem:$0x10100] =	vst v63  }
0xc0: {  	s20 =	simm.s32 $0xE900  }
0xc1: {  	[tilespmem:s20], [sflag:$0x2] =	stream.indirect_vreg.gather [hbm4b:s8+s3], $0x80, v3, vm0, $0xb8;
	[tilespmem:$0x10100] =	vst v63  }
0xc2: {  	s21 =	simm.s32 $0xF100  }
0xc3: {  	[tilespmem:s21], [sflag:$0x2] =	stream.indirect_vreg.gather [hbm4b:s9+s3], $0x80, v3, vm0, $0xb8;
	[tilespmem:$0x10100] =	vst v63  }
0xc4: {  	s13 =	simm.s32 $0xF900  }
0xc5: {  	[tilespmem:s13], [sflag:$0x2] =	stream.indirect_vreg.gather [hbm4b:s10+s3], $0x80, v3, vm0, $0xb8;
	[tilespmem:$0x10100] =	vst v63  }
0xc6: {  	s29 =	rddreg [dreg:$0x7];
	s13 =	simm.s32 $0x100  }
0xc7: {  	[hbm4b:s29+s3] =	stream.linear.scatter [tilespmem:s13], [sflag:$0x3], $0x8000, $0x38;
	[tilespmem:$0x10100] =	vst v63  }
0xc8: {  	_ =	swait.ge [sflag:s12], $0x8000  }
0xc9: {  	[sflag:s12] =	ssyncset.done $0x0  }
0xca: {  	[sflag:s12] =	ssyncadd.s32 $0xFFFF8000  }
0xcb: {  	_ =	swait.ge [sflag:s28], $0x8000  }
0xcc: {  	[sflag:s28] =	ssyncset.done $0x0  }
0xcd: {  	[sflag:s28] =	ssyncadd.s32 $0xFFFF8000  }
0xce: {  	v3 =	vld [tilespmem:$0x40];
	_ =	sdelay $0x4  }
0xcf: {  	v52 =	vshll.u32 v3, $0x4  }
0xd0: {  	v3 =	vand.u32 $0x7, v3;
	v4 =	vand.u32 $0xFFFFFF80, v52  }
0xd1: {  	v3 =	vor.u32 v3, v4  }
0xd2: {  	v4 =	vperm.xlane v3, v0;
	_ =	sdelay $0x1  }
0xd3: {  	v4 =	vadd.s32 v1, v4;
	_ =	sdelay $0x4  }
0xd4: {  	[tilespmem:s13], [sflag:$0x1] =	stream.indirect_vreg.gather [hbm4b:s1+s3], $0x80, v4, vm0, $0xb8;
	[tilespmem:$0x10100] =	vst v63  }
0xd5: {  	s29 =	simm.s32 $0x900  }
0xd6: {  	[tilespmem:s29], [sflag:$0x1] =	stream.indirect_vreg.gather [hbm4b:s4+s3], $0x80, v4, vm0, $0xb8;
	[tilespmem:$0x10100] =	vst v63  }
0xd7: {  	s29 =	simm.s32 $0x1100  }
0xd8: {  	[tilespmem:s29], [sflag:$0x1] =	stream.indirect_vreg.gather [hbm4b:s5+s3], $0x80, v4, vm0, $0xb8;
	[tilespmem:$0x10100] =	vst v63  }
0xd9: {  	s29 =	simm.s32 $0x1900  }
0xda: {  	[tilespmem:s29], [sflag:$0x1] =	stream.indirect_vreg.gather [hbm4b:s6+s3], $0x80, v4, vm0, $0xb8;
	[tilespmem:$0x10100] =	vst v63  }
0xdb: {  	s29 =	simm.s32 $0x2100  }
0xdc: {  	[tilespmem:s29], [sflag:$0x1] =	stream.indirect_vreg.gather [hbm4b:s7+s3], $0x80, v4, vm0, $0xb8;
	[tilespmem:$0x10100] =	vst v63  }
0xdd: {  	v3 =	vperm.xlane v3, v2;
	s29 =	simm.s32 $0x2900  }
0xde: {  	[tilespmem:s29], [sflag:$0x1] =	stream.indirect_vreg.gather [hbm4b:s8+s3], $0x80, v4, vm0, $0xb8;
	[tilespmem:$0x10100] =	vst v63  }
0xdf: {  	v3 =	vadd.s32 v1, v3;
	s29 =	simm.s32 $0x3100  }
0xe0: {  	[tilespmem:s29], [sflag:$0x1] =	stream.indirect_vreg.gather [hbm4b:s9+s3], $0x80, v4, vm0, $0xb8;
	[tilespmem:$0x10100] =	vst v63  }
0xe1: {  	s29 =	simm.s32 $0x3900  }
0xe2: {  	[tilespmem:s29], [sflag:$0x1] =	stream.indirect_vreg.gather [hbm4b:s10+s3], $0x80, v4, vm0, $0xb8;
	[tilespmem:$0x10100] =	vst v63  }
0xe3: {  	s29 =	simm.s32 $0x4100  }
0xe4: {  	[tilespmem:s29], [sflag:$0x1] =	stream.indirect_vreg.gather [hbm4b:s1+s3], $0x80, v3, vm0, $0xb8;
	[tilespmem:$0x10100] =	vst v63  }
0xe5: {  	s29 =	simm.s32 $0x4900  }
0xe6: {  	[tilespmem:s29], [sflag:$0x1] =	stream.indirect_vreg.gather [hbm4b:s4+s3], $0x80, v3, vm0, $0xb8;
	[tilespmem:$0x10100] =	vst v63  }
0xe7: {  	s29 =	simm.s32 $0x5100  }
0xe8: {  	[tilespmem:s29], [sflag:$0x1] =	stream.indirect_vreg.gather [hbm4b:s5+s3], $0x80, v3, vm0, $0xb8;
	[tilespmem:$0x10100] =	vst v63  }
0xe9: {  	_ = 	snop  }
0xea: {  	[tilespmem:s22], [sflag:$0x1] =	stream.indirect_vreg.gather [hbm4b:s6+s3], $0x80, v3, vm0, $0xb8;
	[tilespmem:$0x10100] =	vst v63  }
0xeb: {  	_ = 	snop  }
0xec: {  	[tilespmem:s24], [sflag:$0x1] =	stream.indirect_vreg.gather [hbm4b:s7+s3], $0x80, v3, vm0, $0xb8;
	[tilespmem:$0x10100] =	vst v63  }
0xed: {  	_ = 	snop  }
0xee: {  	[tilespmem:s25], [sflag:$0x1] =	stream.indirect_vreg.gather [hbm4b:s8+s3], $0x80, v3, vm0, $0xb8;
	[tilespmem:$0x10100] =	vst v63  }
0xef: {  	_ = 	snop  }
0xf0: {  	[tilespmem:s23], [sflag:$0x1] =	stream.indirect_vreg.gather [hbm4b:s9+s3], $0x80, v3, vm0, $0xb8;
	[tilespmem:$0x10100] =	vst v63  }
0xf1: {  	s22 =	simm.s32 $0x7900  }
0xf2: {  	[tilespmem:s22], [sflag:$0x1] =	stream.indirect_vreg.gather [hbm4b:s10+s3], $0x80, v3, vm0, $0xb8;
	[tilespmem:$0x10100] =	vst v63  }
0xf3: {  	s29 =	rddreg [dreg:$0x8]  }
0xf4: {  	[hbm4b:s29+s3] =	stream.linear.scatter [tilespmem:s11], [sflag:$0x3], $0x8000, $0x38;
	[tilespmem:$0x10100] =	vst v63  }
0xf5: {  	_ =	swait.ge [sflag:s12], $0x8000  }
0xf6: {  	[sflag:s12] =	ssyncset.done $0x0  }
0xf7: {  	[sflag:s12] =	ssyncadd.s32 $0xFFFF8000  }
0xf8: {  	_ =	swait.ge [sflag:s30], $0x8000  }
0xf9: {  	[sflag:s30] =	ssyncset.done $0x0  }
0xfa: {  	[sflag:s30] =	ssyncadd.s32 $0xFFFF8000  }
0xfb: {  	v3 =	vld [tilespmem:$0x50];
	_ =	sdelay $0x4  }
0xfc: {  	v53 =	vshll.u32 v3, $0x4  }
0xfd: {  	v3 =	vand.u32 $0x7, v3;
	v4 =	vand.u32 $0xFFFFFF80, v53  }
0xfe: {  	v3 =	vor.u32 v3, v4  }
0xff: {  	v4 =	vperm.xlane v3, v0;
	_ =	sdelay $0x1  }
0x100: {  	v4 =	vadd.s32 v1, v4;
	_ =	sdelay $0x4  }
0x101: {  	[tilespmem:s11], [sflag:$0x2] =	stream.indirect_vreg.gather [hbm4b:s1+s3], $0x80, v4, vm0, $0xb8;
	[tilespmem:$0x10100] =	vst v63  }
0x102: {  	_ = 	snop  }
0x103: {  	[tilespmem:s26], [sflag:$0x2] =	stream.indirect_vreg.gather [hbm4b:s4+s3], $0x80, v4, vm0, $0xb8;
	[tilespmem:$0x10100] =	vst v63  }
0x104: {  	_ = 	snop  }
0x105: {  	[tilespmem:s0], [sflag:$0x2] =	stream.indirect_vreg.gather [hbm4b:s5+s3], $0x80, v4, vm0, $0xb8;
	[tilespmem:$0x10100] =	vst v63  }
0x106: {  	_ = 	snop  }
0x107: {  	[tilespmem:s2], [sflag:$0x2] =	stream.indirect_vreg.gather [hbm4b:s6+s3], $0x80, v4, vm0, $0xb8;
	[tilespmem:$0x10100] =	vst v63  }
0x108: {  	s22 =	simm.s32 $0xA100  }
0x109: {  	[tilespmem:s22], [sflag:$0x2] =	stream.indirect_vreg.gather [hbm4b:s7+s3], $0x80, v4, vm0, $0xb8;
	[tilespmem:$0x10100] =	vst v63  }
0x10a: {  	v3 =	vperm.xlane v3, v2;
	s0 =	simm.s32 $0xA900  }
0x10b: {  	[tilespmem:s0], [sflag:$0x2] =	stream.indirect_vreg.gather [hbm4b:s8+s3], $0x80, v4, vm0, $0xb8;
	[tilespmem:$0x10100] =	vst v63  }
0x10c: {  	v3 =	vadd.s32 v1, v3  }
0x10d: {  	[tilespmem:s31], [sflag:$0x2] =	stream.indirect_vreg.gather [hbm4b:s9+s3], $0x80, v4, vm0, $0xb8;
	[tilespmem:$0x10100] =	vst v63  }
0x10e: {  	_ = 	snop  }
0x10f: {  	[tilespmem:s14], [sflag:$0x2] =	stream.indirect_vreg.gather [hbm4b:s10+s3], $0x80, v4, vm0, $0xb8;
	[tilespmem:$0x10100] =	vst v63  }
0x110: {  	_ = 	snop  }
0x111: {  	[tilespmem:s15], [sflag:$0x2] =	stream.indirect_vreg.gather [hbm4b:s1+s3], $0x80, v3, vm0, $0xb8;
	[tilespmem:$0x10100] =	vst v63  }
0x112: {  	_ = 	snop  }
0x113: {  	[tilespmem:s16], [sflag:$0x2] =	stream.indirect_vreg.gather [hbm4b:s4+s3], $0x80, v3, vm0, $0xb8;
	[tilespmem:$0x10100] =	vst v63  }
0x114: {  	_ = 	snop  }
0x115: {  	[tilespmem:s17], [sflag:$0x2] =	stream.indirect_vreg.gather [hbm4b:s5+s3], $0x80, v3, vm0, $0xb8;
	[tilespmem:$0x10100] =	vst v63  }
0x116: {  	_ = 	snop  }
0x117: {  	[tilespmem:s18], [sflag:$0x2] =	stream.indirect_vreg.gather [hbm4b:s6+s3], $0x80, v3, vm0, $0xb8;
	[tilespmem:$0x10100] =	vst v63  }
0x118: {  	_ = 	snop  }
0x119: {  	[tilespmem:s19], [sflag:$0x2] =	stream.indirect_vreg.gather [hbm4b:s7+s3], $0x80, v3, vm0, $0xb8;
	[tilespmem:$0x10100] =	vst v63  }
0x11a: {  	_ = 	snop  }
0x11b: {  	[tilespmem:s20], [sflag:$0x2] =	stream.indirect_vreg.gather [hbm4b:s8+s3], $0x80, v3, vm0, $0xb8;
	[tilespmem:$0x10100] =	vst v63  }
0x11c: {  	_ = 	snop  }
0x11d: {  	[tilespmem:s21], [sflag:$0x2] =	stream.indirect_vreg.gather [hbm4b:s9+s3], $0x80, v3, vm0, $0xb8;
	[tilespmem:$0x10100] =	vst v63  }
0x11e: {  	s22 =	simm.s32 $0xF900  }
0x11f: {  	[tilespmem:s22], [sflag:$0x2] =	stream.indirect_vreg.gather [hbm4b:s10+s3], $0x80, v3, vm0, $0xb8;
	[tilespmem:$0x10100] =	vst v63  }
0x120: {  	s13 =	simm.s32 $0x100;
	s29 =	rddreg [dreg:$0x9]  }
0x121: {  	[hbm4b:s29+s3] =	stream.linear.scatter [tilespmem:s13], [sflag:$0x3], $0x8000, $0x38;
	[tilespmem:$0x10100] =	vst v63  }
0x122: {  	_ =	swait.ge [sflag:s12], $0x8000  }
0x123: {  	[sflag:s12] =	ssyncset.done $0x0  }
0x124: {  	[sflag:s12] =	ssyncadd.s32 $0xFFFF8000  }
0x125: {  	_ =	swait.ge [sflag:s28], $0x8000  }
0x126: {  	[sflag:s28] =	ssyncset.done $0x0  }
0x127: {  	[sflag:s28] =	ssyncadd.s32 $0xFFFF8000  }
0x128: {  	v3 =	vld [tilespmem:$0x60];
	_ =	sdelay $0x4  }
0x129: {  	v54 =	vshll.u32 v3, $0x4  }
0x12a: {  	v3 =	vand.u32 $0x7, v3;
	v4 =	vand.u32 $0xFFFFFF80, v54  }
0x12b: {  	v3 =	vor.u32 v3, v4  }
0x12c: {  	v4 =	vperm.xlane v3, v0;
	_ =	sdelay $0x1  }
0x12d: {  	v4 =	vadd.s32 v1, v4;
	_ =	sdelay $0x4  }
0x12e: {  	[tilespmem:s13], [sflag:$0x1] =	stream.indirect_vreg.gather [hbm4b:s1+s3], $0x80, v4, vm0, $0xb8;
	[tilespmem:$0x10100] =	vst v63  }
0x12f: {  	s22 =	simm.s32 $0x900  }
0x130: {  	[tilespmem:s22], [sflag:$0x1] =	stream.indirect_vreg.gather [hbm4b:s4+s3], $0x80, v4, vm0, $0xb8;
	[tilespmem:$0x10100] =	vst v63  }
0x131: {  	s29 =	simm.s32 $0x1100  }
0x132: {  	[tilespmem:s29], [sflag:$0x1] =	stream.indirect_vreg.gather [hbm4b:s5+s3], $0x80, v4, vm0, $0xb8;
	[tilespmem:$0x10100] =	vst v63  }
0x133: {  	s22 =	simm.s32 $0x1900  }
0x134: {  	[tilespmem:s22], [sflag:$0x1] =	stream.indirect_vreg.gather [hbm4b:s6+s3], $0x80, v4, vm0, $0xb8;
	[tilespmem:$0x10100] =	vst v63  }
0x135: {  	s29 =	simm.s32 $0x2100  }
0x136: {  	[tilespmem:s29], [sflag:$0x1] =	stream.indirect_vreg.gather [hbm4b:s7+s3], $0x80, v4, vm0, $0xb8;
	[tilespmem:$0x10100] =	vst v63  }
0x137: {  	v3 =	vperm.xlane v3, v2;
	s22 =	simm.s32 $0x2900  }
0x138: {  	[tilespmem:s22], [sflag:$0x1] =	stream.indirect_vreg.gather [hbm4b:s8+s3], $0x80, v4, vm0, $0xb8;
	[tilespmem:$0x10100] =	vst v63  }
0x139: {  	v3 =	vadd.s32 v1, v3;
	s29 =	simm.s32 $0x3100  }
0x13a: {  	[tilespmem:s29], [sflag:$0x1] =	stream.indirect_vreg.gather [hbm4b:s9+s3], $0x80, v4, vm0, $0xb8;
	[tilespmem:$0x10100] =	vst v63  }
0x13b: {  	s22 =	simm.s32 $0x3900  }
0x13c: {  	[tilespmem:s22], [sflag:$0x1] =	stream.indirect_vreg.gather [hbm4b:s10+s3], $0x80, v4, vm0, $0xb8;
	[tilespmem:$0x10100] =	vst v63  }
0x13d: {  	s29 =	simm.s32 $0x4100  }
0x13e: {  	[tilespmem:s29], [sflag:$0x1] =	stream.indirect_vreg.gather [hbm4b:s1+s3], $0x80, v3, vm0, $0xb8;
	[tilespmem:$0x10100] =	vst v63  }
0x13f: {  	s22 =	simm.s32 $0x4900  }
0x140: {  	[tilespmem:s22], [sflag:$0x1] =	stream.indirect_vreg.gather [hbm4b:s4+s3], $0x80, v3, vm0, $0xb8;
	[tilespmem:$0x10100] =	vst v63  }
0x141: {  	s29 =	simm.s32 $0x5100  }
0x142: {  	[tilespmem:s29], [sflag:$0x1] =	stream.indirect_vreg.gather [hbm4b:s5+s3], $0x80, v3, vm0, $0xb8;
	[tilespmem:$0x10100] =	vst v63  }
0x143: {  	s22 =	simm.s32 $0x5900  }
0x144: {  	[tilespmem:s22], [sflag:$0x1] =	stream.indirect_vreg.gather [hbm4b:s6+s3], $0x80, v3, vm0, $0xb8;
	[tilespmem:$0x10100] =	vst v63  }
0x145: {  	s24 =	simm.s32 $0x6100  }
0x146: {  	[tilespmem:s24], [sflag:$0x1] =	stream.indirect_vreg.gather [hbm4b:s7+s3], $0x80, v3, vm0, $0xb8;
	[tilespmem:$0x10100] =	vst v63  }
0x147: {  	s25 =	simm.s32 $0x6900  }
0x148: {  	[tilespmem:s25], [sflag:$0x1] =	stream.indirect_vreg.gather [hbm4b:s8+s3], $0x80, v3, vm0, $0xb8;
	[tilespmem:$0x10100] =	vst v63  }
0x149: {  	s23 =	simm.s32 $0x7100  }
0x14a: {  	[tilespmem:s23], [sflag:$0x1] =	stream.indirect_vreg.gather [hbm4b:s9+s3], $0x80, v3, vm0, $0xb8;
	[tilespmem:$0x10100] =	vst v63  }
0x14b: {  	s24 =	simm.s32 $0x7900  }
0x14c: {  	[tilespmem:s24], [sflag:$0x1] =	stream.indirect_vreg.gather [hbm4b:s10+s3], $0x80, v3, vm0, $0xb8;
	[tilespmem:$0x10100] =	vst v63  }
0x14d: {  	s29 =	rddreg [dreg:$0xa]  }
0x14e: {  	[hbm4b:s29+s3] =	stream.linear.scatter [tilespmem:s11], [sflag:$0x3], $0x8000, $0x38;
	[tilespmem:$0x10100] =	vst v63  }
0x14f: {  	_ =	swait.ge [sflag:s12], $0x8000  }
0x150: {  	[sflag:s12] =	ssyncset.done $0x0  }
0x151: {  	[sflag:s12] =	ssyncadd.s32 $0xFFFF8000  }
0x152: {  	_ =	swait.ge [sflag:s30], $0x8000  }
0x153: {  	[sflag:s30] =	ssyncset.done $0x0  }
0x154: {  	[sflag:s30] =	ssyncadd.s32 $0xFFFF8000  }
0x155: {  	v3 =	vld [tilespmem:$0x70];
	_ =	sdelay $0x4  }
0x156: {  	v55 =	vshll.u32 v3, $0x4  }
0x157: {  	v3 =	vand.u32 $0x7, v3;
	v4 =	vand.u32 $0xFFFFFF80, v55  }
0x158: {  	v3 =	vor.u32 v3, v4  }
0x159: {  	v4 =	vperm.xlane v3, v0;
	_ =	sdelay $0x1  }
0x15a: {  	v4 =	vadd.s32 v1, v4;
	_ =	sdelay $0x4  }
0x15b: {  	[tilespmem:s11], [sflag:$0x2] =	stream.indirect_vreg.gather [hbm4b:s1+s3], $0x80, v4, vm0, $0xb8;
	[tilespmem:$0x10100] =	vst v63  }
0x15c: {  	s26 =	simm.s32 $0x8900  }
0x15d: {  	[tilespmem:s26], [sflag:$0x2] =	stream.indirect_vreg.gather [hbm4b:s4+s3], $0x80, v4, vm0, $0xb8;
	[tilespmem:$0x10100] =	vst v63  }
0x15e: {  	s26 =	simm.s32 $0x9100  }
0x15f: {  	[tilespmem:s26], [sflag:$0x2] =	stream.indirect_vreg.gather [hbm4b:s5+s3], $0x80, v4, vm0, $0xb8;
	[tilespmem:$0x10100] =	vst v63  }
0x160: {  	s2 =	simm.s32 $0x9900  }
0x161: {  	[tilespmem:s2], [sflag:$0x2] =	stream.indirect_vreg.gather [hbm4b:s6+s3], $0x80, v4, vm0, $0xb8;
	[tilespmem:$0x10100] =	vst v63  }
0x162: {  	s29 =	simm.s32 $0xA100  }
0x163: {  	[tilespmem:s29], [sflag:$0x2] =	stream.indirect_vreg.gather [hbm4b:s7+s3], $0x80, v4, vm0, $0xb8;
	[tilespmem:$0x10100] =	vst v63  }
0x164: {  	s0 =	simm.s32 $0xA900;
	v3 =	vperm.xlane v3, v2  }
0x165: {  	[tilespmem:s0], [sflag:$0x2] =	stream.indirect_vreg.gather [hbm4b:s8+s3], $0x80, v4, vm0, $0xb8;
	[tilespmem:$0x10100] =	vst v63  }
0x166: {  	s31 =	simm.s32 $0xB100;
	v3 =	vadd.s32 v1, v3  }
0x167: {  	[tilespmem:s31], [sflag:$0x2] =	stream.indirect_vreg.gather [hbm4b:s9+s3], $0x80, v4, vm0, $0xb8;
	[tilespmem:$0x10100] =	vst v63  }
0x168: {  	s14 =	simm.s32 $0xB900  }
0x169: {  	[tilespmem:s14], [sflag:$0x2] =	stream.indirect_vreg.gather [hbm4b:s10+s3], $0x80, v4, vm0, $0xb8;
	[tilespmem:$0x10100] =	vst v63  }
0x16a: {  	s15 =	simm.s32 $0xC100  }
0x16b: {  	[tilespmem:s15], [sflag:$0x2] =	stream.indirect_vreg.gather [hbm4b:s1+s3], $0x80, v3, vm0, $0xb8;
	[tilespmem:$0x10100] =	vst v63  }
0x16c: {  	s16 =	simm.s32 $0xC900  }
0x16d: {  	[tilespmem:s16], [sflag:$0x2] =	stream.indirect_vreg.gather [hbm4b:s4+s3], $0x80, v3, vm0, $0xb8;
	[tilespmem:$0x10100] =	vst v63  }
0x16e: {  	s17 =	simm.s32 $0xD100  }
0x16f: {  	[tilespmem:s17], [sflag:$0x2] =	stream.indirect_vreg.gather [hbm4b:s5+s3], $0x80, v3, vm0, $0xb8;
	[tilespmem:$0x10100] =	vst v63  }
0x170: {  	s18 =	simm.s32 $0xD900  }
0x171: {  	[tilespmem:s18], [sflag:$0x2] =	stream.indirect_vreg.gather [hbm4b:s6+s3], $0x80, v3, vm0, $0xb8;
	[tilespmem:$0x10100] =	vst v63  }
0x172: {  	s19 =	simm.s32 $0xE100  }
0x173: {  	[tilespmem:s19], [sflag:$0x2] =	stream.indirect_vreg.gather [hbm4b:s7+s3], $0x80, v3, vm0, $0xb8;
	[tilespmem:$0x10100] =	vst v63  }
0x174: {  	s20 =	simm.s32 $0xE900  }
0x175: {  	[tilespmem:s20], [sflag:$0x2] =	stream.indirect_vreg.gather [hbm4b:s8+s3], $0x80, v3, vm0, $0xb8;
	[tilespmem:$0x10100] =	vst v63  }
0x176: {  	s21 =	simm.s32 $0xF100  }
0x177: {  	[tilespmem:s21], [sflag:$0x2] =	stream.indirect_vreg.gather [hbm4b:s9+s3], $0x80, v3, vm0, $0xb8;
	[tilespmem:$0x10100] =	vst v63  }
0x178: {  	s0 =	simm.s32 $0xF900  }
0x179: {  	[tilespmem:s0], [sflag:$0x2] =	stream.indirect_vreg.gather [hbm4b:s10+s3], $0x80, v3, vm0, $0xb8;
	[tilespmem:$0x10100] =	vst v63  }
0x17a: {  	s29 =	rddreg [dreg:$0xb]  }
0x17b: {  	[hbm4b:s29+s3] =	stream.linear.scatter [tilespmem:s13], [sflag:$0x3], $0x8000, $0x38;
	[tilespmem:$0x10100] =	vst v63  }
0x17c: {  	_ =	swait.ge [sflag:s12], $0x8000  }
0x17d: {  	[sflag:s12] =	ssyncset.done $0x0  }
0x17e: {  	[sflag:s12] =	ssyncadd.s32 $0xFFFF8000  }
0x17f: {  	_ =	swait.ge [sflag:s28], $0x8000  }
0x180: {  	[sflag:s28] =	ssyncset.done $0x0  }
0x181: {  	[sflag:s28] =	ssyncadd.s32 $0xFFFF8000  }
0x182: {  	v3 =	vld [tilespmem:$0x80];
	_ =	sdelay $0x4  }
0x183: {  	v56 =	vshll.u32 v3, $0x4  }
0x184: {  	v3 =	vand.u32 $0x7, v3;
	v4 =	vand.u32 $0xFFFFFF80, v56  }
0x185: {  	v3 =	vor.u32 v3, v4  }
0x186: {  	v4 =	vperm.xlane v3, v0;
	_ =	sdelay $0x1  }
0x187: {  	v4 =	vadd.s32 v1, v4;
	_ =	sdelay $0x4  }
0x188: {  	[tilespmem:s13], [sflag:$0x1] =	stream.indirect_vreg.gather [hbm4b:s1+s3], $0x80, v4, vm0, $0xb8;
	[tilespmem:$0x10100] =	vst v63  }
0x189: {  	s29 =	simm.s32 $0x900  }
0x18a: {  	[tilespmem:s29], [sflag:$0x1] =	stream.indirect_vreg.gather [hbm4b:s4+s3], $0x80, v4, vm0, $0xb8;
	[tilespmem:$0x10100] =	vst v63  }
0x18b: {  	s29 =	simm.s32 $0x1100  }
0x18c: {  	[tilespmem:s29], [sflag:$0x1] =	stream.indirect_vreg.gather [hbm4b:s5+s3], $0x80, v4, vm0, $0xb8;
	[tilespmem:$0x10100] =	vst v63  }
0x18d: {  	s29 =	simm.s32 $0x1900  }
0x18e: {  	[tilespmem:s29], [sflag:$0x1] =	stream.indirect_vreg.gather [hbm4b:s6+s3], $0x80, v4, vm0, $0xb8;
	[tilespmem:$0x10100] =	vst v63  }
0x18f: {  	s29 =	simm.s32 $0x2100  }
0x190: {  	[tilespmem:s29], [sflag:$0x1] =	stream.indirect_vreg.gather [hbm4b:s7+s3], $0x80, v4, vm0, $0xb8;
	[tilespmem:$0x10100] =	vst v63  }
0x191: {  	v3 =	vperm.xlane v3, v2;
	s29 =	simm.s32 $0x2900  }
0x192: {  	[tilespmem:s29], [sflag:$0x1] =	stream.indirect_vreg.gather [hbm4b:s8+s3], $0x80, v4, vm0, $0xb8;
	[tilespmem:$0x10100] =	vst v63  }
0x193: {  	v3 =	vadd.s32 v1, v3;
	s29 =	simm.s32 $0x3100  }
0x194: {  	[tilespmem:s29], [sflag:$0x1] =	stream.indirect_vreg.gather [hbm4b:s9+s3], $0x80, v4, vm0, $0xb8;
	[tilespmem:$0x10100] =	vst v63  }
0x195: {  	s29 =	simm.s32 $0x3900  }
0x196: {  	[tilespmem:s29], [sflag:$0x1] =	stream.indirect_vreg.gather [hbm4b:s10+s3], $0x80, v4, vm0, $0xb8;
	[tilespmem:$0x10100] =	vst v63  }
0x197: {  	s29 =	simm.s32 $0x4100  }
0x198: {  	[tilespmem:s29], [sflag:$0x1] =	stream.indirect_vreg.gather [hbm4b:s1+s3], $0x80, v3, vm0, $0xb8;
	[tilespmem:$0x10100] =	vst v63  }
0x199: {  	s29 =	simm.s32 $0x4900  }
0x19a: {  	[tilespmem:s29], [sflag:$0x1] =	stream.indirect_vreg.gather [hbm4b:s4+s3], $0x80, v3, vm0, $0xb8;
	[tilespmem:$0x10100] =	vst v63  }
0x19b: {  	s29 =	simm.s32 $0x5100  }
0x19c: {  	[tilespmem:s29], [sflag:$0x1] =	stream.indirect_vreg.gather [hbm4b:s5+s3], $0x80, v3, vm0, $0xb8;
	[tilespmem:$0x10100] =	vst v63  }
0x19d: {  	s29 =	simm.s32 $0x5900  }
0x19e: {  	[tilespmem:s29], [sflag:$0x1] =	stream.indirect_vreg.gather [hbm4b:s6+s3], $0x80, v3, vm0, $0xb8;
	[tilespmem:$0x10100] =	vst v63  }
0x19f: {  	s22 =	simm.s32 $0x6100  }
0x1a0: {  	[tilespmem:s22], [sflag:$0x1] =	stream.indirect_vreg.gather [hbm4b:s7+s3], $0x80, v3, vm0, $0xb8;
	[tilespmem:$0x10100] =	vst v63  }
0x1a1: {  	s25 =	simm.s32 $0x6900  }
0x1a2: {  	[tilespmem:s25], [sflag:$0x1] =	stream.indirect_vreg.gather [hbm4b:s8+s3], $0x80, v3, vm0, $0xb8;
	[tilespmem:$0x10100] =	vst v63  }
0x1a3: {  	s23 =	simm.s32 $0x7100  }
0x1a4: {  	[tilespmem:s23], [sflag:$0x1] =	stream.indirect_vreg.gather [hbm4b:s9+s3], $0x80, v3, vm0, $0xb8;
	[tilespmem:$0x10100] =	vst v63  }
0x1a5: {  	s23 =	simm.s32 $0x7900  }
0x1a6: {  	[tilespmem:s23], [sflag:$0x1] =	stream.indirect_vreg.gather [hbm4b:s10+s3], $0x80, v3, vm0, $0xb8;
	[tilespmem:$0x10100] =	vst v63  }
0x1a7: {  	s29 =	rddreg [dreg:$0xc]  }
0x1a8: {  	[hbm4b:s29+s3] =	stream.linear.scatter [tilespmem:s11], [sflag:$0x3], $0x8000, $0x38;
	[tilespmem:$0x10100] =	vst v63  }
0x1a9: {  	_ =	swait.ge [sflag:s12], $0x8000  }
0x1aa: {  	[sflag:s12] =	ssyncset.done $0x0  }
0x1ab: {  	[sflag:s12] =	ssyncadd.s32 $0xFFFF8000  }
0x1ac: {  	_ =	swait.ge [sflag:s30], $0x8000  }
0x1ad: {  	[sflag:s30] =	ssyncset.done $0x0  }
0x1ae: {  	[sflag:s30] =	ssyncadd.s32 $0xFFFF8000  }
0x1af: {  	v3 =	vld [tilespmem:$0x90];
	_ =	sdelay $0x4  }
0x1b0: {  	v57 =	vshll.u32 v3, $0x4  }
0x1b1: {  	v3 =	vand.u32 $0x7, v3;
	v4 =	vand.u32 $0xFFFFFF80, v57  }
0x1b2: {  	v3 =	vor.u32 v3, v4  }
0x1b3: {  	v4 =	vperm.xlane v3, v0;
	_ =	sdelay $0x1  }
0x1b4: {  	v4 =	vadd.s32 v1, v4;
	_ =	sdelay $0x4  }
0x1b5: {  	[tilespmem:s11], [sflag:$0x2] =	stream.indirect_vreg.gather [hbm4b:s1+s3], $0x80, v4, vm0, $0xb8;
	[tilespmem:$0x10100] =	vst v63  }
0x1b6: {  	s24 =	simm.s32 $0x8900  }
0x1b7: {  	[tilespmem:s24], [sflag:$0x2] =	stream.indirect_vreg.gather [hbm4b:s4+s3], $0x80, v4, vm0, $0xb8;
	[tilespmem:$0x10100] =	vst v63  }
0x1b8: {  	s29 =	simm.s32 $0x9100  }
0x1b9: {  	[tilespmem:s29], [sflag:$0x2] =	stream.indirect_vreg.gather [hbm4b:s5+s3], $0x80, v4, vm0, $0xb8;
	[tilespmem:$0x10100] =	vst v63  }
0x1ba: {  	s2 =	simm.s32 $0x9900  }
0x1bb: {  	[tilespmem:s2], [sflag:$0x2] =	stream.indirect_vreg.gather [hbm4b:s6+s3], $0x80, v4, vm0, $0xb8;
	[tilespmem:$0x10100] =	vst v63  }
0x1bc: {  	s26 =	simm.s32 $0xA100  }
0x1bd: {  	[tilespmem:s26], [sflag:$0x2] =	stream.indirect_vreg.gather [hbm4b:s7+s3], $0x80, v4, vm0, $0xb8;
	[tilespmem:$0x10100] =	vst v63  }
0x1be: {  	s0 =	simm.s32 $0xA900;
	v3 =	vperm.xlane v3, v2  }
0x1bf: {  	[tilespmem:s0], [sflag:$0x2] =	stream.indirect_vreg.gather [hbm4b:s8+s3], $0x80, v4, vm0, $0xb8;
	[tilespmem:$0x10100] =	vst v63  }
0x1c0: {  	s31 =	simm.s32 $0xB100;
	v3 =	vadd.s32 v1, v3  }
0x1c1: {  	[tilespmem:s31], [sflag:$0x2] =	stream.indirect_vreg.gather [hbm4b:s9+s3], $0x80, v4, vm0, $0xb8;
	[tilespmem:$0x10100] =	vst v63  }
0x1c2: {  	s14 =	simm.s32 $0xB900  }
0x1c3: {  	[tilespmem:s14], [sflag:$0x2] =	stream.indirect_vreg.gather [hbm4b:s10+s3], $0x80, v4, vm0, $0xb8;
	[tilespmem:$0x10100] =	vst v63  }
0x1c4: {  	s15 =	simm.s32 $0xC100  }
0x1c5: {  	[tilespmem:s15], [sflag:$0x2] =	stream.indirect_vreg.gather [hbm4b:s1+s3], $0x80, v3, vm0, $0xb8;
	[tilespmem:$0x10100] =	vst v63  }
0x1c6: {  	s16 =	simm.s32 $0xC900  }
0x1c7: {  	[tilespmem:s16], [sflag:$0x2] =	stream.indirect_vreg.gather [hbm4b:s4+s3], $0x80, v3, vm0, $0xb8;
	[tilespmem:$0x10100] =	vst v63  }
0x1c8: {  	s17 =	simm.s32 $0xD100  }
0x1c9: {  	[tilespmem:s17], [sflag:$0x2] =	stream.indirect_vreg.gather [hbm4b:s5+s3], $0x80, v3, vm0, $0xb8;
	[tilespmem:$0x10100] =	vst v63  }
0x1ca: {  	s18 =	simm.s32 $0xD900  }
0x1cb: {  	[tilespmem:s18], [sflag:$0x2] =	stream.indirect_vreg.gather [hbm4b:s6+s3], $0x80, v3, vm0, $0xb8;
	[tilespmem:$0x10100] =	vst v63  }
0x1cc: {  	s19 =	simm.s32 $0xE100  }
0x1cd: {  	[tilespmem:s19], [sflag:$0x2] =	stream.indirect_vreg.gather [hbm4b:s7+s3], $0x80, v3, vm0, $0xb8;
	[tilespmem:$0x10100] =	vst v63  }
0x1ce: {  	s20 =	simm.s32 $0xE900  }
0x1cf: {  	[tilespmem:s20], [sflag:$0x2] =	stream.indirect_vreg.gather [hbm4b:s8+s3], $0x80, v3, vm0, $0xb8;
	[tilespmem:$0x10100] =	vst v63  }
0x1d0: {  	s21 =	simm.s32 $0xF100  }
0x1d1: {  	[tilespmem:s21], [sflag:$0x2] =	stream.indirect_vreg.gather [hbm4b:s9+s3], $0x80, v3, vm0, $0xb8;
	[tilespmem:$0x10100] =	vst v63  }
0x1d2: {  	s0 =	simm.s32 $0xF900  }
0x1d3: {  	[tilespmem:s0], [sflag:$0x2] =	stream.indirect_vreg.gather [hbm4b:s10+s3], $0x80, v3, vm0, $0xb8;
	[tilespmem:$0x10100] =	vst v63  }
0x1d4: {  	s29 =	rddreg [dreg:$0xd]  }
0x1d5: {  	[hbm4b:s29+s3] =	stream.linear.scatter [tilespmem:s13], [sflag:$0x3], $0x8000, $0x38;
	[tilespmem:$0x10100] =	vst v63  }
0x1d6: {  	_ =	swait.ge [sflag:s12], $0x8000  }
0x1d7: {  	[sflag:s12] =	ssyncset.done $0x0  }
0x1d8: {  	[sflag:s12] =	ssyncadd.s32 $0xFFFF8000  }
0x1d9: {  	_ =	swait.ge [sflag:s28], $0x8000  }
0x1da: {  	[sflag:s28] =	ssyncset.done $0x0  }
0x1db: {  	[sflag:s28] =	ssyncadd.s32 $0xFFFF8000  }
0x1dc: {  	v3 =	vld [tilespmem:$0xA0];
	_ =	sdelay $0x4  }
0x1dd: {  	v58 =	vshll.u32 v3, $0x4  }
0x1de: {  	v3 =	vand.u32 $0x7, v3;
	v4 =	vand.u32 $0xFFFFFF80, v58  }
0x1df: {  	v3 =	vor.u32 v3, v4  }
0x1e0: {  	v4 =	vperm.xlane v3, v0;
	_ =	sdelay $0x1  }
0x1e1: {  	v4 =	vadd.s32 v1, v4;
	_ =	sdelay $0x4  }
0x1e2: {  	[tilespmem:s13], [sflag:$0x1] =	stream.indirect_vreg.gather [hbm4b:s1+s3], $0x80, v4, vm0, $0xb8;
	[tilespmem:$0x10100] =	vst v63  }
0x1e3: {  	s29 =	simm.s32 $0x900  }
0x1e4: {  	[tilespmem:s29], [sflag:$0x1] =	stream.indirect_vreg.gather [hbm4b:s4+s3], $0x80, v4, vm0, $0xb8;
	[tilespmem:$0x10100] =	vst v63  }
0x1e5: {  	s29 =	simm.s32 $0x1100  }
0x1e6: {  	[tilespmem:s29], [sflag:$0x1] =	stream.indirect_vreg.gather [hbm4b:s5+s3], $0x80, v4, vm0, $0xb8;
	[tilespmem:$0x10100] =	vst v63  }
0x1e7: {  	s29 =	simm.s32 $0x1900  }
0x1e8: {  	[tilespmem:s29], [sflag:$0x1] =	stream.indirect_vreg.gather [hbm4b:s6+s3], $0x80, v4, vm0, $0xb8;
	[tilespmem:$0x10100] =	vst v63  }
0x1e9: {  	s29 =	simm.s32 $0x2100  }
0x1ea: {  	[tilespmem:s29], [sflag:$0x1] =	stream.indirect_vreg.gather [hbm4b:s7+s3], $0x80, v4, vm0, $0xb8;
	[tilespmem:$0x10100] =	vst v63  }
0x1eb: {  	v3 =	vperm.xlane v3, v2;
	s29 =	simm.s32 $0x2900  }
0x1ec: {  	[tilespmem:s29], [sflag:$0x1] =	stream.indirect_vreg.gather [hbm4b:s8+s3], $0x80, v4, vm0, $0xb8;
	[tilespmem:$0x10100] =	vst v63  }
0x1ed: {  	v3 =	vadd.s32 v1, v3;
	s29 =	simm.s32 $0x3100  }
0x1ee: {  	[tilespmem:s29], [sflag:$0x1] =	stream.indirect_vreg.gather [hbm4b:s9+s3], $0x80, v4, vm0, $0xb8;
	[tilespmem:$0x10100] =	vst v63  }
0x1ef: {  	s29 =	simm.s32 $0x3900  }
0x1f0: {  	[tilespmem:s29], [sflag:$0x1] =	stream.indirect_vreg.gather [hbm4b:s10+s3], $0x80, v4, vm0, $0xb8;
	[tilespmem:$0x10100] =	vst v63  }
0x1f1: {  	s29 =	simm.s32 $0x4100  }
0x1f2: {  	[tilespmem:s29], [sflag:$0x1] =	stream.indirect_vreg.gather [hbm4b:s1+s3], $0x80, v3, vm0, $0xb8;
	[tilespmem:$0x10100] =	vst v63  }
0x1f3: {  	s29 =	simm.s32 $0x4900  }
0x1f4: {  	[tilespmem:s29], [sflag:$0x1] =	stream.indirect_vreg.gather [hbm4b:s4+s3], $0x80, v3, vm0, $0xb8;
	[tilespmem:$0x10100] =	vst v63  }
0x1f5: {  	s29 =	simm.s32 $0x5100  }
0x1f6: {  	[tilespmem:s29], [sflag:$0x1] =	stream.indirect_vreg.gather [hbm4b:s5+s3], $0x80, v3, vm0, $0xb8;
	[tilespmem:$0x10100] =	vst v63  }
0x1f7: {  	s29 =	simm.s32 $0x5900  }
0x1f8: {  	[tilespmem:s29], [sflag:$0x1] =	stream.indirect_vreg.gather [hbm4b:s6+s3], $0x80, v3, vm0, $0xb8;
	[tilespmem:$0x10100] =	vst v63  }
0x1f9: {  	s22 =	simm.s32 $0x6100  }
0x1fa: {  	[tilespmem:s22], [sflag:$0x1] =	stream.indirect_vreg.gather [hbm4b:s7+s3], $0x80, v3, vm0, $0xb8;
	[tilespmem:$0x10100] =	vst v63  }
0x1fb: {  	s29 =	simm.s32 $0x6900  }
0x1fc: {  	[tilespmem:s29], [sflag:$0x1] =	stream.indirect_vreg.gather [hbm4b:s8+s3], $0x80, v3, vm0, $0xb8;
	[tilespmem:$0x10100] =	vst v63  }
0x1fd: {  	s25 =	simm.s32 $0x7100  }
0x1fe: {  	[tilespmem:s25], [sflag:$0x1] =	stream.indirect_vreg.gather [hbm4b:s9+s3], $0x80, v3, vm0, $0xb8;
	[tilespmem:$0x10100] =	vst v63  }
0x1ff: {  	s25 =	simm.s32 $0x7900  }
0x200: {  	[tilespmem:s25], [sflag:$0x1] =	stream.indirect_vreg.gather [hbm4b:s10+s3], $0x80, v3, vm0, $0xb8;
	[tilespmem:$0x10100] =	vst v63  }
0x201: {  	s29 =	rddreg [dreg:$0xe]  }
0x202: {  	[hbm4b:s29+s3] =	stream.linear.scatter [tilespmem:s11], [sflag:$0x3], $0x8000, $0x38;
	[tilespmem:$0x10100] =	vst v63  }
0x203: {  	_ =	swait.ge [sflag:s12], $0x8000  }
0x204: {  	[sflag:s12] =	ssyncset.done $0x0  }
0x205: {  	[sflag:s12] =	ssyncadd.s32 $0xFFFF8000  }
0x206: {  	_ =	swait.ge [sflag:s30], $0x8000  }
0x207: {  	[sflag:s30] =	ssyncset.done $0x0  }
0x208: {  	[sflag:s30] =	ssyncadd.s32 $0xFFFF8000  }
0x209: {  	v3 =	vld [tilespmem:$0xB0];
	_ =	sdelay $0x4  }
0x20a: {  	v59 =	vshll.u32 v3, $0x4  }
0x20b: {  	v3 =	vand.u32 $0x7, v3;
	v4 =	vand.u32 $0xFFFFFF80, v59  }
0x20c: {  	v3 =	vor.u32 v3, v4  }
0x20d: {  	v4 =	vperm.xlane v3, v0;
	_ =	sdelay $0x1  }
0x20e: {  	v4 =	vadd.s32 v1, v4;
	_ =	sdelay $0x4  }
0x20f: {  	[tilespmem:s11], [sflag:$0x2] =	stream.indirect_vreg.gather [hbm4b:s1+s3], $0x80, v4, vm0, $0xb8;
	[tilespmem:$0x10100] =	vst v63  }
0x210: {  	s23 =	simm.s32 $0x8900  }
0x211: {  	[tilespmem:s23], [sflag:$0x2] =	stream.indirect_vreg.gather [hbm4b:s4+s3], $0x80, v4, vm0, $0xb8;
	[tilespmem:$0x10100] =	vst v63  }
0x212: {  	s23 =	simm.s32 $0x9100  }
0x213: {  	[tilespmem:s23], [sflag:$0x2] =	stream.indirect_vreg.gather [hbm4b:s5+s3], $0x80, v4, vm0, $0xb8;
	[tilespmem:$0x10100] =	vst v63  }
0x214: {  	s2 =	simm.s32 $0x9900  }
0x215: {  	[tilespmem:s2], [sflag:$0x2] =	stream.indirect_vreg.gather [hbm4b:s6+s3], $0x80, v4, vm0, $0xb8;
	[tilespmem:$0x10100] =	vst v63  }
0x216: {  	s24 =	simm.s32 $0xA100  }
0x217: {  	[tilespmem:s24], [sflag:$0x2] =	stream.indirect_vreg.gather [hbm4b:s7+s3], $0x80, v4, vm0, $0xb8;
	[tilespmem:$0x10100] =	vst v63  }
0x218: {  	s26 =	simm.s32 $0xA900;
	v3 =	vperm.xlane v3, v2  }
0x219: {  	[tilespmem:s26], [sflag:$0x2] =	stream.indirect_vreg.gather [hbm4b:s8+s3], $0x80, v4, vm0, $0xb8;
	[tilespmem:$0x10100] =	vst v63  }
0x21a: {  	s31 =	simm.s32 $0xB100;
	v3 =	vadd.s32 v1, v3  }
0x21b: {  	[tilespmem:s31], [sflag:$0x2] =	stream.indirect_vreg.gather [hbm4b:s9+s3], $0x80, v4, vm0, $0xb8;
	[tilespmem:$0x10100] =	vst v63  }
0x21c: {  	s14 =	simm.s32 $0xB900  }
0x21d: {  	[tilespmem:s14], [sflag:$0x2] =	stream.indirect_vreg.gather [hbm4b:s10+s3], $0x80, v4, vm0, $0xb8;
	[tilespmem:$0x10100] =	vst v63  }
0x21e: {  	s15 =	simm.s32 $0xC100  }
0x21f: {  	[tilespmem:s15], [sflag:$0x2] =	stream.indirect_vreg.gather [hbm4b:s1+s3], $0x80, v3, vm0, $0xb8;
	[tilespmem:$0x10100] =	vst v63  }
0x220: {  	s16 =	simm.s32 $0xC900  }
0x221: {  	[tilespmem:s16], [sflag:$0x2] =	stream.indirect_vreg.gather [hbm4b:s4+s3], $0x80, v3, vm0, $0xb8;
	[tilespmem:$0x10100] =	vst v63  }
0x222: {  	s17 =	simm.s32 $0xD100  }
0x223: {  	[tilespmem:s17], [sflag:$0x2] =	stream.indirect_vreg.gather [hbm4b:s5+s3], $0x80, v3, vm0, $0xb8;
	[tilespmem:$0x10100] =	vst v63  }
0x224: {  	s18 =	simm.s32 $0xD900  }
0x225: {  	[tilespmem:s18], [sflag:$0x2] =	stream.indirect_vreg.gather [hbm4b:s6+s3], $0x80, v3, vm0, $0xb8;
	[tilespmem:$0x10100] =	vst v63  }
0x226: {  	s19 =	simm.s32 $0xE100  }
0x227: {  	[tilespmem:s19], [sflag:$0x2] =	stream.indirect_vreg.gather [hbm4b:s7+s3], $0x80, v3, vm0, $0xb8;
	[tilespmem:$0x10100] =	vst v63  }
0x228: {  	s20 =	simm.s32 $0xE900  }
0x229: {  	[tilespmem:s20], [sflag:$0x2] =	stream.indirect_vreg.gather [hbm4b:s8+s3], $0x80, v3, vm0, $0xb8;
	[tilespmem:$0x10100] =	vst v63  }
0x22a: {  	s21 =	simm.s32 $0xF100  }
0x22b: {  	[tilespmem:s21], [sflag:$0x2] =	stream.indirect_vreg.gather [hbm4b:s9+s3], $0x80, v3, vm0, $0xb8;
	[tilespmem:$0x10100] =	vst v63  }
0x22c: {  	s24 =	simm.s32 $0xF900  }
0x22d: {  	[tilespmem:s24], [sflag:$0x2] =	stream.indirect_vreg.gather [hbm4b:s10+s3], $0x80, v3, vm0, $0xb8;
	[tilespmem:$0x10100] =	vst v63  }
0x22e: {  	s26 =	rddreg [dreg:$0xf]  }
0x22f: {  	[hbm4b:s26+s3] =	stream.linear.scatter [tilespmem:s13], [sflag:$0x3], $0x8000, $0x38;
	[tilespmem:$0x10100] =	vst v63  }
0x230: {  	_ =	swait.ge [sflag:s12], $0x8000  }
0x231: {  	[sflag:s12] =	ssyncset.done $0x0  }
0x232: {  	[sflag:s12] =	ssyncadd.s32 $0xFFFF8000  }
0x233: {  	_ =	swait.ge [sflag:s28], $0x8000  }
0x234: {  	[sflag:s28] =	ssyncset.done $0x0  }
0x235: {  	[sflag:s28] =	ssyncadd.s32 $0xFFFF8000  }
0x236: {  	v3 =	vld [tilespmem:$0xC0];
	_ =	sdelay $0x4  }
0x237: {  	v60 =	vshll.u32 v3, $0x4  }
0x238: {  	v3 =	vand.u32 $0x7, v3;
	v4 =	vand.u32 $0xFFFFFF80, v60  }
0x239: {  	v3 =	vor.u32 v3, v4  }
0x23a: {  	v4 =	vperm.xlane v3, v0;
	_ =	sdelay $0x1  }
0x23b: {  	v4 =	vadd.s32 v1, v4;
	_ =	sdelay $0x4  }
0x23c: {  	[tilespmem:s13], [sflag:$0x1] =	stream.indirect_vreg.gather [hbm4b:s1+s3], $0x80, v4, vm0, $0xb8;
	[tilespmem:$0x10100] =	vst v63  }
0x23d: {  	s26 =	simm.s32 $0x900  }
0x23e: {  	[tilespmem:s26], [sflag:$0x1] =	stream.indirect_vreg.gather [hbm4b:s4+s3], $0x80, v4, vm0, $0xb8;
	[tilespmem:$0x10100] =	vst v63  }
0x23f: {  	s29 =	simm.s32 $0x1100  }
0x240: {  	[tilespmem:s29], [sflag:$0x1] =	stream.indirect_vreg.gather [hbm4b:s5+s3], $0x80, v4, vm0, $0xb8;
	[tilespmem:$0x10100] =	vst v63  }
0x241: {  	s24 =	simm.s32 $0x1900  }
0x242: {  	[tilespmem:s24], [sflag:$0x1] =	stream.indirect_vreg.gather [hbm4b:s6+s3], $0x80, v4, vm0, $0xb8;
	[tilespmem:$0x10100] =	vst v63  }
0x243: {  	s26 =	simm.s32 $0x2100  }
0x244: {  	[tilespmem:s26], [sflag:$0x1] =	stream.indirect_vreg.gather [hbm4b:s7+s3], $0x80, v4, vm0, $0xb8;
	[tilespmem:$0x10100] =	vst v63  }
0x245: {  	v3 =	vperm.xlane v3, v2;
	s29 =	simm.s32 $0x2900  }
0x246: {  	[tilespmem:s29], [sflag:$0x1] =	stream.indirect_vreg.gather [hbm4b:s8+s3], $0x80, v4, vm0, $0xb8;
	[tilespmem:$0x10100] =	vst v63  }
0x247: {  	v3 =	vadd.s32 v1, v3;
	s24 =	simm.s32 $0x3100  }
0x248: {  	[tilespmem:s24], [sflag:$0x1] =	stream.indirect_vreg.gather [hbm4b:s9+s3], $0x80, v4, vm0, $0xb8;
	[tilespmem:$0x10100] =	vst v63  }
0x249: {  	s26 =	simm.s32 $0x3900  }
0x24a: {  	[tilespmem:s26], [sflag:$0x1] =	stream.indirect_vreg.gather [hbm4b:s10+s3], $0x80, v4, vm0, $0xb8;
	[tilespmem:$0x10100] =	vst v63  }
0x24b: {  	s29 =	simm.s32 $0x4100  }
0x24c: {  	[tilespmem:s29], [sflag:$0x1] =	stream.indirect_vreg.gather [hbm4b:s1+s3], $0x80, v3, vm0, $0xb8;
	[tilespmem:$0x10100] =	vst v63  }
0x24d: {  	s24 =	simm.s32 $0x4900  }
0x24e: {  	[tilespmem:s24], [sflag:$0x1] =	stream.indirect_vreg.gather [hbm4b:s4+s3], $0x80, v3, vm0, $0xb8;
	[tilespmem:$0x10100] =	vst v63  }
0x24f: {  	s26 =	simm.s32 $0x5100  }
0x250: {  	[tilespmem:s26], [sflag:$0x1] =	stream.indirect_vreg.gather [hbm4b:s5+s3], $0x80, v3, vm0, $0xb8;
	[tilespmem:$0x10100] =	vst v63  }
0x251: {  	s29 =	simm.s32 $0x5900  }
0x252: {  	[tilespmem:s29], [sflag:$0x1] =	stream.indirect_vreg.gather [hbm4b:s6+s3], $0x80, v3, vm0, $0xb8;
	[tilespmem:$0x10100] =	vst v63  }
0x253: {  	s22 =	simm.s32 $0x6100  }
0x254: {  	[tilespmem:s22], [sflag:$0x1] =	stream.indirect_vreg.gather [hbm4b:s7+s3], $0x80, v3, vm0, $0xb8;
	[tilespmem:$0x10100] =	vst v63  }
0x255: {  	s24 =	simm.s32 $0x6900  }
0x256: {  	[tilespmem:s24], [sflag:$0x1] =	stream.indirect_vreg.gather [hbm4b:s8+s3], $0x80, v3, vm0, $0xb8;
	[tilespmem:$0x10100] =	vst v63  }
0x257: {  	s29 =	simm.s32 $0x7100  }
0x258: {  	[tilespmem:s29], [sflag:$0x1] =	stream.indirect_vreg.gather [hbm4b:s9+s3], $0x80, v3, vm0, $0xb8;
	[tilespmem:$0x10100] =	vst v63  }
0x259: {  	s22 =	simm.s32 $0x7900  }
0x25a: {  	[tilespmem:s22], [sflag:$0x1] =	stream.indirect_vreg.gather [hbm4b:s10+s3], $0x80, v3, vm0, $0xb8;
	[tilespmem:$0x10100] =	vst v63  }
0x25b: {  	s29 =	rddreg [dreg:$0x10]  }
0x25c: {  	[hbm4b:s29+s3] =	stream.linear.scatter [tilespmem:s11], [sflag:$0x3], $0x8000, $0x38;
	[tilespmem:$0x10100] =	vst v63  }
0x25d: {  	_ =	swait.ge [sflag:s12], $0x8000  }
0x25e: {  	[sflag:s12] =	ssyncset.done $0x0  }
0x25f: {  	[sflag:s12] =	ssyncadd.s32 $0xFFFF8000  }
0x260: {  	_ =	swait.ge [sflag:s30], $0x8000  }
0x261: {  	[sflag:s30] =	ssyncset.done $0x0  }
0x262: {  	[sflag:s30] =	ssyncadd.s32 $0xFFFF8000  }
0x263: {  	v3 =	vld [tilespmem:$0xD0];
	_ =	sdelay $0x4  }
0x264: {  	v61 =	vshll.u32 v3, $0x4  }
0x265: {  	v3 =	vand.u32 $0x7, v3;
	v4 =	vand.u32 $0xFFFFFF80, v61  }
0x266: {  	v3 =	vor.u32 v3, v4  }
0x267: {  	v4 =	vperm.xlane v3, v0;
	_ =	sdelay $0x1  }
0x268: {  	v4 =	vadd.s32 v1, v4;
	_ =	sdelay $0x4  }
0x269: {  	[tilespmem:s11], [sflag:$0x2] =	stream.indirect_vreg.gather [hbm4b:s1+s3], $0x80, v4, vm0, $0xb8;
	[tilespmem:$0x10100] =	vst v63  }
0x26a: {  	s25 =	simm.s32 $0x8900  }
0x26b: {  	[tilespmem:s25], [sflag:$0x2] =	stream.indirect_vreg.gather [hbm4b:s4+s3], $0x80, v4, vm0, $0xb8;
	[tilespmem:$0x10100] =	vst v63  }
0x26c: {  	s0 =	simm.s32 $0x9100  }
0x26d: {  	[tilespmem:s0], [sflag:$0x2] =	stream.indirect_vreg.gather [hbm4b:s5+s3], $0x80, v4, vm0, $0xb8;
	[tilespmem:$0x10100] =	vst v63  }
0x26e: {  	s2 =	simm.s32 $0x9900  }
0x26f: {  	[tilespmem:s2], [sflag:$0x2] =	stream.indirect_vreg.gather [hbm4b:s6+s3], $0x80, v4, vm0, $0xb8;
	[tilespmem:$0x10100] =	vst v63  }
0x270: {  	s29 =	simm.s32 $0xA100  }
0x271: {  	[tilespmem:s29], [sflag:$0x2] =	stream.indirect_vreg.gather [hbm4b:s7+s3], $0x80, v4, vm0, $0xb8;
	[tilespmem:$0x10100] =	vst v63  }
0x272: {  	v3 =	vperm.xlane v3, v2;
	s29 =	simm.s32 $0xA900  }
0x273: {  	[tilespmem:s29], [sflag:$0x2] =	stream.indirect_vreg.gather [hbm4b:s8+s3], $0x80, v4, vm0, $0xb8;
	[tilespmem:$0x10100] =	vst v63  }
0x274: {  	s31 =	simm.s32 $0xB100;
	v3 =	vadd.s32 v1, v3  }
0x275: {  	[tilespmem:s31], [sflag:$0x2] =	stream.indirect_vreg.gather [hbm4b:s9+s3], $0x80, v4, vm0, $0xb8;
	[tilespmem:$0x10100] =	vst v63  }
0x276: {  	s14 =	simm.s32 $0xB900  }
0x277: {  	[tilespmem:s14], [sflag:$0x2] =	stream.indirect_vreg.gather [hbm4b:s10+s3], $0x80, v4, vm0, $0xb8;
	[tilespmem:$0x10100] =	vst v63  }
0x278: {  	s15 =	simm.s32 $0xC100  }
0x279: {  	[tilespmem:s15], [sflag:$0x2] =	stream.indirect_vreg.gather [hbm4b:s1+s3], $0x80, v3, vm0, $0xb8;
	[tilespmem:$0x10100] =	vst v63  }
0x27a: {  	s16 =	simm.s32 $0xC900  }
0x27b: {  	[tilespmem:s16], [sflag:$0x2] =	stream.indirect_vreg.gather [hbm4b:s4+s3], $0x80, v3, vm0, $0xb8;
	[tilespmem:$0x10100] =	vst v63  }
0x27c: {  	s17 =	simm.s32 $0xD100  }
0x27d: {  	[tilespmem:s17], [sflag:$0x2] =	stream.indirect_vreg.gather [hbm4b:s5+s3], $0x80, v3, vm0, $0xb8;
	[tilespmem:$0x10100] =	vst v63  }
0x27e: {  	s18 =	simm.s32 $0xD900  }
0x27f: {  	[tilespmem:s18], [sflag:$0x2] =	stream.indirect_vreg.gather [hbm4b:s6+s3], $0x80, v3, vm0, $0xb8;
	[tilespmem:$0x10100] =	vst v63  }
0x280: {  	s19 =	simm.s32 $0xE100  }
0x281: {  	[tilespmem:s19], [sflag:$0x2] =	stream.indirect_vreg.gather [hbm4b:s7+s3], $0x80, v3, vm0, $0xb8;
	[tilespmem:$0x10100] =	vst v63  }
0x282: {  	s20 =	simm.s32 $0xE900  }
0x283: {  	[tilespmem:s20], [sflag:$0x2] =	stream.indirect_vreg.gather [hbm4b:s8+s3], $0x80, v3, vm0, $0xb8;
	[tilespmem:$0x10100] =	vst v63  }
0x284: {  	s21 =	simm.s32 $0xF100  }
0x285: {  	[tilespmem:s21], [sflag:$0x2] =	stream.indirect_vreg.gather [hbm4b:s9+s3], $0x80, v3, vm0, $0xb8;
	[tilespmem:$0x10100] =	vst v63  }
0x286: {  	s21 =	simm.s32 $0xF900  }
0x287: {  	[tilespmem:s21], [sflag:$0x2] =	stream.indirect_vreg.gather [hbm4b:s10+s3], $0x80, v3, vm0, $0xb8;
	[tilespmem:$0x10100] =	vst v63  }
0x288: {  	s29 =	rddreg [dreg:$0x11]  }
0x289: {  	[hbm4b:s29+s3] =	stream.linear.scatter [tilespmem:s13], [sflag:$0x3], $0x8000, $0x38;
	[tilespmem:$0x10100] =	vst v63  }
0x28a: {  	_ =	swait.ge [sflag:s12], $0x8000  }
0x28b: {  	[sflag:s12] =	ssyncset.done $0x0  }
0x28c: {  	[sflag:s12] =	ssyncadd.s32 $0xFFFF8000  }
0x28d: {  	_ =	swait.ge [sflag:s28], $0x8000  }
0x28e: {  	[sflag:s28] =	ssyncset.done $0x0  }
0x28f: {  	[sflag:s28] =	ssyncadd.s32 $0xFFFF8000  }
0x290: {  	v3 =	vld [tilespmem:$0xE0];
	_ =	sdelay $0x4  }
0x291: {  	v62 =	vshll.u32 v3, $0x4  }
0x292: {  	v3 =	vand.u32 $0x7, v3;
	v4 =	vand.u32 $0xFFFFFF80, v62  }
0x293: {  	v3 =	vor.u32 v3, v4  }
0x294: {  	v4 =	vperm.xlane v3, v0;
	_ =	sdelay $0x1  }
0x295: {  	v4 =	vadd.s32 v1, v4;
	_ =	sdelay $0x4  }
0x296: {  	[tilespmem:s13], [sflag:$0x1] =	stream.indirect_vreg.gather [hbm4b:s1+s3], $0x80, v4, vm0, $0xb8;
	[tilespmem:$0x10100] =	vst v63  }
0x297: {  	s29 =	simm.s32 $0x900  }
0x298: {  	[tilespmem:s29], [sflag:$0x1] =	stream.indirect_vreg.gather [hbm4b:s4+s3], $0x80, v4, vm0, $0xb8;
	[tilespmem:$0x10100] =	vst v63  }
0x299: {  	s29 =	simm.s32 $0x1100  }
0x29a: {  	[tilespmem:s29], [sflag:$0x1] =	stream.indirect_vreg.gather [hbm4b:s5+s3], $0x80, v4, vm0, $0xb8;
	[tilespmem:$0x10100] =	vst v63  }
0x29b: {  	s29 =	simm.s32 $0x1900  }
0x29c: {  	[tilespmem:s29], [sflag:$0x1] =	stream.indirect_vreg.gather [hbm4b:s6+s3], $0x80, v4, vm0, $0xb8;
	[tilespmem:$0x10100] =	vst v63  }
0x29d: {  	s29 =	simm.s32 $0x2100  }
0x29e: {  	[tilespmem:s29], [sflag:$0x1] =	stream.indirect_vreg.gather [hbm4b:s7+s3], $0x80, v4, vm0, $0xb8;
	[tilespmem:$0x10100] =	vst v63  }
0x29f: {  	v3 =	vperm.xlane v3, v2;
	s29 =	simm.s32 $0x2900  }
0x2a0: {  	[tilespmem:s29], [sflag:$0x1] =	stream.indirect_vreg.gather [hbm4b:s8+s3], $0x80, v4, vm0, $0xb8;
	[tilespmem:$0x10100] =	vst v63  }
0x2a1: {  	v3 =	vadd.s32 v1, v3;
	s29 =	simm.s32 $0x3100  }
0x2a2: {  	[tilespmem:s29], [sflag:$0x1] =	stream.indirect_vreg.gather [hbm4b:s9+s3], $0x80, v4, vm0, $0xb8;
	[tilespmem:$0x10100] =	vst v63  }
0x2a3: {  	s29 =	simm.s32 $0x3900  }
0x2a4: {  	[tilespmem:s29], [sflag:$0x1] =	stream.indirect_vreg.gather [hbm4b:s10+s3], $0x80, v4, vm0, $0xb8;
	[tilespmem:$0x10100] =	vst v63  }
0x2a5: {  	s29 =	simm.s32 $0x4100  }
0x2a6: {  	[tilespmem:s29], [sflag:$0x1] =	stream.indirect_vreg.gather [hbm4b:s1+s3], $0x80, v3, vm0, $0xb8;
	[tilespmem:$0x10100] =	vst v63  }
0x2a7: {  	s29 =	simm.s32 $0x4900  }
0x2a8: {  	[tilespmem:s29], [sflag:$0x1] =	stream.indirect_vreg.gather [hbm4b:s4+s3], $0x80, v3, vm0, $0xb8;
	[tilespmem:$0x10100] =	vst v63  }
0x2a9: {  	s29 =	simm.s32 $0x5100  }
0x2aa: {  	[tilespmem:s29], [sflag:$0x1] =	stream.indirect_vreg.gather [hbm4b:s5+s3], $0x80, v3, vm0, $0xb8;
	[tilespmem:$0x10100] =	vst v63  }
0x2ab: {  	s23 =	simm.s32 $0x5900  }
0x2ac: {  	[tilespmem:s23], [sflag:$0x1] =	stream.indirect_vreg.gather [hbm4b:s6+s3], $0x80, v3, vm0, $0xb8;
	[tilespmem:$0x10100] =	vst v63  }
0x2ad: {  	s26 =	simm.s32 $0x6100  }
0x2ae: {  	[tilespmem:s26], [sflag:$0x1] =	stream.indirect_vreg.gather [hbm4b:s7+s3], $0x80, v3, vm0, $0xb8;
	[tilespmem:$0x10100] =	vst v63  }
0x2af: {  	s24 =	simm.s32 $0x6900  }
0x2b0: {  	[tilespmem:s24], [sflag:$0x1] =	stream.indirect_vreg.gather [hbm4b:s8+s3], $0x80, v3, vm0, $0xb8;
	[tilespmem:$0x10100] =	vst v63  }
0x2b1: {  	s29 =	simm.s32 $0x7100  }
0x2b2: {  	[tilespmem:s29], [sflag:$0x1] =	stream.indirect_vreg.gather [hbm4b:s9+s3], $0x80, v3, vm0, $0xb8;
	[tilespmem:$0x10100] =	vst v63  }
0x2b3: {  	s26 =	simm.s32 $0x7900  }
0x2b4: {  	[tilespmem:s26], [sflag:$0x1] =	stream.indirect_vreg.gather [hbm4b:s10+s3], $0x80, v3, vm0, $0xb8;
	[tilespmem:$0x10100] =	vst v63  }
0x2b5: {  	s24 =	rddreg [dreg:$0x12]  }
0x2b6: {  	[hbm4b:s24+s3] =	stream.linear.scatter [tilespmem:s11], [sflag:$0x3], $0x8000, $0x38;
	[tilespmem:$0x10100] =	vst v63  }
0x2b7: {  	_ =	swait.ge [sflag:s12], $0x8000  }
0x2b8: {  	[sflag:s12] =	ssyncset.done $0x0  }
0x2b9: {  	[sflag:s12] =	ssyncadd.s32 $0xFFFF8000  }
0x2ba: {  	_ =	swait.ge [sflag:s30], $0x8000  }
0x2bb: {  	[sflag:s30] =	ssyncset.done $0x0  }
0x2bc: {  	[sflag:s30] =	ssyncadd.s32 $0xFFFF8000  }
0x2bd: {  	v3 =	vld [tilespmem:$0xF0];
	_ =	sdelay $0x4  }
0x2be: {  	v63 =	vshll.u32 v3, $0x4  }
0x2bf: {  	v3 =	vand.u32 $0x7, v3;
	v4 =	vand.u32 $0xFFFFFF80, v63  }
0x2c0: {  	v3 =	vor.u32 v3, v4  }
0x2c1: {  	v4 =	vperm.xlane v3, v0;
	_ =	sdelay $0x1  }
0x2c2: {  	v4 =	vadd.s32 v1, v4;
	_ =	sdelay $0x4  }
0x2c3: {  	[tilespmem:s11], [sflag:$0x2] =	stream.indirect_vreg.gather [hbm4b:s1+s3], $0x80, v4, vm0, $0xb8;
	[tilespmem:$0x10100] =	vst v63  }
0x2c4: {  	s25 =	simm.s32 $0x8900  }
0x2c5: {  	[tilespmem:s25], [sflag:$0x2] =	stream.indirect_vreg.gather [hbm4b:s4+s3], $0x80, v4, vm0, $0xb8;
	[tilespmem:$0x10100] =	vst v63  }
0x2c6: {  	s22 =	simm.s32 $0x9100  }
0x2c7: {  	[tilespmem:s22], [sflag:$0x2] =	stream.indirect_vreg.gather [hbm4b:s5+s3], $0x80, v4, vm0, $0xb8;
	[tilespmem:$0x10100] =	vst v63  }
0x2c8: {  	s0 =	simm.s32 $0x9900  }
0x2c9: {  	[tilespmem:s0], [sflag:$0x2] =	stream.indirect_vreg.gather [hbm4b:s6+s3], $0x80, v4, vm0, $0xb8;
	[tilespmem:$0x10100] =	vst v63  }
0x2ca: {  	s24 =	simm.s32 $0xA100  }
0x2cb: {  	[tilespmem:s24], [sflag:$0x2] =	stream.indirect_vreg.gather [hbm4b:s7+s3], $0x80, v4, vm0, $0xb8;
	[tilespmem:$0x10100] =	vst v63  }
0x2cc: {  	v3 =	vperm.xlane v3, v2;
	s25 =	simm.s32 $0xA900  }
0x2cd: {  	[tilespmem:s25], [sflag:$0x2] =	stream.indirect_vreg.gather [hbm4b:s8+s3], $0x80, v4, vm0, $0xb8;
	[tilespmem:$0x10100] =	vst v63  }
0x2ce: {  	s2 =	simm.s32 $0xB100;
	v3 =	vadd.s32 v1, v3  }
0x2cf: {  	[tilespmem:s2], [sflag:$0x2] =	stream.indirect_vreg.gather [hbm4b:s9+s3], $0x80, v4, vm0, $0xb8;
	[tilespmem:$0x10100] =	vst v63  }
0x2d0: {  	s31 =	simm.s32 $0xB900  }
0x2d1: {  	[tilespmem:s31], [sflag:$0x2] =	stream.indirect_vreg.gather [hbm4b:s10+s3], $0x80, v4, vm0, $0xb8;
	[tilespmem:$0x10100] =	vst v63  }
0x2d2: {  	s14 =	simm.s32 $0xC100  }
0x2d3: {  	[tilespmem:s14], [sflag:$0x2] =	stream.indirect_vreg.gather [hbm4b:s1+s3], $0x80, v3, vm0, $0xb8;
	[tilespmem:$0x10100] =	vst v63  }
0x2d4: {  	s15 =	simm.s32 $0xC900  }
0x2d5: {  	[tilespmem:s15], [sflag:$0x2] =	stream.indirect_vreg.gather [hbm4b:s4+s3], $0x80, v3, vm0, $0xb8;
	[tilespmem:$0x10100] =	vst v63  }
0x2d6: {  	s16 =	simm.s32 $0xD100  }
0x2d7: {  	[tilespmem:s16], [sflag:$0x2] =	stream.indirect_vreg.gather [hbm4b:s5+s3], $0x80, v3, vm0, $0xb8;
	[tilespmem:$0x10100] =	vst v63  }
0x2d8: {  	s17 =	simm.s32 $0xD900  }
0x2d9: {  	[tilespmem:s17], [sflag:$0x2] =	stream.indirect_vreg.gather [hbm4b:s6+s3], $0x80, v3, vm0, $0xb8;
	[tilespmem:$0x10100] =	vst v63  }
0x2da: {  	s18 =	simm.s32 $0xE100  }
0x2db: {  	[tilespmem:s18], [sflag:$0x2] =	stream.indirect_vreg.gather [hbm4b:s7+s3], $0x80, v3, vm0, $0xb8;
	[tilespmem:$0x10100] =	vst v63  }
0x2dc: {  	s19 =	simm.s32 $0xE900  }
0x2dd: {  	[tilespmem:s19], [sflag:$0x2] =	stream.indirect_vreg.gather [hbm4b:s8+s3], $0x80, v3, vm0, $0xb8;
	[tilespmem:$0x10100] =	vst v63  }
0x2de: {  	s20 =	simm.s32 $0xF100  }
0x2df: {  	[tilespmem:s20], [sflag:$0x2] =	stream.indirect_vreg.gather [hbm4b:s9+s3], $0x80, v3, vm0, $0xb8;
	[tilespmem:$0x10100] =	vst v63  }
0x2e0: {  	s21 =	simm.s32 $0xF900  }
0x2e1: {  	[tilespmem:s21], [sflag:$0x2] =	stream.indirect_vreg.gather [hbm4b:s10+s3], $0x80, v3, vm0, $0xb8;
	[tilespmem:$0x10100] =	vst v63  }
0x2e2: {  	s26 =	rddreg [dreg:$0x13]  }
0x2e3: {  	[hbm4b:s26+s3] =	stream.linear.scatter [tilespmem:s13], [sflag:$0x3], $0x8000, $0x38;
	[tilespmem:$0x10100] =	vst v63  }
0x2e4: {  	s23 =	rddreg [dreg:$0x15];
	_ =	swait.ge [sflag:s12], $0x8000  }
0x2e5: {  	[sflag:s12] =	ssyncset.done $0x0  }
0x2e6: {  	[sflag:s12] =	ssyncadd.s32 $0xFFFF8000  }
0x2e7: {  	_ =	swait.ge [sflag:s28], $0x8000  }
0x2e8: {  	p0 =	sne.s32 s23, $0x1;
	[sflag:s28] =	ssyncset.done $0x0  }
.Ltmp0:
0x2e9: {  	s31 =	rddreg [dreg:$0x14];
	[sflag:s28] =	ssyncadd.s32 $0xFFFF8000;
	(pc) =	sbr.rel @p0 .LBB2_1-.Ltmp0, $4  }
0x2ea: {  	[hbm4b:s31+s3] =	stream.linear.scatter [tilespmem:s11], [sflag:$0x3], $0x8000, $0x38;
	[tilespmem:$0x10100] =	vst v63  }
0x2eb: {  	_ =	swait.ge [sflag:s12], $0x8000  }
0x2ec: {  	[sflag:s12] =	ssyncset.done $0x0  }
0x2ed: {  	s0 =	sadd.s32 $0xFFFFFFFF, s23;
	[sflag:s12] =	ssyncadd.s32 $0xFFFF8000  }
0x2ee: {  	_ =	sfence.sel $0x180000  }
0x2ef: {  	[bflag:$0x0] =	sbarrier.arrive $0xFFFF  }
0x2f0: {  	_ =	strace $0x90000047  }
0x2f1: {  	s0 =	stileid.u32;
	[bflag:$0x2] =	sbarrier.arrive $0xFFFF  }
0x2f2: {  	p0 =	sne.s32 s0, $0x0;
	s0 =	rddreg [dreg:$0x3]  }
0x2f3: {  	s0 =	sadd.s32 @!p0 $0x100000, s0  }
0x2f4: {  	[sflag:s0] =	ssyncadd.tile.s32 @!p0 $0x1;
	_ =	shalt  }
.Lfunc_end2:
_tile_overlayer_lowered:
.L_overlay_start_2:
0x2f5: {  	(tag) =	ssettag $0x2  }
0x2f6: {  	s0 =	rddreg [dreg:$0x0];
	s2 =	stileid.u32  }
0x2f7: {  	s1 =	rddreg [dreg:$0x1];
	p0 =	sne.s32 s2, $0x0  }
0x2f8: {  	s3 =	rddreg [dreg:$0x2];
	[bflag:$0x3] =	sbarrier.arrive $0xFFFF;
	s2 =	simm.s32 @!p0 $0x1C03  }
0x2f9: {  	[timem:s3], [sflag:s2] =	dma.local @!p0 [hbm:s0], s1  }
0x2fa: {  	s0 =	simm.s32 @!p0 $0x3  }
0x2fb: {  	_ =	swait.ge @!p0 [sflag:s0], s1  }
0x2fc: {  	s1 =	ssub.s32 @!p0 $0x0, s1;
	[sflag:s0] =	ssyncset.done @!p0 $0x0  }
0x2fd: {  	[sflag:s0] =	ssyncadd.s32 @!p0 s1  }
0x2fe: {  	[bflag:$0x3] =	sbarrier.arrive $0xFFFF  }
0x2ff: {  	_ =	shalt  }

// kernel: kernel.9.cloned.1.call-start
scs
__scs_entry_jumppad:
0x0: {  	(pc) =	sbr.rel $0x88, $3  }
0x1: {  	(tag) =	ssettag $0x0;
	lr =	simm.s32 $0x1  }
0x2: {  	[smem:$0x3F9D] =	sst lr;
	_ =	strace $0xD0000000  }
0x3: {  	_ = 	snop  }
0x4: {  	_ = 	snop  }
0x5: {  	_ = 	snop  }
0x6: {  	_ = 	snop  }
0x7: {  	_ = 	snop  }
__scs_overlays_trampoline_lowered:
0x8: {  	[smem:$0x3FAC] =	sst s0  }
0x9: {  	[smem:$0x3FAD] =	sst s1  }
0xa: {  	[smem:$0x3FAE] =	sst s2  }
0xb: {  	[smem:$0x3FAF] =	sst s3  }
0xc: {  	[smem:$0x3FB0] =	sst s4  }
0xd: {  	[smem:$0x3FB1] =	sst s5  }
0xe: {  	[smem:$0x3FB2] =	sst s6  }
0xf: {  	[smem:$0x3FB3] =	sst s7  }
0x10: {  	[smem:$0x3FB4] =	sst s8  }
0x11: {  	[smem:$0x3FB5] =	sst s9;
	s0 =	simm.s32 @!p0 $0x0  }
0x12: {  	s1 =	sld [smem:$0x3F9B];
	s0 =	simm.s32 @p0 $0x1  }
0x13: {  	[smem:$0x3FB6] =	sst s0;
	s0 =	simm.s32 @!p1 $0x0  }
0x14: {  	s2 =	sld [smem:$0x3F9A];
	s0 =	simm.s32 @p1 $0x1  }
0x15: {  	[smem:$0x3FB7] =	sst s0;
	s0 =	simm.s32 @!p2 $0x0  }
0x16: {  	s3 =	sld [smem:$0x3FDB];
	s0 =	simm.s32 @p2 $0x1  }
0x17: {  	s4 =	simm.s32 $0x1BF5;
	[smem:$0x3FB9] =	sst s0  }
0x18: {  	s0 =	sld [smem:$0x3F9C];
	_ =	swait.ge [sflag:s4], $0x0  }
0x19: {  	s7 =	sld [smem:$0x3F9D]  }
0x1a: {  	s8 =	sadd.s32 $0xFFFFE003, lr  }
0x1b: {  	s9 =	sadd.s32 $0xFFFFFEF7, lr;
	s5 =	simm.s32 $0xFFFFFFFF;
	p2 =	slt.u32 s8, $0xFFFFF086  }
0x1c: {  	p1 =	slt.u32 s9, $0xF7A;
	s5 =	simm.s32 @!p2 $0x0  }
0x1d: {  	s5 =	simm.s32 @p1 $0x1;
	p0 =	seq.s32 s7, s2  }
0x1e: {  	s7 =	smul.u32 @!p0 $0xF7A, s2;
	p2 =	seq.s32 @!p0 s5, $0x0  }
0x1f: {  	s9 =	smul.u32 $0xF7A, s1;
	s8 =	simm.s32 @!p0 $0x1BF5;
	p2 =	por !p2, p0  }
0x20: {  	[sflag:s8] =	ssyncset.s32 @!p0 $0xFFFFF086;
	s6 =	sadd.s32 @!p0 s3, s7;
	s7 =	simm.s32 @!p0 $0x108  }
0x21: {  	s3 =	sadd.s32 s3, s9;
	s6 =	sadd.s32 @!p0 $0x88, s6;
	s7 =	simm.s32 @p2 $0x1082  }
0x22: {  	[simem:s7], [sflag:s8] =	dma.local @!p0 [hbm:s6], $0xF7A  }
0x23: {  	s9 =	sor.u32 $0xD0000000, s2;
	s6 =	simm.s32 $0x108;
	_ =	swait.ge @!p0 [sflag:s8], $0x0  }
0x24: {  	s3 =	sadd.s32 $0x88, s3;
	s6 =	simm.s32 @!p1 $0x1082;
	[sflag:s4] =	ssyncset.s32 $0xFFFFF086  }
0x25: {  	[simem:s6], [sflag:s4] =	dma.local [hbm:s3], $0xF7A  }
0x26: {  	[smem:$0x3F9D] =	sst s1;
	(tag) =	ssettag s2;
	_ =	strace s9  }
0x27: {  	s1 =	sld [smem:$0x3FAD]  }
0x28: {  	s2 =	sld [smem:$0x3FAE]  }
0x29: {  	s4 =	sld [smem:$0x3FB0]  }
0x2a: {  	p0 =	seq.s32 s5, $0x0;
	s5 =	sld [smem:$0x3FB1]  }
0x2b: {  	s6 =	sld [smem:$0x3FB2]  }
0x2c: {  	s7 =	sld [smem:$0x3FB3]  }
0x2d: {  	s3 =	simm.s32 $0x108;
	s8 =	sld [smem:$0x3FB4]  }
0x2e: {  	s3 =	simm.s32 @!p0 $0x1082;
	s9 =	sld [smem:$0x3FB5]  }
0x2f: {  	lr =	sadd.s32 s0, s3;
	s0 =	sld [smem:$0x3FAC]  }
0x30: {  	s3 =	sld [smem:$0x3FAF]  }
0x31: {  	[smem:$0x3FB8] =	sst s10  }
0x32: {  	s10 =	sld [smem:$0x3FB6];
	_ =	sdelay $0x3  }
0x33: {  	p0 =	seq.s32 s10, $0x1;
	s10 =	sld [smem:$0x3FB8];
	_ =	sdelay $0x3  }
0x34: {  	[smem:$0x3FB8] =	sst s10  }
0x35: {  	s10 =	sld [smem:$0x3FB7];
	_ =	sdelay $0x3  }
0x36: {  	p1 =	seq.s32 s10, $0x1;
	s10 =	sld [smem:$0x3FB8];
	_ =	sdelay $0x3  }
0x37: {  	[smem:$0x3FB8] =	sst s10  }
0x38: {  	s10 =	sld [smem:$0x3FB9]  }
0x39: {  	_ = 	snop;
	(pc) =	sbr.ind lr, $3  }
0x3a: {  	_ = 	snop  }
0x3b: {  	_ = 	snop  }
0x3c: {  	p2 =	seq.s32 s10, $0x1;
	s10 =	sld [smem:$0x3FB8]  }
0x3d: {  	_ =	shalt  }
0x3e: {  	_ =	shalt  }
0x3f: {  	_ =	shalt  }
0x40: {  	_ =	shalt  }
0x41: {  	_ =	shalt  }
0x42: {  	_ =	shalt  }
0x43: {  	_ =	shalt  }
0x44: {  	_ =	shalt  }
0x45: {  	_ =	shalt  }
0x46: {  	_ =	shalt  }
0x47: {  	_ =	shalt  }
0x48: {  	_ =	shalt  }
0x49: {  	_ =	shalt  }
0x4a: {  	_ =	shalt  }
0x4b: {  	_ =	shalt  }
0x4c: {  	_ =	shalt  }
0x4d: {  	_ =	shalt  }
0x4e: {  	_ =	shalt  }
0x4f: {  	_ =	shalt  }
0x50: {  	_ =	shalt  }
0x51: {  	_ =	shalt  }
0x52: {  	_ =	shalt  }
0x53: {  	_ =	shalt  }
0x54: {  	_ =	shalt  }
0x55: {  	_ =	shalt  }
0x56: {  	_ =	shalt  }
0x57: {  	_ =	shalt  }
0x58: {  	_ =	shalt  }
0x59: {  	_ =	shalt  }
0x5a: {  	_ =	shalt  }
0x5b: {  	_ =	shalt  }
0x5c: {  	_ =	shalt  }
0x5d: {  	_ =	shalt  }
0x5e: {  	_ =	shalt  }
0x5f: {  	_ =	shalt  }
0x60: {  	_ =	shalt  }
0x61: {  	_ =	shalt  }
0x62: {  	_ =	shalt  }
0x63: {  	_ =	shalt  }
0x64: {  	_ =	shalt  }
0x65: {  	_ =	shalt  }
0x66: {  	_ =	shalt  }
0x67: {  	_ =	shalt  }
0x68: {  	_ =	shalt  }
0x69: {  	_ =	shalt  }
0x6a: {  	_ =	shalt  }
0x6b: {  	_ =	shalt  }
0x6c: {  	_ =	shalt  }
0x6d: {  	_ =	shalt  }
0x6e: {  	_ =	shalt  }
0x6f: {  	_ =	shalt  }
0x70: {  	_ =	shalt  }
0x71: {  	_ =	shalt  }
0x72: {  	_ =	shalt  }
0x73: {  	_ =	shalt  }
0x74: {  	_ =	shalt  }
0x75: {  	_ =	shalt  }
0x76: {  	_ =	shalt  }
0x77: {  	_ =	shalt  }
0x78: {  	_ =	shalt  }
0x79: {  	_ =	shalt  }
0x7a: {  	_ =	shalt  }
0x7b: {  	_ =	shalt  }
0x7c: {  	_ =	shalt  }
0x7d: {  	_ =	shalt  }
0x7e: {  	_ =	shalt  }
0x7f: {  	_ =	shalt  }
0x80: {  	_ =	shalt  }
0x81: {  	_ =	shalt  }
0x82: {  	_ =	shalt  }
0x83: {  	_ =	shalt  }
0x84: {  	_ =	shalt  }
0x85: {  	_ =	shalt  }
0x86: {  	_ =	shalt  }
0x87: {  	_ =	shalt  }
.Lfunc_end0:
.L_simem_size_0:
called_computation.1_lowered:
.L_overlay_start_0:
0x88: {  	s2 =	sld [smem:$0x3FD9]  }
0x89: {  	s3 =	sld [smem:$0x3FFE];
	_ =	sdelay $0x1  }
0x8a: {  	s1 =	srdreg.scid  }
0x8b: {  	s0 =	sand.u32 $0x1, s1  }
0x8c: {  	s17 =	sshll.u32 s0, $0xA;
	s2 =	sadd.s32 s3, s2  }
0x8d: {  	s2 =	sadd.s32 s2, s17  }
0x8e: {  	[smem:$0x3FC4] =	sst s2  }
0x8f: {  	_ = 	snop  }
0x90: {  	s18 =	sld [smem:$0x3FC8];
	(tm) =	ssettm $0x1  }
0x91: {  	s19 =	sld [smem:$0x3FFB];
	_ =	sdelay $0x3  }
0x92: {  	_ =	strace s19  }
0x93: {  	s2 =	sld [smem:$0x3FFC];
	_ =	sdelay $0x3  }
0x94: {  	_ =	strace s2  }
0x95: {  	s2 =	sld [smem:$0x3FFD];
	_ =	sdelay $0x3  }
0x96: {  	_ =	strace s2  }
0x97: {  	_ =	strace $0x8FFFFFFF  }
0x98: {  	s20 =	sld [smem:$0x3FDB];
	_ =	sdelay $0x1  }
0x99: {  	s4 =	simm.s32 $_scs_section_size  }
0x9a: {  	s5 =	simm.s32 $_size__tile_overlayer_lowered;
	s6 =	simm.s32 $_tile_overlayer_lowered  }
0x9b: {  	s7 =	simm.s32 $0x1BFF;
	s21 =	sshll.u32 s6, $0x1;
	s4 =	sadd.s32 s4, s20  }
0x9c: {  	s22 =	simm.s32 $0x0;
	s5 =	sshll.u32 s5, $0x1;
	s6 =	sadd.s32 s21, s4  }
0x9d: {  	[timem:s22], [sflag:s7] =	dma.local [hbm:s6], s5  }
0x9e: {  	_ =	swait.ge [sflag:s7], s5  }
0x9f: {  	s5 =	ssub.s32 $0x0, s5;
	[sflag:s7] =	ssyncset.done $0x0  }
0xa0: {  	[sflag:s7] =	ssyncadd.s32 s5;
	_ =	sdelay $0x1  }
0xa1: {  	s23 =	simm.s32 $0x1B8B  }
0xa2: {  	_ =	swait.ge [sflag:s23], $0x1  }
0xa3: {  	[sflag:s23] =	ssyncset.done $0x0  }
0xa4: {  	[sflag:s23] =	ssyncadd.s32 $0xFFFFFFFF  }
0xa5: {  	s5 =	sld [smem:$0x0]  }
0xa6: {  	s6 =	sand.u32 $0xFFFFFFFE, s1  }
0xa7: {  	p0 =	sne.s32 s1, s6  }
0xa8: {  	s6 =	sshll.u32 @p0 s6, $0xE  }
0xa9: {  	s6 =	sadd.s32 @p0 $0x11B8D, s6;
	s7 =	sshll.u32 @p0 s5, $0x11  }
0xaa: {  	s6 =	sor.u32 @p0 s7, s6  }
0xab: {  	[sflag:s6] =	ssyncadd.remote.s32 @p0 $0x1;
	_ =	sdelay $0x1  }
0xac: {  	s6 =	simm.s32 @p0 $0x1B8D  }
0xad: {  	_ =	swait.eq @p0 [sflag:s6], $0x1  }
0xae: {  	[sflag:s6] =	ssyncadd.s32 @p0 $0xFFFFFFFF  }
0xaf: {  	s7 =	sshll.u32 @!p0 s1, $0xE  }
0xb0: {  	s7 =	sor.u32 @!p0 $0x4000, s7;
	s6 =	simm.s32 @!p0 $0x1B8D  }
0xb1: {  	s5 =	sshll.u32 @!p0 s5, $0x11;
	s7 =	sadd.s32 @!p0 $0x11B8D, s7;
	_ =	swait.eq @!p0 [sflag:s6], $0x1  }
0xb2: {  	s5 =	sor.u32 @!p0 s5, s7;
	[sflag:s6] =	ssyncadd.s32 @!p0 $0xFFFFFFFF  }
0xb3: {  	s25 =	simm.s32 $0x1B8E;
	s24 =	sld [smem:$0x3FFE];
	[sflag:s5] =	ssyncadd.remote.s32 @!p0 $0x1  }
0xb4: {  	s26 =	simm.s32 $execute0_lowered;
	[smem:$0x3FD2] =	sst s25  }
0xb5: {  	s6 =	sshll.u32 s26, $0x1;
	_ =	strace $0x80000049;
	[dreg:$0x1] =	wrdreg $0xFFFFFFFF  }
0xb6: {  	s28 =	simm.s32 $_size_execute0_lowered;
	s4 =	sadd.s32 s4, s6;
	[dreg:$0x0] =	wrdreg $0x0  }
0xb7: {  	s6 =	sshll.u32 s28, $0x1;
	[dreg:$0x2] =	wrdreg s4  }
0xb8: {  	[dreg:$0x3] =	wrdreg s6  }
0xb9: {  	[dreg:$0x4] =	wrdreg $0xC0  }
0xba: {  	_ =	task [dreg:s22], $0x5FFFF  }
0xbb: {  	[dreg:$0x1] =	wrdreg $0xFFFFFFFF  }
0xbc: {  	[dreg:$0x0] =	wrdreg $0x60  }
0xbd: {  	[dreg:$0x2] =	wrdreg s18  }
0xbe: {  	[dreg:$0x3] =	wrdreg s24  }
0xbf: {  	[dreg:$0x4] =	wrdreg $0xA  }
0xc0: {  	_ =	task.clear_ibuf [dreg:s22], $0x5FFFF;
	_ =	strace $0x90000049  }
0xc1: {  	s29 =	simm.s32 $0xA;
	_ =	strace $0x8000004B  }
0xc2: {  	_ =	swait.ge [sflag:s29], $0x1  }
0xc3: {  	[sflag:s29] =	ssyncadd.s32 $0xFFFFFFFF  }
0xc4: {  	_ =	strace $0x9000004B  }
0xc5: {  	_ =	sfence  }
0xc6: {  	s30 =	sld [smem:$0x0];
	_ =	sdelay $0x2  }
0xc7: {  	s31 =	sshll.u32 s1, $0xD;
	s1 =	sshrl.u32 s1, $0x2  }
0xc8: {  	s4 =	sand.u32 $0x4000, s31;
	s1 =	sadd.s32 s1, s30  }
0xc9: {  	s0 =	sor.u32 s4, s0;
	s1 =	sshll.u32 s1, $0x11  }
0xca: {  	s0 =	sor.u32 s1, s0  }
0xcb: {  	s0 =	sadd.s32 $0x8F2B, s0  }
0xcc: {  	[sflag:s0] =	ssyncadd.remote.s32 $0x1  }
0xcd: {  	_ =	sfence.sel $0xFFFF  }
0xce: {  	[dreg:$0x0] =	wrdreg $0xFFFFFFFF;
	(pc) =	sbr.abs _section_cstart, $3  }
0xcf: {  	[dreg:$0x1] =	wrdreg $0xFFFFFFFF  }
0xd0: {  	_ =	task.clear_ibuf [dreg:s22], $0x2FFFF;
	_ =	strace $0x9FFFFFFF  }
0xd1: {  	(tm) =	ssettm $0x7FFFFFFF  }
tec
execute0_lowered:
.L_overlay_start_1:
0x0: {  	(tag) =	ssettag $0x1  }
0x1: {  	s0 =	srdreg.scid  }
0x2: {  	s1 =	stileid.u32;
	s0 =	sand.u32 $0x1, s0  }
0x3: {  	s1 =	sshll.u32 s1, $0x9;
	s3 =	sshll.u32 s0, $0x8  }
0x4: {  	s2 =	rddreg [dreg:$0x0];
	s1 =	sor.u32 s3, s1  }
0x5: {  	s4 =	rddreg [dreg:$0x1];
	s5 =	sshrl.u32 s1, $0x3  }
0x6: {  	s3 =	simm.s32 $0x0;
	s1 =	sshll.u32 s1, $0x8;
	s5 =	sadd.s32 s5, s4  }
0x7: {  	[smem:$0x7FF] =	sst s3;
	s1 =	sadd.s32 s1, s4;
	s16 =	sadd.s32 $0x200E00, s5  }
0x8: {  	_ =	strace $0x8000004A;
	s17 =	sadd.s32 $0x201200, s1;
	[dreg:$0x3] =	wrdreg s16  }
0x9: {  	s18 =	sadd.s32 $0x202200, s1;
	[dreg:$0x4] =	wrdreg s17  }
0xa: {  	s19 =	sadd.s32 $0x203200, s1;
	[dreg:$0x5] =	wrdreg s18  }
0xb: {  	s12 =	simm.s32 $0x3;
	s20 =	sadd.s32 $0x204200, s1;
	[dreg:$0x6] =	wrdreg s19  }
0xc: {  	s30 =	simm.s32 $0x1;
	s21 =	sadd.s32 $0x205200, s1;
	[dreg:$0x7] =	wrdreg s20  }
0xd: {  	s28 =	simm.s32 $0x2;
	s22 =	sadd.s32 $0x206200, s1;
	[dreg:$0x8] =	wrdreg s21  }
0xe: {  	s11 =	simm.s32 $0x8100;
	s23 =	sadd.s32 $0x207200, s1;
	[dreg:$0x9] =	wrdreg s22  }
0xf: {  	s10 =	sadd.s32 $0x700, s2;
	s24 =	sadd.s32 $0x208200, s1;
	[dreg:$0xa] =	wrdreg s23  }
0x10: {  	s0 =	ssub.s32 $0x2, s0;
	s25 =	sadd.s32 $0x209200, s1;
	[dreg:$0xb] =	wrdreg s24  }
0x11: {  	s26 =	sshrl.u32 s0, $0x1;
	s29 =	sadd.s32 $0x20A200, s1;
	[dreg:$0xc] =	wrdreg s25  }
0x12: {  	s0 =	ssub.s32 s0, s26;
	s31 =	sadd.s32 $0x20B200, s1;
	[dreg:$0xd] =	wrdreg s29  }
0x13: {  	s4 =	sadd.s32 $0x100, s2;
	s6 =	sadd.s32 $0x20C200, s1;
	[dreg:$0xe] =	wrdreg s31  }
0x14: {  	s0 =	smax.u32 s0, $0x1;
	s7 =	sadd.s32 $0x20D200, s1;
	[dreg:$0xf] =	wrdreg s6  }
0x15: {  	s5 =	sadd.s32 $0x200, s2;
	s8 =	sadd.s32 $0x20E200, s1;
	[dreg:$0x10] =	wrdreg s7  }
0x16: {  	v2 =	vlaneseq.u32;
	s9 =	sadd.s32 $0x20F200, s1;
	s1 =	sadd.s32 $0x210200, s1;
	[dreg:$0x11] =	wrdreg s8  }
0x17: {  	vm0 =	vmmov $0xffff;
	v1 =	vshrl.u32 v2, $0x3;
	s6 =	sadd.s32 $0x300, s2;
	s7 =	sadd.s32 $0x400, s2;
	[dreg:$0x12] =	wrdreg s9  }
0x18: {  	v0 =	vand.u32 $0x7, v2;
	v2 =	vor.u32 $0x8, v2;
	v1 =	vmul.u32 $0x8, v1;
	s8 =	sadd.s32 $0x500, s2;
	s9 =	sadd.s32 $0x600, s2;
	[dreg:$0x13] =	wrdreg s1  }
.LBB2_1:
0x19: {  	[dreg:$0x14] =	wrdreg s0  }
0x1a: {  	s29 =	rddreg [dreg:$0x3]  }
0x1b: {  	[tilespmem:s3], [sflag:$0x3] =	stream.linear.gather [hbm4b:s29+s3], $0x100, $0x38;
	[tilespmem:$0x10100] =	vst v63  }
0x1c: {  	_ =	swait.ge [sflag:s12], $0x100  }
0x1d: {  	[sflag:s12] =	ssyncset.done $0x0  }
0x1e: {  	[sflag:s12] =	ssyncadd.s32 $0xFFFFFF00  }
0x1f: {  	v3 =	vld [tilespmem:$0x0];
	_ =	sdelay $0x4  }
0x20: {  	v4 =	vshll.u32 v3, $0x4  }
0x21: {  	v3 =	vand.u32 $0x7, v3;
	v4 =	vand.u32 $0xFFFFFF80, v4  }
0x22: {  	v3 =	vor.u32 v3, v4  }
0x23: {  	v4 =	vperm.xlane v3, v0;
	_ =	sdelay $0x1  }
0x24: {  	v4 =	vadd.s32 v1, v4;
	_ =	sdelay $0x3  }
0x25: {  	s19 =	simm.s32 $0x100  }
0x26: {  	[tilespmem:s19], [sflag:$0x1] =	stream.indirect_vreg.gather [hbm4b:s2+s3], $0x80, v4, vm0, $0xb8;
	[tilespmem:$0x10100] =	vst v63  }
0x27: {  	s20 =	simm.s32 $0x900  }
0x28: {  	[tilespmem:s20], [sflag:$0x1] =	stream.indirect_vreg.gather [hbm4b:s4+s3], $0x80, v4, vm0, $0xb8;
	[tilespmem:$0x10100] =	vst v63  }
0x29: {  	s21 =	simm.s32 $0x1100  }
0x2a: {  	[tilespmem:s21], [sflag:$0x1] =	stream.indirect_vreg.gather [hbm4b:s5+s3], $0x80, v4, vm0, $0xb8;
	[tilespmem:$0x10100] =	vst v63  }
0x2b: {  	s22 =	simm.s32 $0x1900  }
0x2c: {  	[tilespmem:s22], [sflag:$0x1] =	stream.indirect_vreg.gather [hbm4b:s6+s3], $0x80, v4, vm0, $0xb8;
	[tilespmem:$0x10100] =	vst v63  }
0x2d: {  	s23 =	simm.s32 $0x2100  }
0x2e: {  	[tilespmem:s23], [sflag:$0x1] =	stream.indirect_vreg.gather [hbm4b:s7+s3], $0x80, v4, vm0, $0xb8;
	[tilespmem:$0x10100] =	vst v63  }
0x2f: {  	s24 =	simm.s32 $0x2900;
	v3 =	vperm.xlane v3, v2  }
0x30: {  	[tilespmem:s24], [sflag:$0x1] =	stream.indirect_vreg.gather [hbm4b:s8+s3], $0x80, v4, vm0, $0xb8;
	[tilespmem:$0x10100] =	vst v63  }
0x31: {  	s25 =	simm.s32 $0x3100;
	v3 =	vadd.s32 v1, v3  }
0x32: {  	[tilespmem:s25], [sflag:$0x1] =	stream.indirect_vreg.gather [hbm4b:s9+s3], $0x80, v4, vm0, $0xb8;
	[tilespmem:$0x10100] =	vst v63  }
0x33: {  	s26 =	simm.s32 $0x3900  }
0x34: {  	[tilespmem:s26], [sflag:$0x1] =	stream.indirect_vreg.gather [hbm4b:s10+s3], $0x80, v4, vm0, $0xb8;
	[tilespmem:$0x10100] =	vst v63  }
0x35: {  	s29 =	simm.s32 $0x4100  }
0x36: {  	[tilespmem:s29], [sflag:$0x1] =	stream.indirect_vreg.gather [hbm4b:s2+s3], $0x80, v3, vm0, $0xb8;
	[tilespmem:$0x10100] =	vst v63  }
0x37: {  	s31 =	simm.s32 $0x4900  }
0x38: {  	[tilespmem:s31], [sflag:$0x1] =	stream.indirect_vreg.gather [hbm4b:s4+s3], $0x80, v3, vm0, $0xb8;
	[tilespmem:$0x10100] =	vst v63  }
0x39: {  	s13 =	simm.s32 $0x5100  }
0x3a: {  	[tilespmem:s13], [sflag:$0x1] =	stream.indirect_vreg.gather [hbm4b:s5+s3], $0x80, v3, vm0, $0xb8;
	[tilespmem:$0x10100] =	vst v63  }
0x3b: {  	s14 =	simm.s32 $0x5900  }
0x3c: {  	[tilespmem:s14], [sflag:$0x1] =	stream.indirect_vreg.gather [hbm4b:s6+s3], $0x80, v3, vm0, $0xb8;
	[tilespmem:$0x10100] =	vst v63  }
0x3d: {  	s24 =	simm.s32 $0x6100  }
0x3e: {  	[tilespmem:s24], [sflag:$0x1] =	stream.indirect_vreg.gather [hbm4b:s7+s3], $0x80, v3, vm0, $0xb8;
	[tilespmem:$0x10100] =	vst v63  }
0x3f: {  	s25 =	simm.s32 $0x6900  }
0x40: {  	[tilespmem:s25], [sflag:$0x1] =	stream.indirect_vreg.gather [hbm4b:s8+s3], $0x80, v3, vm0, $0xb8;
	[tilespmem:$0x10100] =	vst v63  }
0x41: {  	s26 =	simm.s32 $0x7100  }
0x42: {  	[tilespmem:s26], [sflag:$0x1] =	stream.indirect_vreg.gather [hbm4b:s9+s3], $0x80, v3, vm0, $0xb8;
	[tilespmem:$0x10100] =	vst v63  }
0x43: {  	s29 =	simm.s32 $0x7900  }
0x44: {  	[tilespmem:s29], [sflag:$0x1] =	stream.indirect_vreg.gather [hbm4b:s10+s3], $0x80, v3, vm0, $0xb8;
	[tilespmem:$0x10100] =	vst v63  }
0x45: {  	_ =	swait.ge [sflag:s30], $0x8000  }
0x46: {  	[sflag:s30] =	ssyncset.done $0x0  }
0x47: {  	[sflag:s30] =	ssyncadd.s32 $0xFFFF8000  }
0x48: {  	v3 =	vld [tilespmem:$0x10];
	_ =	sdelay $0x4  }
0x49: {  	v49 =	vshll.u32 v3, $0x4  }
0x4a: {  	v3 =	vand.u32 $0x7, v3;
	v4 =	vand.u32 $0xFFFFFF80, v49  }
0x4b: {  	v3 =	vor.u32 v3, v4  }
0x4c: {  	v4 =	vperm.xlane v3, v0;
	_ =	sdelay $0x1  }
0x4d: {  	v4 =	vadd.s32 v1, v4;
	_ =	sdelay $0x4  }
0x4e: {  	[tilespmem:s11], [sflag:$0x2] =	stream.indirect_vreg.gather [hbm4b:s2+s3], $0x80, v4, vm0, $0xb8;
	[tilespmem:$0x10100] =	vst v63  }
0x4f: {  	s31 =	simm.s32 $0x8900  }
0x50: {  	[tilespmem:s31], [sflag:$0x2] =	stream.indirect_vreg.gather [hbm4b:s4+s3], $0x80, v4, vm0, $0xb8;
	[tilespmem:$0x10100] =	vst v63  }
0x51: {  	s13 =	simm.s32 $0x9100  }
0x52: {  	[tilespmem:s13], [sflag:$0x2] =	stream.indirect_vreg.gather [hbm4b:s5+s3], $0x80, v4, vm0, $0xb8;
	[tilespmem:$0x10100] =	vst v63  }
0x53: {  	s14 =	simm.s32 $0x9900  }
0x54: {  	[tilespmem:s14], [sflag:$0x2] =	stream.indirect_vreg.gather [hbm4b:s6+s3], $0x80, v4, vm0, $0xb8;
	[tilespmem:$0x10100] =	vst v63  }
0x55: {  	s24 =	simm.s32 $0xA100  }
0x56: {  	[tilespmem:s24], [sflag:$0x2] =	stream.indirect_vreg.gather [hbm4b:s7+s3], $0x80, v4, vm0, $0xb8;
	[tilespmem:$0x10100] =	vst v63  }
0x57: {  	s25 =	simm.s32 $0xA900;
	v3 =	vperm.xlane v3, v2  }
0x58: {  	[tilespmem:s25], [sflag:$0x2] =	stream.indirect_vreg.gather [hbm4b:s8+s3], $0x80, v4, vm0, $0xb8;
	[tilespmem:$0x10100] =	vst v63  }
0x59: {  	s26 =	simm.s32 $0xB100;
	v3 =	vadd.s32 v1, v3  }
0x5a: {  	[tilespmem:s26], [sflag:$0x2] =	stream.indirect_vreg.gather [hbm4b:s9+s3], $0x80, v4, vm0, $0xb8;
	[tilespmem:$0x10100] =	vst v63  }
0x5b: {  	s31 =	simm.s32 $0xB900  }
0x5c: {  	[tilespmem:s31], [sflag:$0x2] =	stream.indirect_vreg.gather [hbm4b:s10+s3], $0x80, v4, vm0, $0xb8;
	[tilespmem:$0x10100] =	vst v63  }
0x5d: {  	s24 =	simm.s32 $0xC100  }
0x5e: {  	[tilespmem:s24], [sflag:$0x2] =	stream.indirect_vreg.gather [hbm4b:s2+s3], $0x80, v3, vm0, $0xb8;
	[tilespmem:$0x10100] =	vst v63  }
0x5f: {  	s25 =	simm.s32 $0xC900  }
0x60: {  	[tilespmem:s25], [sflag:$0x2] =	stream.indirect_vreg.gather [hbm4b:s4+s3], $0x80, v3, vm0, $0xb8;
	[tilespmem:$0x10100] =	vst v63  }
0x61: {  	s26 =	simm.s32 $0xD100  }
0x62: {  	[tilespmem:s26], [sflag:$0x2] =	stream.indirect_vreg.gather [hbm4b:s5+s3], $0x80, v3, vm0, $0xb8;
	[tilespmem:$0x10100] =	vst v63  }
0x63: {  	s31 =	simm.s32 $0xD900  }
0x64: {  	[tilespmem:s31], [sflag:$0x2] =	stream.indirect_vreg.gather [hbm4b:s6+s3], $0x80, v3, vm0, $0xb8;
	[tilespmem:$0x10100] =	vst v63  }
0x65: {  	s24 =	simm.s32 $0xE100  }
0x66: {  	[tilespmem:s24], [sflag:$0x2] =	stream.indirect_vreg.gather [hbm4b:s7+s3], $0x80, v3, vm0, $0xb8;
	[tilespmem:$0x10100] =	vst v63  }
0x67: {  	s25 =	simm.s32 $0xE900  }
0x68: {  	[tilespmem:s25], [sflag:$0x2] =	stream.indirect_vreg.gather [hbm4b:s8+s3], $0x80, v3, vm0, $0xb8;
	[tilespmem:$0x10100] =	vst v63  }
0x69: {  	s26 =	simm.s32 $0xF100  }
0x6a: {  	[tilespmem:s26], [sflag:$0x2] =	stream.indirect_vreg.gather [hbm4b:s9+s3], $0x80, v3, vm0, $0xb8;
	[tilespmem:$0x10100] =	vst v63  }
0x6b: {  	s26 =	simm.s32 $0xF900  }
0x6c: {  	[tilespmem:s26], [sflag:$0x2] =	stream.indirect_vreg.gather [hbm4b:s10+s3], $0x80, v3, vm0, $0xb8;
	[tilespmem:$0x10100] =	vst v63  }
0x6d: {  	s31 =	rddreg [dreg:$0x4];
	s24 =	simm.s32 $0x100  }
0x6e: {  	[hbm4b:s31+s3] =	stream.linear.scatter [tilespmem:s24], [sflag:$0x3], $0x8000, $0x38;
	[tilespmem:$0x10100] =	vst v63  }
0x6f: {  	_ =	swait.ge [sflag:s12], $0x8000  }
0x70: {  	[sflag:s12] =	ssyncset.done $0x0  }
0x71: {  	[sflag:s12] =	ssyncadd.s32 $0xFFFF8000  }
0x72: {  	_ =	swait.ge [sflag:s28], $0x8000  }
0x73: {  	[sflag:s28] =	ssyncset.done $0x0  }
0x74: {  	[sflag:s28] =	ssyncadd.s32 $0xFFFF8000  }
0x75: {  	v3 =	vld [tilespmem:$0x20];
	_ =	sdelay $0x4  }
0x76: {  	v50 =	vshll.u32 v3, $0x4  }
0x77: {  	v3 =	vand.u32 $0x7, v3;
	v4 =	vand.u32 $0xFFFFFF80, v50  }
0x78: {  	v3 =	vor.u32 v3, v4  }
0x79: {  	v4 =	vperm.xlane v3, v0;
	_ =	sdelay $0x1  }
0x7a: {  	v4 =	vadd.s32 v1, v4;
	_ =	sdelay $0x4  }
0x7b: {  	[tilespmem:s24], [sflag:$0x1] =	stream.indirect_vreg.gather [hbm4b:s2+s3], $0x80, v4, vm0, $0xb8;
	[tilespmem:$0x10100] =	vst v63  }
0x7c: {  	s1 =	simm.s32 $0x900  }
0x7d: {  	[tilespmem:s1], [sflag:$0x1] =	stream.indirect_vreg.gather [hbm4b:s4+s3], $0x80, v4, vm0, $0xb8;
	[tilespmem:$0x10100] =	vst v63  }
0x7e: {  	s15 =	simm.s32 $0x1100  }
0x7f: {  	[tilespmem:s15], [sflag:$0x1] =	stream.indirect_vreg.gather [hbm4b:s5+s3], $0x80, v4, vm0, $0xb8;
	[tilespmem:$0x10100] =	vst v63  }
0x80: {  	s16 =	simm.s32 $0x1900  }
0x81: {  	[tilespmem:s16], [sflag:$0x1] =	stream.indirect_vreg.gather [hbm4b:s6+s3], $0x80, v4, vm0, $0xb8;
	[tilespmem:$0x10100] =	vst v63  }
0x82: {  	s22 =	simm.s32 $0x2100  }
0x83: {  	[tilespmem:s22], [sflag:$0x1] =	stream.indirect_vreg.gather [hbm4b:s7+s3], $0x80, v4, vm0, $0xb8;
	[tilespmem:$0x10100] =	vst v63  }
0x84: {  	s23 =	simm.s32 $0x2900;
	v3 =	vperm.xlane v3, v2  }
0x85: {  	[tilespmem:s23], [sflag:$0x1] =	stream.indirect_vreg.gather [hbm4b:s8+s3], $0x80, v4, vm0, $0xb8;
	[tilespmem:$0x10100] =	vst v63  }
0x86: {  	s17 =	simm.s32 $0x3100;
	v3 =	vadd.s32 v1, v3  }
0x87: {  	[tilespmem:s17], [sflag:$0x1] =	stream.indirect_vreg.gather [hbm4b:s9+s3], $0x80, v4, vm0, $0xb8;
	[tilespmem:$0x10100] =	vst v63  }
0x88: {  	s18 =	simm.s32 $0x3900  }
0x89: {  	[tilespmem:s18], [sflag:$0x1] =	stream.indirect_vreg.gather [hbm4b:s10+s3], $0x80, v4, vm0, $0xb8;
	[tilespmem:$0x10100] =	vst v63  }
0x8a: {  	s19 =	simm.s32 $0x4100  }
0x8b: {  	[tilespmem:s19], [sflag:$0x1] =	stream.indirect_vreg.gather [hbm4b:s2+s3], $0x80, v3, vm0, $0xb8;
	[tilespmem:$0x10100] =	vst v63  }
0x8c: {  	s20 =	simm.s32 $0x4900  }
0x8d: {  	[tilespmem:s20], [sflag:$0x1] =	stream.indirect_vreg.gather [hbm4b:s4+s3], $0x80, v3, vm0, $0xb8;
	[tilespmem:$0x10100] =	vst v63  }
0x8e: {  	s21 =	simm.s32 $0x5100  }
0x8f: {  	[tilespmem:s21], [sflag:$0x1] =	stream.indirect_vreg.gather [hbm4b:s5+s3], $0x80, v3, vm0, $0xb8;
	[tilespmem:$0x10100] =	vst v63  }
0x90: {  	s22 =	simm.s32 $0x5900  }
0x91: {  	[tilespmem:s22], [sflag:$0x1] =	stream.indirect_vreg.gather [hbm4b:s6+s3], $0x80, v3, vm0, $0xb8;
	[tilespmem:$0x10100] =	vst v63  }
0x92: {  	s24 =	simm.s32 $0x6100  }
0x93: {  	[tilespmem:s24], [sflag:$0x1] =	stream.indirect_vreg.gather [hbm4b:s7+s3], $0x80, v3, vm0, $0xb8;
	[tilespmem:$0x10100] =	vst v63  }
0x94: {  	s25 =	simm.s32 $0x6900  }
0x95: {  	[tilespmem:s25], [sflag:$0x1] =	stream.indirect_vreg.gather [hbm4b:s8+s3], $0x80, v3, vm0, $0xb8;
	[tilespmem:$0x10100] =	vst v63  }
0x96: {  	s23 =	simm.s32 $0x7100  }
0x97: {  	[tilespmem:s23], [sflag:$0x1] =	stream.indirect_vreg.gather [hbm4b:s9+s3], $0x80, v3, vm0, $0xb8;
	[tilespmem:$0x10100] =	vst v63  }
0x98: {  	s0 =	simm.s32 $0x7900  }
0x99: {  	[tilespmem:s0], [sflag:$0x1] =	stream.indirect_vreg.gather [hbm4b:s10+s3], $0x80, v3, vm0, $0xb8;
	[tilespmem:$0x10100] =	vst v63  }
0x9a: {  	s21 =	rddreg [dreg:$0x5]  }
0x9b: {  	[hbm4b:s21+s3] =	stream.linear.scatter [tilespmem:s11], [sflag:$0x3], $0x8000, $0x38;
	[tilespmem:$0x10100] =	vst v63  }
0x9c: {  	_ =	swait.ge [sflag:s12], $0x8000  }
0x9d: {  	[sflag:s12] =	ssyncset.done $0x0  }
0x9e: {  	[sflag:s12] =	ssyncadd.s32 $0xFFFF8000  }
0x9f: {  	_ =	swait.ge [sflag:s30], $0x8000  }
0xa0: {  	[sflag:s30] =	ssyncset.done $0x0  }
0xa1: {  	[sflag:s30] =	ssyncadd.s32 $0xFFFF8000  }
0xa2: {  	v3 =	vld [tilespmem:$0x30];
	_ =	sdelay $0x4  }
0xa3: {  	v51 =	vshll.u32 v3, $0x4  }
0xa4: {  	v3 =	vand.u32 $0x7, v3;
	v4 =	vand.u32 $0xFFFFFF80, v51  }
0xa5: {  	v3 =	vor.u32 v3, v4  }
0xa6: {  	v4 =	vperm.xlane v3, v0;
	_ =	sdelay $0x1  }
0xa7: {  	v4 =	vadd.s32 v1, v4;
	_ =	sdelay $0x4  }
0xa8: {  	[tilespmem:s11], [sflag:$0x2] =	stream.indirect_vreg.gather [hbm4b:s2+s3], $0x80, v4, vm0, $0xb8;
	[tilespmem:$0x10100] =	vst v63  }
0xa9: {  	s26 =	simm.s32 $0x8900  }
0xaa: {  	[tilespmem:s26], [sflag:$0x2] =	stream.indirect_vreg.gather [hbm4b:s4+s3], $0x80, v4, vm0, $0xb8;
	[tilespmem:$0x10100] =	vst v63  }
0xab: {  	s0 =	simm.s32 $0x9100  }
0xac: {  	[tilespmem:s0], [sflag:$0x2] =	stream.indirect_vreg.gather [hbm4b:s5+s3], $0x80, v4, vm0, $0xb8;
	[tilespmem:$0x10100] =	vst v63  }
0xad: {  	s1 =	simm.s32 $0x9900  }
0xae: {  	[tilespmem:s1], [sflag:$0x2] =	stream.indirect_vreg.gather [hbm4b:s6+s3], $0x80, v4, vm0, $0xb8;
	[tilespmem:$0x10100] =	vst v63  }
0xaf: {  	s13 =	simm.s32 $0xA100  }
0xb0: {  	[tilespmem:s13], [sflag:$0x2] =	stream.indirect_vreg.gather [hbm4b:s7+s3], $0x80, v4, vm0, $0xb8;
	[tilespmem:$0x10100] =	vst v63  }
0xb1: {  	s14 =	simm.s32 $0xA900;
	v3 =	vperm.xlane v3, v2  }
0xb2: {  	[tilespmem:s14], [sflag:$0x2] =	stream.indirect_vreg.gather [hbm4b:s8+s3], $0x80, v4, vm0, $0xb8;
	[tilespmem:$0x10100] =	vst v63  }
0xb3: {  	s31 =	simm.s32 $0xB100;
	v3 =	vadd.s32 v1, v3  }
0xb4: {  	[tilespmem:s31], [sflag:$0x2] =	stream.indirect_vreg.gather [hbm4b:s9+s3], $0x80, v4, vm0, $0xb8;
	[tilespmem:$0x10100] =	vst v63  }
0xb5: {  	s14 =	simm.s32 $0xB900  }
0xb6: {  	[tilespmem:s14], [sflag:$0x2] =	stream.indirect_vreg.gather [hbm4b:s10+s3], $0x80, v4, vm0, $0xb8;
	[tilespmem:$0x10100] =	vst v63  }
0xb7: {  	s15 =	simm.s32 $0xC100  }
0xb8: {  	[tilespmem:s15], [sflag:$0x2] =	stream.indirect_vreg.gather [hbm4b:s2+s3], $0x80, v3, vm0, $0xb8;
	[tilespmem:$0x10100] =	vst v63  }
0xb9: {  	s16 =	simm.s32 $0xC900  }
0xba: {  	[tilespmem:s16], [sflag:$0x2] =	stream.indirect_vreg.gather [hbm4b:s4+s3], $0x80, v3, vm0, $0xb8;
	[tilespmem:$0x10100] =	vst v63  }
0xbb: {  	s17 =	simm.s32 $0xD100  }
0xbc: {  	[tilespmem:s17], [sflag:$0x2] =	stream.indirect_vreg.gather [hbm4b:s5+s3], $0x80, v3, vm0, $0xb8;
	[tilespmem:$0x10100] =	vst v63  }
0xbd: {  	s18 =	simm.s32 $0xD900  }
0xbe: {  	[tilespmem:s18], [sflag:$0x2] =	stream.indirect_vreg.gather [hbm4b:s6+s3], $0x80, v3, vm0, $0xb8;
	[tilespmem:$0x10100] =	vst v63  }
0xbf: {  	s19 =	simm.s32 $0xE100  }
0xc0: {  	[tilespmem:s19], [sflag:$0x2] =	stream.indirect_vreg.gather [hbm4b:s7+s3], $0x80, v3, vm0, $0xb8;
	[tilespmem:$0x10100] =	vst v63  }
0xc1: {  	s20 =	simm.s32 $0xE900  }
0xc2: {  	[tilespmem:s20], [sflag:$0x2] =	stream.indirect_vreg.gather [hbm4b:s8+s3], $0x80, v3, vm0, $0xb8;
	[tilespmem:$0x10100] =	vst v63  }
0xc3: {  	s21 =	simm.s32 $0xF100  }
0xc4: {  	[tilespmem:s21], [sflag:$0x2] =	stream.indirect_vreg.gather [hbm4b:s9+s3], $0x80, v3, vm0, $0xb8;
	[tilespmem:$0x10100] =	vst v63  }
0xc5: {  	s13 =	simm.s32 $0xF900  }
0xc6: {  	[tilespmem:s13], [sflag:$0x2] =	stream.indirect_vreg.gather [hbm4b:s10+s3], $0x80, v3, vm0, $0xb8;
	[tilespmem:$0x10100] =	vst v63  }
0xc7: {  	s29 =	rddreg [dreg:$0x6];
	s13 =	simm.s32 $0x100  }
0xc8: {  	[hbm4b:s29+s3] =	stream.linear.scatter [tilespmem:s13], [sflag:$0x3], $0x8000, $0x38;
	[tilespmem:$0x10100] =	vst v63  }
0xc9: {  	_ =	swait.ge [sflag:s12], $0x8000  }
0xca: {  	[sflag:s12] =	ssyncset.done $0x0  }
0xcb: {  	[sflag:s12] =	ssyncadd.s32 $0xFFFF8000  }
0xcc: {  	_ =	swait.ge [sflag:s28], $0x8000  }
0xcd: {  	[sflag:s28] =	ssyncset.done $0x0  }
0xce: {  	[sflag:s28] =	ssyncadd.s32 $0xFFFF8000  }
0xcf: {  	v3 =	vld [tilespmem:$0x40];
	_ =	sdelay $0x4  }
0xd0: {  	v52 =	vshll.u32 v3, $0x4  }
0xd1: {  	v3 =	vand.u32 $0x7, v3;
	v4 =	vand.u32 $0xFFFFFF80, v52  }
0xd2: {  	v3 =	vor.u32 v3, v4  }
0xd3: {  	v4 =	vperm.xlane v3, v0;
	_ =	sdelay $0x1  }
0xd4: {  	v4 =	vadd.s32 v1, v4;
	_ =	sdelay $0x4  }
0xd5: {  	[tilespmem:s13], [sflag:$0x1] =	stream.indirect_vreg.gather [hbm4b:s2+s3], $0x80, v4, vm0, $0xb8;
	[tilespmem:$0x10100] =	vst v63  }
0xd6: {  	s29 =	simm.s32 $0x900  }
0xd7: {  	[tilespmem:s29], [sflag:$0x1] =	stream.indirect_vreg.gather [hbm4b:s4+s3], $0x80, v4, vm0, $0xb8;
	[tilespmem:$0x10100] =	vst v63  }
0xd8: {  	s29 =	simm.s32 $0x1100  }
0xd9: {  	[tilespmem:s29], [sflag:$0x1] =	stream.indirect_vreg.gather [hbm4b:s5+s3], $0x80, v4, vm0, $0xb8;
	[tilespmem:$0x10100] =	vst v63  }
0xda: {  	s29 =	simm.s32 $0x1900  }
0xdb: {  	[tilespmem:s29], [sflag:$0x1] =	stream.indirect_vreg.gather [hbm4b:s6+s3], $0x80, v4, vm0, $0xb8;
	[tilespmem:$0x10100] =	vst v63  }
0xdc: {  	s29 =	simm.s32 $0x2100  }
0xdd: {  	[tilespmem:s29], [sflag:$0x1] =	stream.indirect_vreg.gather [hbm4b:s7+s3], $0x80, v4, vm0, $0xb8;
	[tilespmem:$0x10100] =	vst v63  }
0xde: {  	v3 =	vperm.xlane v3, v2;
	s29 =	simm.s32 $0x2900  }
0xdf: {  	[tilespmem:s29], [sflag:$0x1] =	stream.indirect_vreg.gather [hbm4b:s8+s3], $0x80, v4, vm0, $0xb8;
	[tilespmem:$0x10100] =	vst v63  }
0xe0: {  	v3 =	vadd.s32 v1, v3;
	s29 =	simm.s32 $0x3100  }
0xe1: {  	[tilespmem:s29], [sflag:$0x1] =	stream.indirect_vreg.gather [hbm4b:s9+s3], $0x80, v4, vm0, $0xb8;
	[tilespmem:$0x10100] =	vst v63  }
0xe2: {  	s29 =	simm.s32 $0x3900  }
0xe3: {  	[tilespmem:s29], [sflag:$0x1] =	stream.indirect_vreg.gather [hbm4b:s10+s3], $0x80, v4, vm0, $0xb8;
	[tilespmem:$0x10100] =	vst v63  }
0xe4: {  	s29 =	simm.s32 $0x4100  }
0xe5: {  	[tilespmem:s29], [sflag:$0x1] =	stream.indirect_vreg.gather [hbm4b:s2+s3], $0x80, v3, vm0, $0xb8;
	[tilespmem:$0x10100] =	vst v63  }
0xe6: {  	s29 =	simm.s32 $0x4900  }
0xe7: {  	[tilespmem:s29], [sflag:$0x1] =	stream.indirect_vreg.gather [hbm4b:s4+s3], $0x80, v3, vm0, $0xb8;
	[tilespmem:$0x10100] =	vst v63  }
0xe8: {  	s29 =	simm.s32 $0x5100  }
0xe9: {  	[tilespmem:s29], [sflag:$0x1] =	stream.indirect_vreg.gather [hbm4b:s5+s3], $0x80, v3, vm0, $0xb8;
	[tilespmem:$0x10100] =	vst v63  }
0xea: {  	_ = 	snop  }
0xeb: {  	[tilespmem:s22], [sflag:$0x1] =	stream.indirect_vreg.gather [hbm4b:s6+s3], $0x80, v3, vm0, $0xb8;
	[tilespmem:$0x10100] =	vst v63  }
0xec: {  	_ = 	snop  }
0xed: {  	[tilespmem:s24], [sflag:$0x1] =	stream.indirect_vreg.gather [hbm4b:s7+s3], $0x80, v3, vm0, $0xb8;
	[tilespmem:$0x10100] =	vst v63  }
0xee: {  	_ = 	snop  }
0xef: {  	[tilespmem:s25], [sflag:$0x1] =	stream.indirect_vreg.gather [hbm4b:s8+s3], $0x80, v3, vm0, $0xb8;
	[tilespmem:$0x10100] =	vst v63  }
0xf0: {  	_ = 	snop  }
0xf1: {  	[tilespmem:s23], [sflag:$0x1] =	stream.indirect_vreg.gather [hbm4b:s9+s3], $0x80, v3, vm0, $0xb8;
	[tilespmem:$0x10100] =	vst v63  }
0xf2: {  	s22 =	simm.s32 $0x7900  }
0xf3: {  	[tilespmem:s22], [sflag:$0x1] =	stream.indirect_vreg.gather [hbm4b:s10+s3], $0x80, v3, vm0, $0xb8;
	[tilespmem:$0x10100] =	vst v63  }
0xf4: {  	s29 =	rddreg [dreg:$0x7]  }
0xf5: {  	[hbm4b:s29+s3] =	stream.linear.scatter [tilespmem:s11], [sflag:$0x3], $0x8000, $0x38;
	[tilespmem:$0x10100] =	vst v63  }
0xf6: {  	_ =	swait.ge [sflag:s12], $0x8000  }
0xf7: {  	[sflag:s12] =	ssyncset.done $0x0  }
0xf8: {  	[sflag:s12] =	ssyncadd.s32 $0xFFFF8000  }
0xf9: {  	_ =	swait.ge [sflag:s30], $0x8000  }
0xfa: {  	[sflag:s30] =	ssyncset.done $0x0  }
0xfb: {  	[sflag:s30] =	ssyncadd.s32 $0xFFFF8000  }
0xfc: {  	v3 =	vld [tilespmem:$0x50];
	_ =	sdelay $0x4  }
0xfd: {  	v53 =	vshll.u32 v3, $0x4  }
0xfe: {  	v3 =	vand.u32 $0x7, v3;
	v4 =	vand.u32 $0xFFFFFF80, v53  }
0xff: {  	v3 =	vor.u32 v3, v4  }
0x100: {  	v4 =	vperm.xlane v3, v0;
	_ =	sdelay $0x1  }
0x101: {  	v4 =	vadd.s32 v1, v4;
	_ =	sdelay $0x4  }
0x102: {  	[tilespmem:s11], [sflag:$0x2] =	stream.indirect_vreg.gather [hbm4b:s2+s3], $0x80, v4, vm0, $0xb8;
	[tilespmem:$0x10100] =	vst v63  }
0x103: {  	_ = 	snop  }
0x104: {  	[tilespmem:s26], [sflag:$0x2] =	stream.indirect_vreg.gather [hbm4b:s4+s3], $0x80, v4, vm0, $0xb8;
	[tilespmem:$0x10100] =	vst v63  }
0x105: {  	_ = 	snop  }
0x106: {  	[tilespmem:s0], [sflag:$0x2] =	stream.indirect_vreg.gather [hbm4b:s5+s3], $0x80, v4, vm0, $0xb8;
	[tilespmem:$0x10100] =	vst v63  }
0x107: {  	_ = 	snop  }
0x108: {  	[tilespmem:s1], [sflag:$0x2] =	stream.indirect_vreg.gather [hbm4b:s6+s3], $0x80, v4, vm0, $0xb8;
	[tilespmem:$0x10100] =	vst v63  }
0x109: {  	s22 =	simm.s32 $0xA100  }
0x10a: {  	[tilespmem:s22], [sflag:$0x2] =	stream.indirect_vreg.gather [hbm4b:s7+s3], $0x80, v4, vm0, $0xb8;
	[tilespmem:$0x10100] =	vst v63  }
0x10b: {  	v3 =	vperm.xlane v3, v2;
	s0 =	simm.s32 $0xA900  }
0x10c: {  	[tilespmem:s0], [sflag:$0x2] =	stream.indirect_vreg.gather [hbm4b:s8+s3], $0x80, v4, vm0, $0xb8;
	[tilespmem:$0x10100] =	vst v63  }
0x10d: {  	v3 =	vadd.s32 v1, v3  }
0x10e: {  	[tilespmem:s31], [sflag:$0x2] =	stream.indirect_vreg.gather [hbm4b:s9+s3], $0x80, v4, vm0, $0xb8;
	[tilespmem:$0x10100] =	vst v63  }
0x10f: {  	_ = 	snop  }
0x110: {  	[tilespmem:s14], [sflag:$0x2] =	stream.indirect_vreg.gather [hbm4b:s10+s3], $0x80, v4, vm0, $0xb8;
	[tilespmem:$0x10100] =	vst v63  }
0x111: {  	_ = 	snop  }
0x112: {  	[tilespmem:s15], [sflag:$0x2] =	stream.indirect_vreg.gather [hbm4b:s2+s3], $0x80, v3, vm0, $0xb8;
	[tilespmem:$0x10100] =	vst v63  }
0x113: {  	_ = 	snop  }
0x114: {  	[tilespmem:s16], [sflag:$0x2] =	stream.indirect_vreg.gather [hbm4b:s4+s3], $0x80, v3, vm0, $0xb8;
	[tilespmem:$0x10100] =	vst v63  }
0x115: {  	_ = 	snop  }
0x116: {  	[tilespmem:s17], [sflag:$0x2] =	stream.indirect_vreg.gather [hbm4b:s5+s3], $0x80, v3, vm0, $0xb8;
	[tilespmem:$0x10100] =	vst v63  }
0x117: {  	_ = 	snop  }
0x118: {  	[tilespmem:s18], [sflag:$0x2] =	stream.indirect_vreg.gather [hbm4b:s6+s3], $0x80, v3, vm0, $0xb8;
	[tilespmem:$0x10100] =	vst v63  }
0x119: {  	_ = 	snop  }
0x11a: {  	[tilespmem:s19], [sflag:$0x2] =	stream.indirect_vreg.gather [hbm4b:s7+s3], $0x80, v3, vm0, $0xb8;
	[tilespmem:$0x10100] =	vst v63  }
0x11b: {  	_ = 	snop  }
0x11c: {  	[tilespmem:s20], [sflag:$0x2] =	stream.indirect_vreg.gather [hbm4b:s8+s3], $0x80, v3, vm0, $0xb8;
	[tilespmem:$0x10100] =	vst v63  }
0x11d: {  	_ = 	snop  }
0x11e: {  	[tilespmem:s21], [sflag:$0x2] =	stream.indirect_vreg.gather [hbm4b:s9+s3], $0x80, v3, vm0, $0xb8;
	[tilespmem:$0x10100] =	vst v63  }
0x11f: {  	s22 =	simm.s32 $0xF900  }
0x120: {  	[tilespmem:s22], [sflag:$0x2] =	stream.indirect_vreg.gather [hbm4b:s10+s3], $0x80, v3, vm0, $0xb8;
	[tilespmem:$0x10100] =	vst v63  }
0x121: {  	s13 =	simm.s32 $0x100;
	s29 =	rddreg [dreg:$0x8]  }
0x122: {  	[hbm4b:s29+s3] =	stream.linear.scatter [tilespmem:s13], [sflag:$0x3], $0x8000, $0x38;
	[tilespmem:$0x10100] =	vst v63  }
0x123: {  	_ =	swait.ge [sflag:s12], $0x8000  }
0x124: {  	[sflag:s12] =	ssyncset.done $0x0  }
0x125: {  	[sflag:s12] =	ssyncadd.s32 $0xFFFF8000  }
0x126: {  	_ =	swait.ge [sflag:s28], $0x8000  }
0x127: {  	[sflag:s28] =	ssyncset.done $0x0  }
0x128: {  	[sflag:s28] =	ssyncadd.s32 $0xFFFF8000  }
0x129: {  	v3 =	vld [tilespmem:$0x60];
	_ =	sdelay $0x4  }
0x12a: {  	v54 =	vshll.u32 v3, $0x4  }
0x12b: {  	v3 =	vand.u32 $0x7, v3;
	v4 =	vand.u32 $0xFFFFFF80, v54  }
0x12c: {  	v3 =	vor.u32 v3, v4  }
0x12d: {  	v4 =	vperm.xlane v3, v0;
	_ =	sdelay $0x1  }
0x12e: {  	v4 =	vadd.s32 v1, v4;
	_ =	sdelay $0x4  }
0x12f: {  	[tilespmem:s13], [sflag:$0x1] =	stream.indirect_vreg.gather [hbm4b:s2+s3], $0x80, v4, vm0, $0xb8;
	[tilespmem:$0x10100] =	vst v63  }
0x130: {  	s22 =	simm.s32 $0x900  }
0x131: {  	[tilespmem:s22], [sflag:$0x1] =	stream.indirect_vreg.gather [hbm4b:s4+s3], $0x80, v4, vm0, $0xb8;
	[tilespmem:$0x10100] =	vst v63  }
0x132: {  	s29 =	simm.s32 $0x1100  }
0x133: {  	[tilespmem:s29], [sflag:$0x1] =	stream.indirect_vreg.gather [hbm4b:s5+s3], $0x80, v4, vm0, $0xb8;
	[tilespmem:$0x10100] =	vst v63  }
0x134: {  	s22 =	simm.s32 $0x1900  }
0x135: {  	[tilespmem:s22], [sflag:$0x1] =	stream.indirect_vreg.gather [hbm4b:s6+s3], $0x80, v4, vm0, $0xb8;
	[tilespmem:$0x10100] =	vst v63  }
0x136: {  	s29 =	simm.s32 $0x2100  }
0x137: {  	[tilespmem:s29], [sflag:$0x1] =	stream.indirect_vreg.gather [hbm4b:s7+s3], $0x80, v4, vm0, $0xb8;
	[tilespmem:$0x10100] =	vst v63  }
0x138: {  	v3 =	vperm.xlane v3, v2;
	s22 =	simm.s32 $0x2900  }
0x139: {  	[tilespmem:s22], [sflag:$0x1] =	stream.indirect_vreg.gather [hbm4b:s8+s3], $0x80, v4, vm0, $0xb8;
	[tilespmem:$0x10100] =	vst v63  }
0x13a: {  	v3 =	vadd.s32 v1, v3;
	s29 =	simm.s32 $0x3100  }
0x13b: {  	[tilespmem:s29], [sflag:$0x1] =	stream.indirect_vreg.gather [hbm4b:s9+s3], $0x80, v4, vm0, $0xb8;
	[tilespmem:$0x10100] =	vst v63  }
0x13c: {  	s22 =	simm.s32 $0x3900  }
0x13d: {  	[tilespmem:s22], [sflag:$0x1] =	stream.indirect_vreg.gather [hbm4b:s10+s3], $0x80, v4, vm0, $0xb8;
	[tilespmem:$0x10100] =	vst v63  }
0x13e: {  	s29 =	simm.s32 $0x4100  }
0x13f: {  	[tilespmem:s29], [sflag:$0x1] =	stream.indirect_vreg.gather [hbm4b:s2+s3], $0x80, v3, vm0, $0xb8;
	[tilespmem:$0x10100] =	vst v63  }
0x140: {  	s22 =	simm.s32 $0x4900  }
0x141: {  	[tilespmem:s22], [sflag:$0x1] =	stream.indirect_vreg.gather [hbm4b:s4+s3], $0x80, v3, vm0, $0xb8;
	[tilespmem:$0x10100] =	vst v63  }
0x142: {  	s29 =	simm.s32 $0x5100  }
0x143: {  	[tilespmem:s29], [sflag:$0x1] =	stream.indirect_vreg.gather [hbm4b:s5+s3], $0x80, v3, vm0, $0xb8;
	[tilespmem:$0x10100] =	vst v63  }
0x144: {  	s22 =	simm.s32 $0x5900  }
0x145: {  	[tilespmem:s22], [sflag:$0x1] =	stream.indirect_vreg.gather [hbm4b:s6+s3], $0x80, v3, vm0, $0xb8;
	[tilespmem:$0x10100] =	vst v63  }
0x146: {  	s24 =	simm.s32 $0x6100  }
0x147: {  	[tilespmem:s24], [sflag:$0x1] =	stream.indirect_vreg.gather [hbm4b:s7+s3], $0x80, v3, vm0, $0xb8;
	[tilespmem:$0x10100] =	vst v63  }
0x148: {  	s25 =	simm.s32 $0x6900  }
0x149: {  	[tilespmem:s25], [sflag:$0x1] =	stream.indirect_vreg.gather [hbm4b:s8+s3], $0x80, v3, vm0, $0xb8;
	[tilespmem:$0x10100] =	vst v63  }
0x14a: {  	s23 =	simm.s32 $0x7100  }
0x14b: {  	[tilespmem:s23], [sflag:$0x1] =	stream.indirect_vreg.gather [hbm4b:s9+s3], $0x80, v3, vm0, $0xb8;
	[tilespmem:$0x10100] =	vst v63  }
0x14c: {  	s24 =	simm.s32 $0x7900  }
0x14d: {  	[tilespmem:s24], [sflag:$0x1] =	stream.indirect_vreg.gather [hbm4b:s10+s3], $0x80, v3, vm0, $0xb8;
	[tilespmem:$0x10100] =	vst v63  }
0x14e: {  	s29 =	rddreg [dreg:$0x9]  }
0x14f: {  	[hbm4b:s29+s3] =	stream.linear.scatter [tilespmem:s11], [sflag:$0x3], $0x8000, $0x38;
	[tilespmem:$0x10100] =	vst v63  }
0x150: {  	_ =	swait.ge [sflag:s12], $0x8000  }
0x151: {  	[sflag:s12] =	ssyncset.done $0x0  }
0x152: {  	[sflag:s12] =	ssyncadd.s32 $0xFFFF8000  }
0x153: {  	_ =	swait.ge [sflag:s30], $0x8000  }
0x154: {  	[sflag:s30] =	ssyncset.done $0x0  }
0x155: {  	[sflag:s30] =	ssyncadd.s32 $0xFFFF8000  }
0x156: {  	v3 =	vld [tilespmem:$0x70];
	_ =	sdelay $0x4  }
0x157: {  	v55 =	vshll.u32 v3, $0x4  }
0x158: {  	v3 =	vand.u32 $0x7, v3;
	v4 =	vand.u32 $0xFFFFFF80, v55  }
0x159: {  	v3 =	vor.u32 v3, v4  }
0x15a: {  	v4 =	vperm.xlane v3, v0;
	_ =	sdelay $0x1  }
0x15b: {  	v4 =	vadd.s32 v1, v4;
	_ =	sdelay $0x4  }
0x15c: {  	[tilespmem:s11], [sflag:$0x2] =	stream.indirect_vreg.gather [hbm4b:s2+s3], $0x80, v4, vm0, $0xb8;
	[tilespmem:$0x10100] =	vst v63  }
0x15d: {  	s26 =	simm.s32 $0x8900  }
0x15e: {  	[tilespmem:s26], [sflag:$0x2] =	stream.indirect_vreg.gather [hbm4b:s4+s3], $0x80, v4, vm0, $0xb8;
	[tilespmem:$0x10100] =	vst v63  }
0x15f: {  	s26 =	simm.s32 $0x9100  }
0x160: {  	[tilespmem:s26], [sflag:$0x2] =	stream.indirect_vreg.gather [hbm4b:s5+s3], $0x80, v4, vm0, $0xb8;
	[tilespmem:$0x10100] =	vst v63  }
0x161: {  	s1 =	simm.s32 $0x9900  }
0x162: {  	[tilespmem:s1], [sflag:$0x2] =	stream.indirect_vreg.gather [hbm4b:s6+s3], $0x80, v4, vm0, $0xb8;
	[tilespmem:$0x10100] =	vst v63  }
0x163: {  	s29 =	simm.s32 $0xA100  }
0x164: {  	[tilespmem:s29], [sflag:$0x2] =	stream.indirect_vreg.gather [hbm4b:s7+s3], $0x80, v4, vm0, $0xb8;
	[tilespmem:$0x10100] =	vst v63  }
0x165: {  	s0 =	simm.s32 $0xA900;
	v3 =	vperm.xlane v3, v2  }
0x166: {  	[tilespmem:s0], [sflag:$0x2] =	stream.indirect_vreg.gather [hbm4b:s8+s3], $0x80, v4, vm0, $0xb8;
	[tilespmem:$0x10100] =	vst v63  }
0x167: {  	s31 =	simm.s32 $0xB100;
	v3 =	vadd.s32 v1, v3  }
0x168: {  	[tilespmem:s31], [sflag:$0x2] =	stream.indirect_vreg.gather [hbm4b:s9+s3], $0x80, v4, vm0, $0xb8;
	[tilespmem:$0x10100] =	vst v63  }
0x169: {  	s14 =	simm.s32 $0xB900  }
0x16a: {  	[tilespmem:s14], [sflag:$0x2] =	stream.indirect_vreg.gather [hbm4b:s10+s3], $0x80, v4, vm0, $0xb8;
	[tilespmem:$0x10100] =	vst v63  }
0x16b: {  	s15 =	simm.s32 $0xC100  }
0x16c: {  	[tilespmem:s15], [sflag:$0x2] =	stream.indirect_vreg.gather [hbm4b:s2+s3], $0x80, v3, vm0, $0xb8;
	[tilespmem:$0x10100] =	vst v63  }
0x16d: {  	s16 =	simm.s32 $0xC900  }
0x16e: {  	[tilespmem:s16], [sflag:$0x2] =	stream.indirect_vreg.gather [hbm4b:s4+s3], $0x80, v3, vm0, $0xb8;
	[tilespmem:$0x10100] =	vst v63  }
0x16f: {  	s17 =	simm.s32 $0xD100  }
0x170: {  	[tilespmem:s17], [sflag:$0x2] =	stream.indirect_vreg.gather [hbm4b:s5+s3], $0x80, v3, vm0, $0xb8;
	[tilespmem:$0x10100] =	vst v63  }
0x171: {  	s18 =	simm.s32 $0xD900  }
0x172: {  	[tilespmem:s18], [sflag:$0x2] =	stream.indirect_vreg.gather [hbm4b:s6+s3], $0x80, v3, vm0, $0xb8;
	[tilespmem:$0x10100] =	vst v63  }
0x173: {  	s19 =	simm.s32 $0xE100  }
0x174: {  	[tilespmem:s19], [sflag:$0x2] =	stream.indirect_vreg.gather [hbm4b:s7+s3], $0x80, v3, vm0, $0xb8;
	[tilespmem:$0x10100] =	vst v63  }
0x175: {  	s20 =	simm.s32 $0xE900  }
0x176: {  	[tilespmem:s20], [sflag:$0x2] =	stream.indirect_vreg.gather [hbm4b:s8+s3], $0x80, v3, vm0, $0xb8;
	[tilespmem:$0x10100] =	vst v63  }
0x177: {  	s21 =	simm.s32 $0xF100  }
0x178: {  	[tilespmem:s21], [sflag:$0x2] =	stream.indirect_vreg.gather [hbm4b:s9+s3], $0x80, v3, vm0, $0xb8;
	[tilespmem:$0x10100] =	vst v63  }
0x179: {  	s0 =	simm.s32 $0xF900  }
0x17a: {  	[tilespmem:s0], [sflag:$0x2] =	stream.indirect_vreg.gather [hbm4b:s10+s3], $0x80, v3, vm0, $0xb8;
	[tilespmem:$0x10100] =	vst v63  }
0x17b: {  	s29 =	rddreg [dreg:$0xa]  }
0x17c: {  	[hbm4b:s29+s3] =	stream.linear.scatter [tilespmem:s13], [sflag:$0x3], $0x8000, $0x38;
	[tilespmem:$0x10100] =	vst v63  }
0x17d: {  	_ =	swait.ge [sflag:s12], $0x8000  }
0x17e: {  	[sflag:s12] =	ssyncset.done $0x0  }
0x17f: {  	[sflag:s12] =	ssyncadd.s32 $0xFFFF8000  }
0x180: {  	_ =	swait.ge [sflag:s28], $0x8000  }
0x181: {  	[sflag:s28] =	ssyncset.done $0x0  }
0x182: {  	[sflag:s28] =	ssyncadd.s32 $0xFFFF8000  }
0x183: {  	v3 =	vld [tilespmem:$0x80];
	_ =	sdelay $0x4  }
0x184: {  	v56 =	vshll.u32 v3, $0x4  }
0x185: {  	v3 =	vand.u32 $0x7, v3;
	v4 =	vand.u32 $0xFFFFFF80, v56  }
0x186: {  	v3 =	vor.u32 v3, v4  }
0x187: {  	v4 =	vperm.xlane v3, v0;
	_ =	sdelay $0x1  }
0x188: {  	v4 =	vadd.s32 v1, v4;
	_ =	sdelay $0x4  }
0x189: {  	[tilespmem:s13], [sflag:$0x1] =	stream.indirect_vreg.gather [hbm4b:s2+s3], $0x80, v4, vm0, $0xb8;
	[tilespmem:$0x10100] =	vst v63  }
0x18a: {  	s29 =	simm.s32 $0x900  }
0x18b: {  	[tilespmem:s29], [sflag:$0x1] =	stream.indirect_vreg.gather [hbm4b:s4+s3], $0x80, v4, vm0, $0xb8;
	[tilespmem:$0x10100] =	vst v63  }
0x18c: {  	s29 =	simm.s32 $0x1100  }
0x18d: {  	[tilespmem:s29], [sflag:$0x1] =	stream.indirect_vreg.gather [hbm4b:s5+s3], $0x80, v4, vm0, $0xb8;
	[tilespmem:$0x10100] =	vst v63  }
0x18e: {  	s29 =	simm.s32 $0x1900  }
0x18f: {  	[tilespmem:s29], [sflag:$0x1] =	stream.indirect_vreg.gather [hbm4b:s6+s3], $0x80, v4, vm0, $0xb8;
	[tilespmem:$0x10100] =	vst v63  }
0x190: {  	s29 =	simm.s32 $0x2100  }
0x191: {  	[tilespmem:s29], [sflag:$0x1] =	stream.indirect_vreg.gather [hbm4b:s7+s3], $0x80, v4, vm0, $0xb8;
	[tilespmem:$0x10100] =	vst v63  }
0x192: {  	v3 =	vperm.xlane v3, v2;
	s29 =	simm.s32 $0x2900  }
0x193: {  	[tilespmem:s29], [sflag:$0x1] =	stream.indirect_vreg.gather [hbm4b:s8+s3], $0x80, v4, vm0, $0xb8;
	[tilespmem:$0x10100] =	vst v63  }
0x194: {  	v3 =	vadd.s32 v1, v3;
	s29 =	simm.s32 $0x3100  }
0x195: {  	[tilespmem:s29], [sflag:$0x1] =	stream.indirect_vreg.gather [hbm4b:s9+s3], $0x80, v4, vm0, $0xb8;
	[tilespmem:$0x10100] =	vst v63  }
0x196: {  	s29 =	simm.s32 $0x3900  }
0x197: {  	[tilespmem:s29], [sflag:$0x1] =	stream.indirect_vreg.gather [hbm4b:s10+s3], $0x80, v4, vm0, $0xb8;
	[tilespmem:$0x10100] =	vst v63  }
0x198: {  	s29 =	simm.s32 $0x4100  }
0x199: {  	[tilespmem:s29], [sflag:$0x1] =	stream.indirect_vreg.gather [hbm4b:s2+s3], $0x80, v3, vm0, $0xb8;
	[tilespmem:$0x10100] =	vst v63  }
0x19a: {  	s29 =	simm.s32 $0x4900  }
0x19b: {  	[tilespmem:s29], [sflag:$0x1] =	stream.indirect_vreg.gather [hbm4b:s4+s3], $0x80, v3, vm0, $0xb8;
	[tilespmem:$0x10100] =	vst v63  }
0x19c: {  	s29 =	simm.s32 $0x5100  }
0x19d: {  	[tilespmem:s29], [sflag:$0x1] =	stream.indirect_vreg.gather [hbm4b:s5+s3], $0x80, v3, vm0, $0xb8;
	[tilespmem:$0x10100] =	vst v63  }
0x19e: {  	s29 =	simm.s32 $0x5900  }
0x19f: {  	[tilespmem:s29], [sflag:$0x1] =	stream.indirect_vreg.gather [hbm4b:s6+s3], $0x80, v3, vm0, $0xb8;
	[tilespmem:$0x10100] =	vst v63  }
0x1a0: {  	s22 =	simm.s32 $0x6100  }
0x1a1: {  	[tilespmem:s22], [sflag:$0x1] =	stream.indirect_vreg.gather [hbm4b:s7+s3], $0x80, v3, vm0, $0xb8;
	[tilespmem:$0x10100] =	vst v63  }
0x1a2: {  	s25 =	simm.s32 $0x6900  }
0x1a3: {  	[tilespmem:s25], [sflag:$0x1] =	stream.indirect_vreg.gather [hbm4b:s8+s3], $0x80, v3, vm0, $0xb8;
	[tilespmem:$0x10100] =	vst v63  }
0x1a4: {  	s23 =	simm.s32 $0x7100  }
0x1a5: {  	[tilespmem:s23], [sflag:$0x1] =	stream.indirect_vreg.gather [hbm4b:s9+s3], $0x80, v3, vm0, $0xb8;
	[tilespmem:$0x10100] =	vst v63  }
0x1a6: {  	s23 =	simm.s32 $0x7900  }
0x1a7: {  	[tilespmem:s23], [sflag:$0x1] =	stream.indirect_vreg.gather [hbm4b:s10+s3], $0x80, v3, vm0, $0xb8;
	[tilespmem:$0x10100] =	vst v63  }
0x1a8: {  	s29 =	rddreg [dreg:$0xb]  }
0x1a9: {  	[hbm4b:s29+s3] =	stream.linear.scatter [tilespmem:s11], [sflag:$0x3], $0x8000, $0x38;
	[tilespmem:$0x10100] =	vst v63  }
0x1aa: {  	_ =	swait.ge [sflag:s12], $0x8000  }
0x1ab: {  	[sflag:s12] =	ssyncset.done $0x0  }
0x1ac: {  	[sflag:s12] =	ssyncadd.s32 $0xFFFF8000  }
0x1ad: {  	_ =	swait.ge [sflag:s30], $0x8000  }
0x1ae: {  	[sflag:s30] =	ssyncset.done $0x0  }
0x1af: {  	[sflag:s30] =	ssyncadd.s32 $0xFFFF8000  }
0x1b0: {  	v3 =	vld [tilespmem:$0x90];
	_ =	sdelay $0x4  }
0x1b1: {  	v57 =	vshll.u32 v3, $0x4  }
0x1b2: {  	v3 =	vand.u32 $0x7, v3;
	v4 =	vand.u32 $0xFFFFFF80, v57  }
0x1b3: {  	v3 =	vor.u32 v3, v4  }
0x1b4: {  	v4 =	vperm.xlane v3, v0;
	_ =	sdelay $0x1  }
0x1b5: {  	v4 =	vadd.s32 v1, v4;
	_ =	sdelay $0x4  }
0x1b6: {  	[tilespmem:s11], [sflag:$0x2] =	stream.indirect_vreg.gather [hbm4b:s2+s3], $0x80, v4, vm0, $0xb8;
	[tilespmem:$0x10100] =	vst v63  }
0x1b7: {  	s24 =	simm.s32 $0x8900  }
0x1b8: {  	[tilespmem:s24], [sflag:$0x2] =	stream.indirect_vreg.gather [hbm4b:s4+s3], $0x80, v4, vm0, $0xb8;
	[tilespmem:$0x10100] =	vst v63  }
0x1b9: {  	s29 =	simm.s32 $0x9100  }
0x1ba: {  	[tilespmem:s29], [sflag:$0x2] =	stream.indirect_vreg.gather [hbm4b:s5+s3], $0x80, v4, vm0, $0xb8;
	[tilespmem:$0x10100] =	vst v63  }
0x1bb: {  	s1 =	simm.s32 $0x9900  }
0x1bc: {  	[tilespmem:s1], [sflag:$0x2] =	stream.indirect_vreg.gather [hbm4b:s6+s3], $0x80, v4, vm0, $0xb8;
	[tilespmem:$0x10100] =	vst v63  }
0x1bd: {  	s26 =	simm.s32 $0xA100  }
0x1be: {  	[tilespmem:s26], [sflag:$0x2] =	stream.indirect_vreg.gather [hbm4b:s7+s3], $0x80, v4, vm0, $0xb8;
	[tilespmem:$0x10100] =	vst v63  }
0x1bf: {  	s0 =	simm.s32 $0xA900;
	v3 =	vperm.xlane v3, v2  }
0x1c0: {  	[tilespmem:s0], [sflag:$0x2] =	stream.indirect_vreg.gather [hbm4b:s8+s3], $0x80, v4, vm0, $0xb8;
	[tilespmem:$0x10100] =	vst v63  }
0x1c1: {  	s31 =	simm.s32 $0xB100;
	v3 =	vadd.s32 v1, v3  }
0x1c2: {  	[tilespmem:s31], [sflag:$0x2] =	stream.indirect_vreg.gather [hbm4b:s9+s3], $0x80, v4, vm0, $0xb8;
	[tilespmem:$0x10100] =	vst v63  }
0x1c3: {  	s14 =	simm.s32 $0xB900  }
0x1c4: {  	[tilespmem:s14], [sflag:$0x2] =	stream.indirect_vreg.gather [hbm4b:s10+s3], $0x80, v4, vm0, $0xb8;
	[tilespmem:$0x10100] =	vst v63  }
0x1c5: {  	s15 =	simm.s32 $0xC100  }
0x1c6: {  	[tilespmem:s15], [sflag:$0x2] =	stream.indirect_vreg.gather [hbm4b:s2+s3], $0x80, v3, vm0, $0xb8;
	[tilespmem:$0x10100] =	vst v63  }
0x1c7: {  	s16 =	simm.s32 $0xC900  }
0x1c8: {  	[tilespmem:s16], [sflag:$0x2] =	stream.indirect_vreg.gather [hbm4b:s4+s3], $0x80, v3, vm0, $0xb8;
	[tilespmem:$0x10100] =	vst v63  }
0x1c9: {  	s17 =	simm.s32 $0xD100  }
0x1ca: {  	[tilespmem:s17], [sflag:$0x2] =	stream.indirect_vreg.gather [hbm4b:s5+s3], $0x80, v3, vm0, $0xb8;
	[tilespmem:$0x10100] =	vst v63  }
0x1cb: {  	s18 =	simm.s32 $0xD900  }
0x1cc: {  	[tilespmem:s18], [sflag:$0x2] =	stream.indirect_vreg.gather [hbm4b:s6+s3], $0x80, v3, vm0, $0xb8;
	[tilespmem:$0x10100] =	vst v63  }
0x1cd: {  	s19 =	simm.s32 $0xE100  }
0x1ce: {  	[tilespmem:s19], [sflag:$0x2] =	stream.indirect_vreg.gather [hbm4b:s7+s3], $0x80, v3, vm0, $0xb8;
	[tilespmem:$0x10100] =	vst v63  }
0x1cf: {  	s20 =	simm.s32 $0xE900  }
0x1d0: {  	[tilespmem:s20], [sflag:$0x2] =	stream.indirect_vreg.gather [hbm4b:s8+s3], $0x80, v3, vm0, $0xb8;
	[tilespmem:$0x10100] =	vst v63  }
0x1d1: {  	s21 =	simm.s32 $0xF100  }
0x1d2: {  	[tilespmem:s21], [sflag:$0x2] =	stream.indirect_vreg.gather [hbm4b:s9+s3], $0x80, v3, vm0, $0xb8;
	[tilespmem:$0x10100] =	vst v63  }
0x1d3: {  	s0 =	simm.s32 $0xF900  }
0x1d4: {  	[tilespmem:s0], [sflag:$0x2] =	stream.indirect_vreg.gather [hbm4b:s10+s3], $0x80, v3, vm0, $0xb8;
	[tilespmem:$0x10100] =	vst v63  }
0x1d5: {  	s29 =	rddreg [dreg:$0xc]  }
0x1d6: {  	[hbm4b:s29+s3] =	stream.linear.scatter [tilespmem:s13], [sflag:$0x3], $0x8000, $0x38;
	[tilespmem:$0x10100] =	vst v63  }
0x1d7: {  	_ =	swait.ge [sflag:s12], $0x8000  }
0x1d8: {  	[sflag:s12] =	ssyncset.done $0x0  }
0x1d9: {  	[sflag:s12] =	ssyncadd.s32 $0xFFFF8000  }
0x1da: {  	_ =	swait.ge [sflag:s28], $0x8000  }
0x1db: {  	[sflag:s28] =	ssyncset.done $0x0  }
0x1dc: {  	[sflag:s28] =	ssyncadd.s32 $0xFFFF8000  }
0x1dd: {  	v3 =	vld [tilespmem:$0xA0];
	_ =	sdelay $0x4  }
0x1de: {  	v58 =	vshll.u32 v3, $0x4  }
0x1df: {  	v3 =	vand.u32 $0x7, v3;
	v4 =	vand.u32 $0xFFFFFF80, v58  }
0x1e0: {  	v3 =	vor.u32 v3, v4  }
0x1e1: {  	v4 =	vperm.xlane v3, v0;
	_ =	sdelay $0x1  }
0x1e2: {  	v4 =	vadd.s32 v1, v4;
	_ =	sdelay $0x4  }
0x1e3: {  	[tilespmem:s13], [sflag:$0x1] =	stream.indirect_vreg.gather [hbm4b:s2+s3], $0x80, v4, vm0, $0xb8;
	[tilespmem:$0x10100] =	vst v63  }
0x1e4: {  	s29 =	simm.s32 $0x900  }
0x1e5: {  	[tilespmem:s29], [sflag:$0x1] =	stream.indirect_vreg.gather [hbm4b:s4+s3], $0x80, v4, vm0, $0xb8;
	[tilespmem:$0x10100] =	vst v63  }
0x1e6: {  	s29 =	simm.s32 $0x1100  }
0x1e7: {  	[tilespmem:s29], [sflag:$0x1] =	stream.indirect_vreg.gather [hbm4b:s5+s3], $0x80, v4, vm0, $0xb8;
	[tilespmem:$0x10100] =	vst v63  }
0x1e8: {  	s29 =	simm.s32 $0x1900  }
0x1e9: {  	[tilespmem:s29], [sflag:$0x1] =	stream.indirect_vreg.gather [hbm4b:s6+s3], $0x80, v4, vm0, $0xb8;
	[tilespmem:$0x10100] =	vst v63  }
0x1ea: {  	s29 =	simm.s32 $0x2100  }
0x1eb: {  	[tilespmem:s29], [sflag:$0x1] =	stream.indirect_vreg.gather [hbm4b:s7+s3], $0x80, v4, vm0, $0xb8;
	[tilespmem:$0x10100] =	vst v63  }
0x1ec: {  	v3 =	vperm.xlane v3, v2;
	s29 =	simm.s32 $0x2900  }
0x1ed: {  	[tilespmem:s29], [sflag:$0x1] =	stream.indirect_vreg.gather [hbm4b:s8+s3], $0x80, v4, vm0, $0xb8;
	[tilespmem:$0x10100] =	vst v63  }
0x1ee: {  	v3 =	vadd.s32 v1, v3;
	s29 =	simm.s32 $0x3100  }
0x1ef: {  	[tilespmem:s29], [sflag:$0x1] =	stream.indirect_vreg.gather [hbm4b:s9+s3], $0x80, v4, vm0, $0xb8;
	[tilespmem:$0x10100] =	vst v63  }
0x1f0: {  	s29 =	simm.s32 $0x3900  }
0x1f1: {  	[tilespmem:s29], [sflag:$0x1] =	stream.indirect_vreg.gather [hbm4b:s10+s3], $0x80, v4, vm0, $0xb8;
	[tilespmem:$0x10100] =	vst v63  }
0x1f2: {  	s29 =	simm.s32 $0x4100  }
0x1f3: {  	[tilespmem:s29], [sflag:$0x1] =	stream.indirect_vreg.gather [hbm4b:s2+s3], $0x80, v3, vm0, $0xb8;
	[tilespmem:$0x10100] =	vst v63  }
0x1f4: {  	s29 =	simm.s32 $0x4900  }
0x1f5: {  	[tilespmem:s29], [sflag:$0x1] =	stream.indirect_vreg.gather [hbm4b:s4+s3], $0x80, v3, vm0, $0xb8;
	[tilespmem:$0x10100] =	vst v63  }
0x1f6: {  	s29 =	simm.s32 $0x5100  }
0x1f7: {  	[tilespmem:s29], [sflag:$0x1] =	stream.indirect_vreg.gather [hbm4b:s5+s3], $0x80, v3, vm0, $0xb8;
	[tilespmem:$0x10100] =	vst v63  }
0x1f8: {  	s29 =	simm.s32 $0x5900  }
0x1f9: {  	[tilespmem:s29], [sflag:$0x1] =	stream.indirect_vreg.gather [hbm4b:s6+s3], $0x80, v3, vm0, $0xb8;
	[tilespmem:$0x10100] =	vst v63  }
0x1fa: {  	s22 =	simm.s32 $0x6100  }
0x1fb: {  	[tilespmem:s22], [sflag:$0x1] =	stream.indirect_vreg.gather [hbm4b:s7+s3], $0x80, v3, vm0, $0xb8;
	[tilespmem:$0x10100] =	vst v63  }
0x1fc: {  	s29 =	simm.s32 $0x6900  }
0x1fd: {  	[tilespmem:s29], [sflag:$0x1] =	stream.indirect_vreg.gather [hbm4b:s8+s3], $0x80, v3, vm0, $0xb8;
	[tilespmem:$0x10100] =	vst v63  }
0x1fe: {  	s25 =	simm.s32 $0x7100  }
0x1ff: {  	[tilespmem:s25], [sflag:$0x1] =	stream.indirect_vreg.gather [hbm4b:s9+s3], $0x80, v3, vm0, $0xb8;
	[tilespmem:$0x10100] =	vst v63  }
0x200: {  	s25 =	simm.s32 $0x7900  }
0x201: {  	[tilespmem:s25], [sflag:$0x1] =	stream.indirect_vreg.gather [hbm4b:s10+s3], $0x80, v3, vm0, $0xb8;
	[tilespmem:$0x10100] =	vst v63  }
0x202: {  	s29 =	rddreg [dreg:$0xd]  }
0x203: {  	[hbm4b:s29+s3] =	stream.linear.scatter [tilespmem:s11], [sflag:$0x3], $0x8000, $0x38;
	[tilespmem:$0x10100] =	vst v63  }
0x204: {  	_ =	swait.ge [sflag:s12], $0x8000  }
0x205: {  	[sflag:s12] =	ssyncset.done $0x0  }
0x206: {  	[sflag:s12] =	ssyncadd.s32 $0xFFFF8000  }
0x207: {  	_ =	swait.ge [sflag:s30], $0x8000  }
0x208: {  	[sflag:s30] =	ssyncset.done $0x0  }
0x209: {  	[sflag:s30] =	ssyncadd.s32 $0xFFFF8000  }
0x20a: {  	v3 =	vld [tilespmem:$0xB0];
	_ =	sdelay $0x4  }
0x20b: {  	v59 =	vshll.u32 v3, $0x4  }
0x20c: {  	v3 =	vand.u32 $0x7, v3;
	v4 =	vand.u32 $0xFFFFFF80, v59  }
0x20d: {  	v3 =	vor.u32 v3, v4  }
0x20e: {  	v4 =	vperm.xlane v3, v0;
	_ =	sdelay $0x1  }
0x20f: {  	v4 =	vadd.s32 v1, v4;
	_ =	sdelay $0x4  }
0x210: {  	[tilespmem:s11], [sflag:$0x2] =	stream.indirect_vreg.gather [hbm4b:s2+s3], $0x80, v4, vm0, $0xb8;
	[tilespmem:$0x10100] =	vst v63  }
0x211: {  	s23 =	simm.s32 $0x8900  }
0x212: {  	[tilespmem:s23], [sflag:$0x2] =	stream.indirect_vreg.gather [hbm4b:s4+s3], $0x80, v4, vm0, $0xb8;
	[tilespmem:$0x10100] =	vst v63  }
0x213: {  	s23 =	simm.s32 $0x9100  }
0x214: {  	[tilespmem:s23], [sflag:$0x2] =	stream.indirect_vreg.gather [hbm4b:s5+s3], $0x80, v4, vm0, $0xb8;
	[tilespmem:$0x10100] =	vst v63  }
0x215: {  	s1 =	simm.s32 $0x9900  }
0x216: {  	[tilespmem:s1], [sflag:$0x2] =	stream.indirect_vreg.gather [hbm4b:s6+s3], $0x80, v4, vm0, $0xb8;
	[tilespmem:$0x10100] =	vst v63  }
0x217: {  	s24 =	simm.s32 $0xA100  }
0x218: {  	[tilespmem:s24], [sflag:$0x2] =	stream.indirect_vreg.gather [hbm4b:s7+s3], $0x80, v4, vm0, $0xb8;
	[tilespmem:$0x10100] =	vst v63  }
0x219: {  	s26 =	simm.s32 $0xA900;
	v3 =	vperm.xlane v3, v2  }
0x21a: {  	[tilespmem:s26], [sflag:$0x2] =	stream.indirect_vreg.gather [hbm4b:s8+s3], $0x80, v4, vm0, $0xb8;
	[tilespmem:$0x10100] =	vst v63  }
0x21b: {  	s31 =	simm.s32 $0xB100;
	v3 =	vadd.s32 v1, v3  }
0x21c: {  	[tilespmem:s31], [sflag:$0x2] =	stream.indirect_vreg.gather [hbm4b:s9+s3], $0x80, v4, vm0, $0xb8;
	[tilespmem:$0x10100] =	vst v63  }
0x21d: {  	s14 =	simm.s32 $0xB900  }
0x21e: {  	[tilespmem:s14], [sflag:$0x2] =	stream.indirect_vreg.gather [hbm4b:s10+s3], $0x80, v4, vm0, $0xb8;
	[tilespmem:$0x10100] =	vst v63  }
0x21f: {  	s15 =	simm.s32 $0xC100  }
0x220: {  	[tilespmem:s15], [sflag:$0x2] =	stream.indirect_vreg.gather [hbm4b:s2+s3], $0x80, v3, vm0, $0xb8;
	[tilespmem:$0x10100] =	vst v63  }
0x221: {  	s16 =	simm.s32 $0xC900  }
0x222: {  	[tilespmem:s16], [sflag:$0x2] =	stream.indirect_vreg.gather [hbm4b:s4+s3], $0x80, v3, vm0, $0xb8;
	[tilespmem:$0x10100] =	vst v63  }
0x223: {  	s17 =	simm.s32 $0xD100  }
0x224: {  	[tilespmem:s17], [sflag:$0x2] =	stream.indirect_vreg.gather [hbm4b:s5+s3], $0x80, v3, vm0, $0xb8;
	[tilespmem:$0x10100] =	vst v63  }
0x225: {  	s18 =	simm.s32 $0xD900  }
0x226: {  	[tilespmem:s18], [sflag:$0x2] =	stream.indirect_vreg.gather [hbm4b:s6+s3], $0x80, v3, vm0, $0xb8;
	[tilespmem:$0x10100] =	vst v63  }
0x227: {  	s19 =	simm.s32 $0xE100  }
0x228: {  	[tilespmem:s19], [sflag:$0x2] =	stream.indirect_vreg.gather [hbm4b:s7+s3], $0x80, v3, vm0, $0xb8;
	[tilespmem:$0x10100] =	vst v63  }
0x229: {  	s20 =	simm.s32 $0xE900  }
0x22a: {  	[tilespmem:s20], [sflag:$0x2] =	stream.indirect_vreg.gather [hbm4b:s8+s3], $0x80, v3, vm0, $0xb8;
	[tilespmem:$0x10100] =	vst v63  }
0x22b: {  	s21 =	simm.s32 $0xF100  }
0x22c: {  	[tilespmem:s21], [sflag:$0x2] =	stream.indirect_vreg.gather [hbm4b:s9+s3], $0x80, v3, vm0, $0xb8;
	[tilespmem:$0x10100] =	vst v63  }
0x22d: {  	s24 =	simm.s32 $0xF900  }
0x22e: {  	[tilespmem:s24], [sflag:$0x2] =	stream.indirect_vreg.gather [hbm4b:s10+s3], $0x80, v3, vm0, $0xb8;
	[tilespmem:$0x10100] =	vst v63  }
0x22f: {  	s26 =	rddreg [dreg:$0xe]  }
0x230: {  	[hbm4b:s26+s3] =	stream.linear.scatter [tilespmem:s13], [sflag:$0x3], $0x8000, $0x38;
	[tilespmem:$0x10100] =	vst v63  }
0x231: {  	_ =	swait.ge [sflag:s12], $0x8000  }
0x232: {  	[sflag:s12] =	ssyncset.done $0x0  }
0x233: {  	[sflag:s12] =	ssyncadd.s32 $0xFFFF8000  }
0x234: {  	_ =	swait.ge [sflag:s28], $0x8000  }
0x235: {  	[sflag:s28] =	ssyncset.done $0x0  }
0x236: {  	[sflag:s28] =	ssyncadd.s32 $0xFFFF8000  }
0x237: {  	v3 =	vld [tilespmem:$0xC0];
	_ =	sdelay $0x4  }
0x238: {  	v60 =	vshll.u32 v3, $0x4  }
0x239: {  	v3 =	vand.u32 $0x7, v3;
	v4 =	vand.u32 $0xFFFFFF80, v60  }
0x23a: {  	v3 =	vor.u32 v3, v4  }
0x23b: {  	v4 =	vperm.xlane v3, v0;
	_ =	sdelay $0x1  }
0x23c: {  	v4 =	vadd.s32 v1, v4;
	_ =	sdelay $0x4  }
0x23d: {  	[tilespmem:s13], [sflag:$0x1] =	stream.indirect_vreg.gather [hbm4b:s2+s3], $0x80, v4, vm0, $0xb8;
	[tilespmem:$0x10100] =	vst v63  }
0x23e: {  	s26 =	simm.s32 $0x900  }
0x23f: {  	[tilespmem:s26], [sflag:$0x1] =	stream.indirect_vreg.gather [hbm4b:s4+s3], $0x80, v4, vm0, $0xb8;
	[tilespmem:$0x10100] =	vst v63  }
0x240: {  	s29 =	simm.s32 $0x1100  }
0x241: {  	[tilespmem:s29], [sflag:$0x1] =	stream.indirect_vreg.gather [hbm4b:s5+s3], $0x80, v4, vm0, $0xb8;
	[tilespmem:$0x10100] =	vst v63  }
0x242: {  	s24 =	simm.s32 $0x1900  }
0x243: {  	[tilespmem:s24], [sflag:$0x1] =	stream.indirect_vreg.gather [hbm4b:s6+s3], $0x80, v4, vm0, $0xb8;
	[tilespmem:$0x10100] =	vst v63  }
0x244: {  	s26 =	simm.s32 $0x2100  }
0x245: {  	[tilespmem:s26], [sflag:$0x1] =	stream.indirect_vreg.gather [hbm4b:s7+s3], $0x80, v4, vm0, $0xb8;
	[tilespmem:$0x10100] =	vst v63  }
0x246: {  	v3 =	vperm.xlane v3, v2;
	s29 =	simm.s32 $0x2900  }
0x247: {  	[tilespmem:s29], [sflag:$0x1] =	stream.indirect_vreg.gather [hbm4b:s8+s3], $0x80, v4, vm0, $0xb8;
	[tilespmem:$0x10100] =	vst v63  }
0x248: {  	v3 =	vadd.s32 v1, v3;
	s24 =	simm.s32 $0x3100  }
0x249: {  	[tilespmem:s24], [sflag:$0x1] =	stream.indirect_vreg.gather [hbm4b:s9+s3], $0x80, v4, vm0, $0xb8;
	[tilespmem:$0x10100] =	vst v63  }
0x24a: {  	s26 =	simm.s32 $0x3900  }
0x24b: {  	[tilespmem:s26], [sflag:$0x1] =	stream.indirect_vreg.gather [hbm4b:s10+s3], $0x80, v4, vm0, $0xb8;
	[tilespmem:$0x10100] =	vst v63  }
0x24c: {  	s29 =	simm.s32 $0x4100  }
0x24d: {  	[tilespmem:s29], [sflag:$0x1] =	stream.indirect_vreg.gather [hbm4b:s2+s3], $0x80, v3, vm0, $0xb8;
	[tilespmem:$0x10100] =	vst v63  }
0x24e: {  	s24 =	simm.s32 $0x4900  }
0x24f: {  	[tilespmem:s24], [sflag:$0x1] =	stream.indirect_vreg.gather [hbm4b:s4+s3], $0x80, v3, vm0, $0xb8;
	[tilespmem:$0x10100] =	vst v63  }
0x250: {  	s26 =	simm.s32 $0x5100  }
0x251: {  	[tilespmem:s26], [sflag:$0x1] =	stream.indirect_vreg.gather [hbm4b:s5+s3], $0x80, v3, vm0, $0xb8;
	[tilespmem:$0x10100] =	vst v63  }
0x252: {  	s29 =	simm.s32 $0x5900  }
0x253: {  	[tilespmem:s29], [sflag:$0x1] =	stream.indirect_vreg.gather [hbm4b:s6+s3], $0x80, v3, vm0, $0xb8;
	[tilespmem:$0x10100] =	vst v63  }
0x254: {  	s22 =	simm.s32 $0x6100  }
0x255: {  	[tilespmem:s22], [sflag:$0x1] =	stream.indirect_vreg.gather [hbm4b:s7+s3], $0x80, v3, vm0, $0xb8;
	[tilespmem:$0x10100] =	vst v63  }
0x256: {  	s24 =	simm.s32 $0x6900  }
0x257: {  	[tilespmem:s24], [sflag:$0x1] =	stream.indirect_vreg.gather [hbm4b:s8+s3], $0x80, v3, vm0, $0xb8;
	[tilespmem:$0x10100] =	vst v63  }
0x258: {  	s29 =	simm.s32 $0x7100  }
0x259: {  	[tilespmem:s29], [sflag:$0x1] =	stream.indirect_vreg.gather [hbm4b:s9+s3], $0x80, v3, vm0, $0xb8;
	[tilespmem:$0x10100] =	vst v63  }
0x25a: {  	s22 =	simm.s32 $0x7900  }
0x25b: {  	[tilespmem:s22], [sflag:$0x1] =	stream.indirect_vreg.gather [hbm4b:s10+s3], $0x80, v3, vm0, $0xb8;
	[tilespmem:$0x10100] =	vst v63  }
0x25c: {  	s29 =	rddreg [dreg:$0xf]  }
0x25d: {  	[hbm4b:s29+s3] =	stream.linear.scatter [tilespmem:s11], [sflag:$0x3], $0x8000, $0x38;
	[tilespmem:$0x10100] =	vst v63  }
0x25e: {  	_ =	swait.ge [sflag:s12], $0x8000  }
0x25f: {  	[sflag:s12] =	ssyncset.done $0x0  }
0x260: {  	[sflag:s12] =	ssyncadd.s32 $0xFFFF8000  }
0x261: {  	_ =	swait.ge [sflag:s30], $0x8000  }
0x262: {  	[sflag:s30] =	ssyncset.done $0x0  }
0x263: {  	[sflag:s30] =	ssyncadd.s32 $0xFFFF8000  }
0x264: {  	v3 =	vld [tilespmem:$0xD0];
	_ =	sdelay $0x4  }
0x265: {  	v61 =	vshll.u32 v3, $0x4  }
0x266: {  	v3 =	vand.u32 $0x7, v3;
	v4 =	vand.u32 $0xFFFFFF80, v61  }
0x267: {  	v3 =	vor.u32 v3, v4  }
0x268: {  	v4 =	vperm.xlane v3, v0;
	_ =	sdelay $0x1  }
0x269: {  	v4 =	vadd.s32 v1, v4;
	_ =	sdelay $0x4  }
0x26a: {  	[tilespmem:s11], [sflag:$0x2] =	stream.indirect_vreg.gather [hbm4b:s2+s3], $0x80, v4, vm0, $0xb8;
	[tilespmem:$0x10100] =	vst v63  }
0x26b: {  	s25 =	simm.s32 $0x8900  }
0x26c: {  	[tilespmem:s25], [sflag:$0x2] =	stream.indirect_vreg.gather [hbm4b:s4+s3], $0x80, v4, vm0, $0xb8;
	[tilespmem:$0x10100] =	vst v63  }
0x26d: {  	s0 =	simm.s32 $0x9100  }
0x26e: {  	[tilespmem:s0], [sflag:$0x2] =	stream.indirect_vreg.gather [hbm4b:s5+s3], $0x80, v4, vm0, $0xb8;
	[tilespmem:$0x10100] =	vst v63  }
0x26f: {  	s1 =	simm.s32 $0x9900  }
0x270: {  	[tilespmem:s1], [sflag:$0x2] =	stream.indirect_vreg.gather [hbm4b:s6+s3], $0x80, v4, vm0, $0xb8;
	[tilespmem:$0x10100] =	vst v63  }
0x271: {  	s29 =	simm.s32 $0xA100  }
0x272: {  	[tilespmem:s29], [sflag:$0x2] =	stream.indirect_vreg.gather [hbm4b:s7+s3], $0x80, v4, vm0, $0xb8;
	[tilespmem:$0x10100] =	vst v63  }
0x273: {  	v3 =	vperm.xlane v3, v2;
	s29 =	simm.s32 $0xA900  }
0x274: {  	[tilespmem:s29], [sflag:$0x2] =	stream.indirect_vreg.gather [hbm4b:s8+s3], $0x80, v4, vm0, $0xb8;
	[tilespmem:$0x10100] =	vst v63  }
0x275: {  	s31 =	simm.s32 $0xB100;
	v3 =	vadd.s32 v1, v3  }
0x276: {  	[tilespmem:s31], [sflag:$0x2] =	stream.indirect_vreg.gather [hbm4b:s9+s3], $0x80, v4, vm0, $0xb8;
	[tilespmem:$0x10100] =	vst v63  }
0x277: {  	s14 =	simm.s32 $0xB900  }
0x278: {  	[tilespmem:s14], [sflag:$0x2] =	stream.indirect_vreg.gather [hbm4b:s10+s3], $0x80, v4, vm0, $0xb8;
	[tilespmem:$0x10100] =	vst v63  }
0x279: {  	s15 =	simm.s32 $0xC100  }
0x27a: {  	[tilespmem:s15], [sflag:$0x2] =	stream.indirect_vreg.gather [hbm4b:s2+s3], $0x80, v3, vm0, $0xb8;
	[tilespmem:$0x10100] =	vst v63  }
0x27b: {  	s16 =	simm.s32 $0xC900  }
0x27c: {  	[tilespmem:s16], [sflag:$0x2] =	stream.indirect_vreg.gather [hbm4b:s4+s3], $0x80, v3, vm0, $0xb8;
	[tilespmem:$0x10100] =	vst v63  }
0x27d: {  	s17 =	simm.s32 $0xD100  }
0x27e: {  	[tilespmem:s17], [sflag:$0x2] =	stream.indirect_vreg.gather [hbm4b:s5+s3], $0x80, v3, vm0, $0xb8;
	[tilespmem:$0x10100] =	vst v63  }
0x27f: {  	s18 =	simm.s32 $0xD900  }
0x280: {  	[tilespmem:s18], [sflag:$0x2] =	stream.indirect_vreg.gather [hbm4b:s6+s3], $0x80, v3, vm0, $0xb8;
	[tilespmem:$0x10100] =	vst v63  }
0x281: {  	s19 =	simm.s32 $0xE100  }
0x282: {  	[tilespmem:s19], [sflag:$0x2] =	stream.indirect_vreg.gather [hbm4b:s7+s3], $0x80, v3, vm0, $0xb8;
	[tilespmem:$0x10100] =	vst v63  }
0x283: {  	s20 =	simm.s32 $0xE900  }
0x284: {  	[tilespmem:s20], [sflag:$0x2] =	stream.indirect_vreg.gather [hbm4b:s8+s3], $0x80, v3, vm0, $0xb8;
	[tilespmem:$0x10100] =	vst v63  }
0x285: {  	s21 =	simm.s32 $0xF100  }
0x286: {  	[tilespmem:s21], [sflag:$0x2] =	stream.indirect_vreg.gather [hbm4b:s9+s3], $0x80, v3, vm0, $0xb8;
	[tilespmem:$0x10100] =	vst v63  }
0x287: {  	s21 =	simm.s32 $0xF900  }
0x288: {  	[tilespmem:s21], [sflag:$0x2] =	stream.indirect_vreg.gather [hbm4b:s10+s3], $0x80, v3, vm0, $0xb8;
	[tilespmem:$0x10100] =	vst v63  }
0x289: {  	s29 =	rddreg [dreg:$0x10]  }
0x28a: {  	[hbm4b:s29+s3] =	stream.linear.scatter [tilespmem:s13], [sflag:$0x3], $0x8000, $0x38;
	[tilespmem:$0x10100] =	vst v63  }
0x28b: {  	_ =	swait.ge [sflag:s12], $0x8000  }
0x28c: {  	[sflag:s12] =	ssyncset.done $0x0  }
0x28d: {  	[sflag:s12] =	ssyncadd.s32 $0xFFFF8000  }
0x28e: {  	_ =	swait.ge [sflag:s28], $0x8000  }
0x28f: {  	[sflag:s28] =	ssyncset.done $0x0  }
0x290: {  	[sflag:s28] =	ssyncadd.s32 $0xFFFF8000  }
0x291: {  	v3 =	vld [tilespmem:$0xE0];
	_ =	sdelay $0x4  }
0x292: {  	v62 =	vshll.u32 v3, $0x4  }
0x293: {  	v3 =	vand.u32 $0x7, v3;
	v4 =	vand.u32 $0xFFFFFF80, v62  }
0x294: {  	v3 =	vor.u32 v3, v4  }
0x295: {  	v4 =	vperm.xlane v3, v0;
	_ =	sdelay $0x1  }
0x296: {  	v4 =	vadd.s32 v1, v4;
	_ =	sdelay $0x4  }
0x297: {  	[tilespmem:s13], [sflag:$0x1] =	stream.indirect_vreg.gather [hbm4b:s2+s3], $0x80, v4, vm0, $0xb8;
	[tilespmem:$0x10100] =	vst v63  }
0x298: {  	s29 =	simm.s32 $0x900  }
0x299: {  	[tilespmem:s29], [sflag:$0x1] =	stream.indirect_vreg.gather [hbm4b:s4+s3], $0x80, v4, vm0, $0xb8;
	[tilespmem:$0x10100] =	vst v63  }
0x29a: {  	s29 =	simm.s32 $0x1100  }
0x29b: {  	[tilespmem:s29], [sflag:$0x1] =	stream.indirect_vreg.gather [hbm4b:s5+s3], $0x80, v4, vm0, $0xb8;
	[tilespmem:$0x10100] =	vst v63  }
0x29c: {  	s29 =	simm.s32 $0x1900  }
0x29d: {  	[tilespmem:s29], [sflag:$0x1] =	stream.indirect_vreg.gather [hbm4b:s6+s3], $0x80, v4, vm0, $0xb8;
	[tilespmem:$0x10100] =	vst v63  }
0x29e: {  	s29 =	simm.s32 $0x2100  }
0x29f: {  	[tilespmem:s29], [sflag:$0x1] =	stream.indirect_vreg.gather [hbm4b:s7+s3], $0x80, v4, vm0, $0xb8;
	[tilespmem:$0x10100] =	vst v63  }
0x2a0: {  	v3 =	vperm.xlane v3, v2;
	s29 =	simm.s32 $0x2900  }
0x2a1: {  	[tilespmem:s29], [sflag:$0x1] =	stream.indirect_vreg.gather [hbm4b:s8+s3], $0x80, v4, vm0, $0xb8;
	[tilespmem:$0x10100] =	vst v63  }
0x2a2: {  	v3 =	vadd.s32 v1, v3;
	s29 =	simm.s32 $0x3100  }
0x2a3: {  	[tilespmem:s29], [sflag:$0x1] =	stream.indirect_vreg.gather [hbm4b:s9+s3], $0x80, v4, vm0, $0xb8;
	[tilespmem:$0x10100] =	vst v63  }
0x2a4: {  	s29 =	simm.s32 $0x3900  }
0x2a5: {  	[tilespmem:s29], [sflag:$0x1] =	stream.indirect_vreg.gather [hbm4b:s10+s3], $0x80, v4, vm0, $0xb8;
	[tilespmem:$0x10100] =	vst v63  }
0x2a6: {  	s29 =	simm.s32 $0x4100  }
0x2a7: {  	[tilespmem:s29], [sflag:$0x1] =	stream.indirect_vreg.gather [hbm4b:s2+s3], $0x80, v3, vm0, $0xb8;
	[tilespmem:$0x10100] =	vst v63  }
0x2a8: {  	s29 =	simm.s32 $0x4900  }
0x2a9: {  	[tilespmem:s29], [sflag:$0x1] =	stream.indirect_vreg.gather [hbm4b:s4+s3], $0x80, v3, vm0, $0xb8;
	[tilespmem:$0x10100] =	vst v63  }
0x2aa: {  	s29 =	simm.s32 $0x5100  }
0x2ab: {  	[tilespmem:s29], [sflag:$0x1] =	stream.indirect_vreg.gather [hbm4b:s5+s3], $0x80, v3, vm0, $0xb8;
	[tilespmem:$0x10100] =	vst v63  }
0x2ac: {  	s23 =	simm.s32 $0x5900  }
0x2ad: {  	[tilespmem:s23], [sflag:$0x1] =	stream.indirect_vreg.gather [hbm4b:s6+s3], $0x80, v3, vm0, $0xb8;
	[tilespmem:$0x10100] =	vst v63  }
0x2ae: {  	s26 =	simm.s32 $0x6100  }
0x2af: {  	[tilespmem:s26], [sflag:$0x1] =	stream.indirect_vreg.gather [hbm4b:s7+s3], $0x80, v3, vm0, $0xb8;
	[tilespmem:$0x10100] =	vst v63  }
0x2b0: {  	s24 =	simm.s32 $0x6900  }
0x2b1: {  	[tilespmem:s24], [sflag:$0x1] =	stream.indirect_vreg.gather [hbm4b:s8+s3], $0x80, v3, vm0, $0xb8;
	[tilespmem:$0x10100] =	vst v63  }
0x2b2: {  	s29 =	simm.s32 $0x7100  }
0x2b3: {  	[tilespmem:s29], [sflag:$0x1] =	stream.indirect_vreg.gather [hbm4b:s9+s3], $0x80, v3, vm0, $0xb8;
	[tilespmem:$0x10100] =	vst v63  }
0x2b4: {  	s26 =	simm.s32 $0x7900  }
0x2b5: {  	[tilespmem:s26], [sflag:$0x1] =	stream.indirect_vreg.gather [hbm4b:s10+s3], $0x80, v3, vm0, $0xb8;
	[tilespmem:$0x10100] =	vst v63  }
0x2b6: {  	s24 =	rddreg [dreg:$0x11]  }
0x2b7: {  	[hbm4b:s24+s3] =	stream.linear.scatter [tilespmem:s11], [sflag:$0x3], $0x8000, $0x38;
	[tilespmem:$0x10100] =	vst v63  }
0x2b8: {  	_ =	swait.ge [sflag:s12], $0x8000  }
0x2b9: {  	[sflag:s12] =	ssyncset.done $0x0  }
0x2ba: {  	[sflag:s12] =	ssyncadd.s32 $0xFFFF8000  }
0x2bb: {  	_ =	swait.ge [sflag:s30], $0x8000  }
0x2bc: {  	[sflag:s30] =	ssyncset.done $0x0  }
0x2bd: {  	[sflag:s30] =	ssyncadd.s32 $0xFFFF8000  }
0x2be: {  	v3 =	vld [tilespmem:$0xF0];
	_ =	sdelay $0x4  }
0x2bf: {  	v63 =	vshll.u32 v3, $0x4  }
0x2c0: {  	v3 =	vand.u32 $0x7, v3;
	v4 =	vand.u32 $0xFFFFFF80, v63  }
0x2c1: {  	v3 =	vor.u32 v3, v4  }
0x2c2: {  	v4 =	vperm.xlane v3, v0;
	_ =	sdelay $0x1  }
0x2c3: {  	v4 =	vadd.s32 v1, v4;
	_ =	sdelay $0x4  }
0x2c4: {  	[tilespmem:s11], [sflag:$0x2] =	stream.indirect_vreg.gather [hbm4b:s2+s3], $0x80, v4, vm0, $0xb8;
	[tilespmem:$0x10100] =	vst v63  }
0x2c5: {  	s25 =	simm.s32 $0x8900  }
0x2c6: {  	[tilespmem:s25], [sflag:$0x2] =	stream.indirect_vreg.gather [hbm4b:s4+s3], $0x80, v4, vm0, $0xb8;
	[tilespmem:$0x10100] =	vst v63  }
0x2c7: {  	s22 =	simm.s32 $0x9100  }
0x2c8: {  	[tilespmem:s22], [sflag:$0x2] =	stream.indirect_vreg.gather [hbm4b:s5+s3], $0x80, v4, vm0, $0xb8;
	[tilespmem:$0x10100] =	vst v63  }
0x2c9: {  	s0 =	simm.s32 $0x9900  }
0x2ca: {  	[tilespmem:s0], [sflag:$0x2] =	stream.indirect_vreg.gather [hbm4b:s6+s3], $0x80, v4, vm0, $0xb8;
	[tilespmem:$0x10100] =	vst v63  }
0x2cb: {  	s24 =	simm.s32 $0xA100  }
0x2cc: {  	[tilespmem:s24], [sflag:$0x2] =	stream.indirect_vreg.gather [hbm4b:s7+s3], $0x80, v4, vm0, $0xb8;
	[tilespmem:$0x10100] =	vst v63  }
0x2cd: {  	v3 =	vperm.xlane v3, v2;
	s25 =	simm.s32 $0xA900  }
0x2ce: {  	[tilespmem:s25], [sflag:$0x2] =	stream.indirect_vreg.gather [hbm4b:s8+s3], $0x80, v4, vm0, $0xb8;
	[tilespmem:$0x10100] =	vst v63  }
0x2cf: {  	s1 =	simm.s32 $0xB100;
	v3 =	vadd.s32 v1, v3  }
0x2d0: {  	[tilespmem:s1], [sflag:$0x2] =	stream.indirect_vreg.gather [hbm4b:s9+s3], $0x80, v4, vm0, $0xb8;
	[tilespmem:$0x10100] =	vst v63  }
0x2d1: {  	s31 =	simm.s32 $0xB900  }
0x2d2: {  	[tilespmem:s31], [sflag:$0x2] =	stream.indirect_vreg.gather [hbm4b:s10+s3], $0x80, v4, vm0, $0xb8;
	[tilespmem:$0x10100] =	vst v63  }
0x2d3: {  	s14 =	simm.s32 $0xC100  }
0x2d4: {  	[tilespmem:s14], [sflag:$0x2] =	stream.indirect_vreg.gather [hbm4b:s2+s3], $0x80, v3, vm0, $0xb8;
	[tilespmem:$0x10100] =	vst v63  }
0x2d5: {  	s15 =	simm.s32 $0xC900  }
0x2d6: {  	[tilespmem:s15], [sflag:$0x2] =	stream.indirect_vreg.gather [hbm4b:s4+s3], $0x80, v3, vm0, $0xb8;
	[tilespmem:$0x10100] =	vst v63  }
0x2d7: {  	s16 =	simm.s32 $0xD100  }
0x2d8: {  	[tilespmem:s16], [sflag:$0x2] =	stream.indirect_vreg.gather [hbm4b:s5+s3], $0x80, v3, vm0, $0xb8;
	[tilespmem:$0x10100] =	vst v63  }
0x2d9: {  	s17 =	simm.s32 $0xD900  }
0x2da: {  	[tilespmem:s17], [sflag:$0x2] =	stream.indirect_vreg.gather [hbm4b:s6+s3], $0x80, v3, vm0, $0xb8;
	[tilespmem:$0x10100] =	vst v63  }
0x2db: {  	s18 =	simm.s32 $0xE100  }
0x2dc: {  	[tilespmem:s18], [sflag:$0x2] =	stream.indirect_vreg.gather [hbm4b:s7+s3], $0x80, v3, vm0, $0xb8;
	[tilespmem:$0x10100] =	vst v63  }
0x2dd: {  	s19 =	simm.s32 $0xE900  }
0x2de: {  	[tilespmem:s19], [sflag:$0x2] =	stream.indirect_vreg.gather [hbm4b:s8+s3], $0x80, v3, vm0, $0xb8;
	[tilespmem:$0x10100] =	vst v63  }
0x2df: {  	s20 =	simm.s32 $0xF100  }
0x2e0: {  	[tilespmem:s20], [sflag:$0x2] =	stream.indirect_vreg.gather [hbm4b:s9+s3], $0x80, v3, vm0, $0xb8;
	[tilespmem:$0x10100] =	vst v63  }
0x2e1: {  	s21 =	simm.s32 $0xF900  }
0x2e2: {  	[tilespmem:s21], [sflag:$0x2] =	stream.indirect_vreg.gather [hbm4b:s10+s3], $0x80, v3, vm0, $0xb8;
	[tilespmem:$0x10100] =	vst v63  }
0x2e3: {  	s26 =	rddreg [dreg:$0x12]  }
0x2e4: {  	[hbm4b:s26+s3] =	stream.linear.scatter [tilespmem:s13], [sflag:$0x3], $0x8000, $0x38;
	[tilespmem:$0x10100] =	vst v63  }
0x2e5: {  	s23 =	rddreg [dreg:$0x14];
	_ =	swait.ge [sflag:s12], $0x8000  }
0x2e6: {  	[sflag:s12] =	ssyncset.done $0x0  }
0x2e7: {  	[sflag:s12] =	ssyncadd.s32 $0xFFFF8000  }
0x2e8: {  	_ =	swait.ge [sflag:s28], $0x8000  }
0x2e9: {  	p0 =	sne.s32 s23, $0x1;
	[sflag:s28] =	ssyncset.done $0x0  }
.Ltmp0:
0x2ea: {  	s31 =	rddreg [dreg:$0x13];
	[sflag:s28] =	ssyncadd.s32 $0xFFFF8000;
	(pc) =	sbr.rel @p0 .LBB2_1-.Ltmp0, $4  }
0x2eb: {  	[hbm4b:s31+s3] =	stream.linear.scatter [tilespmem:s11], [sflag:$0x3], $0x8000, $0x38;
	[tilespmem:$0x10100] =	vst v63  }
0x2ec: {  	_ =	swait.ge [sflag:s12], $0x8000  }
0x2ed: {  	[sflag:s12] =	ssyncset.done $0x0  }
0x2ee: {  	s0 =	sadd.s32 $0xFFFFFFFF, s23;
	[sflag:s12] =	ssyncadd.s32 $0xFFFF8000  }
0x2ef: {  	_ =	sfence.sel $0x180000  }
0x2f0: {  	[bflag:$0x0] =	sbarrier.arrive $0xFFFF  }
0x2f1: {  	_ =	strace $0x9000004A  }
0x2f2: {  	s0 =	stileid.u32;
	[bflag:$0x2] =	sbarrier.arrive $0xFFFF  }
0x2f3: {  	p0 =	sne.s32 s0, $0x0;
	s0 =	rddreg [dreg:$0x2]  }
0x2f4: {  	s0 =	sadd.s32 @!p0 $0x100000, s0  }
0x2f5: {  	[sflag:s0] =	ssyncadd.tile.s32 @!p0 $0x1;
	_ =	shalt  }
.Lfunc_end2:
_tile_overlayer_lowered:
.L_overlay_start_2:
0x2f6: {  	(tag) =	ssettag $0x2  }
0x2f7: {  	s0 =	rddreg [dreg:$0x0];
	s2 =	stileid.u32  }
0x2f8: {  	s1 =	rddreg [dreg:$0x1];
	p0 =	sne.s32 s2, $0x0  }
0x2f9: {  	s3 =	rddreg [dreg:$0x2];
	[bflag:$0x3] =	sbarrier.arrive $0xFFFF;
	s2 =	simm.s32 @!p0 $0x1C03  }
0x2fa: {  	[timem:s3], [sflag:s2] =	dma.local @!p0 [hbm:s0], s1  }
0x2fb: {  	s0 =	simm.s32 @!p0 $0x3  }
0x2fc: {  	_ =	swait.ge @!p0 [sflag:s0], s1  }
0x2fd: {  	s1 =	ssub.s32 @!p0 $0x0, s1;
	[sflag:s0] =	ssyncset.done @!p0 $0x0  }
0x2fe: {  	[sflag:s0] =	ssyncadd.s32 @!p0 s1  }
0x2ff: {  	[bflag:$0x3] =	sbarrier.arrive $0xFFFF  }
0x300: {  	_ =	shalt  }

</sc_bundles>
